<compile_context>
chip_gen: v7x
topology: tpu7x:2x2x1
jax: 0.10.2.dev20260603
libtpu: 0.0.44.dev20260713+nightly
codegen_flags: <defaults>
</compile_context>

<pallas_src>
import jax
import jax.numpy as jnp
from jax import lax
from jax.experimental import pallas as pl
from jax.experimental.pallas import tpu as pltpu
from jax.experimental.pallas import tpu_sc as plsc

NC = 2
NS = 16
NW = NC * NS

BATCH = 4096
SEQ = 200
D = 64
BPW = BATCH // NW
C0, C1 = 104, SEQ - 104
NBUF = 8
CPW = 2 * BPW
G = CPW // NBUF


def _body(x_hbm, table_hbm, out_hbm, idx_v, rows, gsems, ssems):
    wid = lax.axis_index("s") * NC + lax.axis_index("c")
    row0 = wid * BPW
    pltpu.sync_copy(x_hbm.at[pl.ds(row0 * SEQ, BPW * SEQ)], idx_v)

    def fire_gather(j, b):
        r = j // 2
        c0, n = (0, C0) if b % 2 == 0 else (C0, C1)
        return pltpu.async_copy(
            table_hbm.at[idx_v.at[pl.ds(r * SEQ + c0, n)]],
            rows.at[b].at[pl.ds(0, n), :], gsems[b])

    def fire_scatter(j, b):
        r = j // 2
        c0, n = (0, C0) if b % 2 == 0 else (C0, C1)
        pltpu.async_copy(rows.at[b].at[pl.ds(0, n), :],
                         out_hbm.at[row0 + r].at[pl.ds(c0, n), :], ssems[b])

    def wait_scatter(b):
        n = C0 if b % 2 == 0 else C1
        pltpu.make_async_copy(rows.at[b].at[pl.ds(0, n), :],
                              out_hbm.at[0].at[pl.ds(0, n), :], ssems[b]).wait()

    hs = [fire_gather(b, b) for b in range(NBUF)]
    for b in range(NBUF):
        hs[b].wait()
        fire_scatter(b, b)

    def group(t, carry):
        gh = []
        for b in range(NBUF):
            wait_scatter(b)
            gh.append(fire_gather(t * NBUF + b, b))
        for b in range(NBUF):
            gh[b].wait()
            fire_scatter(t * NBUF + b, b)
        return carry

    lax.fori_loop(1, G, group, 0)
    for b in range(NBUF):
        wait_scatter(b)


@jax.jit
def _lookup(x, table):
    mesh = plsc.VectorSubcoreMesh(
        core_axis_name="c", subcore_axis_name="s",
        num_cores=NC, num_subcores=NS)
    f = pl.kernel(
        _body,
        out_type=jax.ShapeDtypeStruct((BATCH, SEQ, D), jnp.float32),
        mesh=mesh,
        scratch_types=[
            pltpu.VMEM((BPW * SEQ,), jnp.int32),
            pltpu.VMEM((NBUF, C0, D), jnp.float32),
            tuple(pltpu.SemaphoreType.DMA for _ in range(NBUF)),
            tuple(pltpu.SemaphoreType.DMA for _ in range(NBUF)),
        ],
        compiler_params=pltpu.CompilerParams(use_tc_tiling_on_sc=False),
    )
    return f(x, table)


def kernel(x, table):
    return _lookup(x.astype(jnp.int32).reshape(-1), table)

# --- scband reference (transcript-rebuilt; emitter-appended) ---
"""Pipeline reference for scband-token-embeddings-33354716020795 (READ-ONLY COPY).

The authoritative reference and input builder live on the scoring server;
editing this copy changes nothing except your own understanding.
"""

import jax, jax.numpy as jnp
import numpy as np

VOCAB_SIZE = 1000000
EMBED_DIM = 64
BATCH = 4096
SEQ = 200


def setup_inputs(seed: int = 0) -> dict:
    key = jax.random.key(seed)
    k_idx, k_tab = jax.random.split(key)
    x = jax.random.randint(k_idx, (BATCH, SEQ), 0, VOCAB_SIZE, dtype=jnp.int64 if jax.config.jax_enable_x64 else jnp.int32)
    # nn.Embedding default init: N(0, 1)
    table = jax.random.normal(k_tab, (VOCAB_SIZE, EMBED_DIM), dtype=jnp.float32)
    return {"x": x, "table": table}


def reference(x, table):
    # TokenEmbeddings.forward: embedding lookup
    return jnp.take(table, x, axis=0)

if __name__ == "__main__":
    import jax
    _d = setup_inputs()
    print(jax.jit(kernel)(*tuple(_d.values())))

</pallas_src>

<mosaic_0001>
#map = affine_map<(d0, d1) -> (0)>
#map1 = affine_map<(d0, d1) -> (0, 0)>
#map2 = affine_map<(d0, d1) -> (0, 0, 0)>
module attributes {stable_mosaic.version = 14 : i64} {
  func.func @_body(%arg0: i32, %arg1: i32, %arg2: memref<819200xi32, #tpu.memory_space<hbm>>, %arg3: memref<1000000x64xf32, #tpu.memory_space<hbm>>, %arg4: memref<4096x200x64xf32, #tpu.memory_space<hbm>>, %arg5: memref<25600xi32, #tpu.memory_space<vmem>>, %arg6: memref<8x104x64xf32, #tpu.memory_space<vmem>>, %arg7: memref<!tpu.dma_semaphore, #tpu.memory_space<semaphore_mem>>, %arg8: memref<!tpu.dma_semaphore, #tpu.memory_space<semaphore_mem>>, %arg9: memref<!tpu.dma_semaphore, #tpu.memory_space<semaphore_mem>>, %arg10: memref<!tpu.dma_semaphore, #tpu.memory_space<semaphore_mem>>, %arg11: memref<!tpu.dma_semaphore, #tpu.memory_space<semaphore_mem>>, %arg12: memref<!tpu.dma_semaphore, #tpu.memory_space<semaphore_mem>>, %arg13: memref<!tpu.dma_semaphore, #tpu.memory_space<semaphore_mem>>, %arg14: memref<!tpu.dma_semaphore, #tpu.memory_space<semaphore_mem>>, %arg15: memref<!tpu.dma_semaphore, #tpu.memory_space<semaphore_mem>>, %arg16: memref<!tpu.dma_semaphore, #tpu.memory_space<semaphore_mem>>, %arg17: memref<!tpu.dma_semaphore, #tpu.memory_space<semaphore_mem>>, %arg18: memref<!tpu.dma_semaphore, #tpu.memory_space<semaphore_mem>>, %arg19: memref<!tpu.dma_semaphore, #tpu.memory_space<semaphore_mem>>, %arg20: memref<!tpu.dma_semaphore, #tpu.memory_space<semaphore_mem>>, %arg21: memref<!tpu.dma_semaphore, #tpu.memory_space<semaphore_mem>>, %arg22: memref<!tpu.dma_semaphore, #tpu.memory_space<semaphore_mem>>) attributes {dimension_semantics = [#tpu.dimension_semantics<core_parallel>, #tpu.dimension_semantics<subcore_parallel>], iteration_bounds = array<i64: 2, 16>, scalar_prefetch = 0 : i64, scratch_operands = 18 : i64, tpu.core_type = #tpu.core_type<sc_vector_subcore>, window_params = [{transform_indices = #map}, {transform_indices = #map1}, {transform_indices = #map2}]} {
    %mul3A = arith.constant 2 : i32
    %mul3A_0 = arith.muli %arg1, %mul3A : i32
    %add3A = arith.addi %mul3A_0, %arg0 : i32
    %mul3A_1 = arith.constant 128 : i32
    %mul3A_2 = arith.muli %add3A, %mul3A_1 : i32
    %mul3A_3 = arith.constant 200 : i32
    %mul3A_4 = arith.muli %mul3A_2, %mul3A_3 : i32
    "tpu.region"() ({
      %run_scoped3A = tpu.sem_alloc : memref<!tpu.dma_semaphore, #tpu.memory_space<semaphore_mem>>
      %dma_start3A_704 = tpu.memref_slice %arg2[%mul3A_4] : memref<819200xi32, #tpu.memory_space<hbm>> -> memref<25600xi32, #tpu.memory_space<hbm>>
      %dma_start3A_705 = tpu.memref_slice %arg2[%mul3A_4] : memref<819200xi32, #tpu.memory_space<hbm>> -> memref<25600xi32, #tpu.memory_space<hbm>>
      tpu.enqueue_dma source(%dma_start3A_705 : memref<25600xi32, #tpu.memory_space<hbm>>) target(%arg5 : memref<25600xi32, #tpu.memory_space<vmem>>) target_semaphore(%run_scoped3A : memref<!tpu.dma_semaphore, #tpu.memory_space<semaphore_mem>>)
      %dma_wait3A_706 = tpu.memref_slice %arg2[%mul3A_4] : memref<819200xi32, #tpu.memory_space<hbm>> -> memref<25600xi32, #tpu.memory_space<hbm>>
      %dma_wait3A_707 = tpu.memref_slice %arg2[%mul3A_4] : memref<819200xi32, #tpu.memory_space<hbm>> -> memref<25600xi32, #tpu.memory_space<hbm>>
      tpu.wait_dma2 semaphore(%run_scoped3A : memref<!tpu.dma_semaphore, #tpu.memory_space<semaphore_mem>>) src(%dma_wait3A_707 : memref<25600xi32, #tpu.memory_space<hbm>>) dst(%arg5 : memref<25600xi32, #tpu.memory_space<vmem>>)
      tpu.yield
    }) : () -> ()
    %dma_start3A = arith.constant 0 : i32
    %dma_start3A_5 = arith.constant 0 : i32
    %dma_start3A_6 = arith.constant 0 : i32
    %dma_start3A_7 = tpu.memref_slice %arg6[%dma_start3A, %dma_start3A_5, %dma_start3A_6] : memref<8x104x64xf32, #tpu.memory_space<vmem>> -> memref<1x104x64xf32, #tpu.memory_space<vmem>>
    %dma_start3A_8 = tpu.memref_squeeze %dma_start3A_7 : memref<1x104x64xf32, #tpu.memory_space<vmem>> -> memref<104x64xf32, #tpu.memory_space<vmem>>
    %dma_start3A_9 = arith.constant 0 : i32
    %dma_start3A_10 = arith.constant 0 : i32
    %dma_start3A_11 = tpu.memref_slice %dma_start3A_8[%dma_start3A_9, %dma_start3A_10] : memref<104x64xf32, #tpu.memory_space<vmem>> -> memref<104x64xf32, #tpu.memory_space<vmem>>
    %dma_start3A_12 = arith.constant 0 : i32
    %dma_start3A_13 = tpu.memref_slice %arg5[%dma_start3A_12] : memref<25600xi32, #tpu.memory_space<vmem>> -> memref<104xi32, #tpu.memory_space<vmem>>
    %dma_start3A_14 = arith.constant 0 : i32
    %dma_start3A_15 = arith.constant 0 : i32
    %dma_start3A_16 = tpu.memref_slice %arg3[%dma_start3A_14, %dma_start3A_15] : memref<1000000x64xf32, #tpu.memory_space<hbm>> -> memref<1000000x64xf32, #tpu.memory_space<hbm>>
    tpu.enqueue_indirect_dma source(%dma_start3A_16 : memref<1000000x64xf32, #tpu.memory_space<hbm>>) target(%dma_start3A_11 : memref<104x64xf32, #tpu.memory_space<vmem>>) offsets(%dma_start3A_13 : memref<104xi32, #tpu.memory_space<vmem>>) semaphore(%arg7 : memref<!tpu.dma_semaphore, #tpu.memory_space<semaphore_mem>>)
    %dma_start3A_17 = arith.constant 1 : i32
    %dma_start3A_18 = arith.constant 0 : i32
    %dma_start3A_19 = arith.constant 0 : i32
    %dma_start3A_20 = tpu.memref_slice %arg6[%dma_start3A_17, %dma_start3A_18, %dma_start3A_19] : memref<8x104x64xf32, #tpu.memory_space<vmem>> -> memref<1x104x64xf32, #tpu.memory_space<vmem>>
    %dma_start3A_21 = tpu.memref_squeeze %dma_start3A_20 : memref<1x104x64xf32, #tpu.memory_space<vmem>> -> memref<104x64xf32, #tpu.memory_space<vmem>>
    %dma_start3A_22 = arith.constant 0 : i32
    %dma_start3A_23 = arith.constant 0 : i32
    %dma_start3A_24 = tpu.memref_slice %dma_start3A_21[%dma_start3A_22, %dma_start3A_23] : memref<104x64xf32, #tpu.memory_space<vmem>> -> memref<96x64xf32, #tpu.memory_space<vmem>>
    %dma_start3A_25 = arith.constant 104 : i32
    %dma_start3A_26 = tpu.memref_slice %arg5[%dma_start3A_25] : memref<25600xi32, #tpu.memory_space<vmem>> -> memref<96xi32, #tpu.memory_space<vmem>>
    %dma_start3A_27 = arith.constant 0 : i32
    %dma_start3A_28 = arith.constant 0 : i32
    %dma_start3A_29 = tpu.memref_slice %arg3[%dma_start3A_27, %dma_start3A_28] : memref<1000000x64xf32, #tpu.memory_space<hbm>> -> memref<1000000x64xf32, #tpu.memory_space<hbm>>
    tpu.enqueue_indirect_dma source(%dma_start3A_29 : memref<1000000x64xf32, #tpu.memory_space<hbm>>) target(%dma_start3A_24 : memref<96x64xf32, #tpu.memory_space<vmem>>) offsets(%dma_start3A_26 : memref<96xi32, #tpu.memory_space<vmem>>) semaphore(%arg8 : memref<!tpu.dma_semaphore, #tpu.memory_space<semaphore_mem>>)
    %dma_start3A_30 = arith.constant 2 : i32
    %dma_start3A_31 = arith.constant 0 : i32
    %dma_start3A_32 = arith.constant 0 : i32
    %dma_start3A_33 = tpu.memref_slice %arg6[%dma_start3A_30, %dma_start3A_31, %dma_start3A_32] : memref<8x104x64xf32, #tpu.memory_space<vmem>> -> memref<1x104x64xf32, #tpu.memory_space<vmem>>
    %dma_start3A_34 = tpu.memref_squeeze %dma_start3A_33 : memref<1x104x64xf32, #tpu.memory_space<vmem>> -> memref<104x64xf32, #tpu.memory_space<vmem>>
    %dma_start3A_35 = arith.constant 0 : i32
    %dma_start3A_36 = arith.constant 0 : i32
    %dma_start3A_37 = tpu.memref_slice %dma_start3A_34[%dma_start3A_35, %dma_start3A_36] : memref<104x64xf32, #tpu.memory_space<vmem>> -> memref<104x64xf32, #tpu.memory_space<vmem>>
    %dma_start3A_38 = arith.constant 200 : i32
    %dma_start3A_39 = tpu.memref_slice %arg5[%dma_start3A_38] : memref<25600xi32, #tpu.memory_space<vmem>> -> memref<104xi32, #tpu.memory_space<vmem>>
    %dma_start3A_40 = arith.constant 0 : i32
    %dma_start3A_41 = arith.constant 0 : i32
    %dma_start3A_42 = tpu.memref_slice %arg3[%dma_start3A_40, %dma_start3A_41] : memref<1000000x64xf32, #tpu.memory_space<hbm>> -> memref<1000000x64xf32, #tpu.memory_space<hbm>>
    tpu.enqueue_indirect_dma source(%dma_start3A_42 : memref<1000000x64xf32, #tpu.memory_space<hbm>>) target(%dma_start3A_37 : memref<104x64xf32, #tpu.memory_space<vmem>>) offsets(%dma_start3A_39 : memref<104xi32, #tpu.memory_space<vmem>>) semaphore(%arg9 : memref<!tpu.dma_semaphore, #tpu.memory_space<semaphore_mem>>)
    %dma_start3A_43 = arith.constant 3 : i32
    %dma_start3A_44 = arith.constant 0 : i32
    %dma_start3A_45 = arith.constant 0 : i32
    %dma_start3A_46 = tpu.memref_slice %arg6[%dma_start3A_43, %dma_start3A_44, %dma_start3A_45] : memref<8x104x64xf32, #tpu.memory_space<vmem>> -> memref<1x104x64xf32, #tpu.memory_space<vmem>>
    %dma_start3A_47 = tpu.memref_squeeze %dma_start3A_46 : memref<1x104x64xf32, #tpu.memory_space<vmem>> -> memref<104x64xf32, #tpu.memory_space<vmem>>
    %dma_start3A_48 = arith.constant 0 : i32
    %dma_start3A_49 = arith.constant 0 : i32
    %dma_start3A_50 = tpu.memref_slice %dma_start3A_47[%dma_start3A_48, %dma_start3A_49] : memref<104x64xf32, #tpu.memory_space<vmem>> -> memref<96x64xf32, #tpu.memory_space<vmem>>
    %dma_start3A_51 = arith.constant 304 : i32
    %dma_start3A_52 = tpu.memref_slice %arg5[%dma_start3A_51] : memref<25600xi32, #tpu.memory_space<vmem>> -> memref<96xi32, #tpu.memory_space<vmem>>
    %dma_start3A_53 = arith.constant 0 : i32
    %dma_start3A_54 = arith.constant 0 : i32
    %dma_start3A_55 = tpu.memref_slice %arg3[%dma_start3A_53, %dma_start3A_54] : memref<1000000x64xf32, #tpu.memory_space<hbm>> -> memref<1000000x64xf32, #tpu.memory_space<hbm>>
    tpu.enqueue_indirect_dma source(%dma_start3A_55 : memref<1000000x64xf32, #tpu.memory_space<hbm>>) target(%dma_start3A_50 : memref<96x64xf32, #tpu.memory_space<vmem>>) offsets(%dma_start3A_52 : memref<96xi32, #tpu.memory_space<vmem>>) semaphore(%arg10 : memref<!tpu.dma_semaphore, #tpu.memory_space<semaphore_mem>>)
    %dma_start3A_56 = arith.constant 4 : i32
    %dma_start3A_57 = arith.constant 0 : i32
    %dma_start3A_58 = arith.constant 0 : i32
    %dma_start3A_59 = tpu.memref_slice %arg6[%dma_start3A_56, %dma_start3A_57, %dma_start3A_58] : memref<8x104x64xf32, #tpu.memory_space<vmem>> -> memref<1x104x64xf32, #tpu.memory_space<vmem>>
    %dma_start3A_60 = tpu.memref_squeeze %dma_start3A_59 : memref<1x104x64xf32, #tpu.memory_space<vmem>> -> memref<104x64xf32, #tpu.memory_space<vmem>>
    %dma_start3A_61 = arith.constant 0 : i32
    %dma_start3A_62 = arith.constant 0 : i32
    %dma_start3A_63 = tpu.memref_slice %dma_start3A_60[%dma_start3A_61, %dma_start3A_62] : memref<104x64xf32, #tpu.memory_space<vmem>> -> memref<104x64xf32, #tpu.memory_space<vmem>>
    %dma_start3A_64 = arith.constant 400 : i32
    %dma_start3A_65 = tpu.memref_slice %arg5[%dma_start3A_64] : memref<25600xi32, #tpu.memory_space<vmem>> -> memref<104xi32, #tpu.memory_space<vmem>>
    %dma_start3A_66 = arith.constant 0 : i32
    %dma_start3A_67 = arith.constant 0 : i32
    %dma_start3A_68 = tpu.memref_slice %arg3[%dma_start3A_66, %dma_start3A_67] : memref<1000000x64xf32, #tpu.memory_space<hbm>> -> memref<1000000x64xf32, #tpu.memory_space<hbm>>
    tpu.enqueue_indirect_dma source(%dma_start3A_68 : memref<1000000x64xf32, #tpu.memory_space<hbm>>) target(%dma_start3A_63 : memref<104x64xf32, #tpu.memory_space<vmem>>) offsets(%dma_start3A_65 : memref<104xi32, #tpu.memory_space<vmem>>) semaphore(%arg11 : memref<!tpu.dma_semaphore, #tpu.memory_space<semaphore_mem>>)
    %dma_start3A_69 = arith.constant 5 : i32
    %dma_start3A_70 = arith.constant 0 : i32
    %dma_start3A_71 = arith.constant 0 : i32
    %dma_start3A_72 = tpu.memref_slice %arg6[%dma_start3A_69, %dma_start3A_70, %dma_start3A_71] : memref<8x104x64xf32, #tpu.memory_space<vmem>> -> memref<1x104x64xf32, #tpu.memory_space<vmem>>
    %dma_start3A_73 = tpu.memref_squeeze %dma_start3A_72 : memref<1x104x64xf32, #tpu.memory_space<vmem>> -> memref<104x64xf32, #tpu.memory_space<vmem>>
    %dma_start3A_74 = arith.constant 0 : i32
    %dma_start3A_75 = arith.constant 0 : i32
    %dma_start3A_76 = tpu.memref_slice %dma_start3A_73[%dma_start3A_74, %dma_start3A_75] : memref<104x64xf32, #tpu.memory_space<vmem>> -> memref<96x64xf32, #tpu.memory_space<vmem>>
    %dma_start3A_77 = arith.constant 504 : i32
    %dma_start3A_78 = tpu.memref_slice %arg5[%dma_start3A_77] : memref<25600xi32, #tpu.memory_space<vmem>> -> memref<96xi32, #tpu.memory_space<vmem>>
    %dma_start3A_79 = arith.constant 0 : i32
    %dma_start3A_80 = arith.constant 0 : i32
    %dma_start3A_81 = tpu.memref_slice %arg3[%dma_start3A_79, %dma_start3A_80] : memref<1000000x64xf32, #tpu.memory_space<hbm>> -> memref<1000000x64xf32, #tpu.memory_space<hbm>>
    tpu.enqueue_indirect_dma source(%dma_start3A_81 : memref<1000000x64xf32, #tpu.memory_space<hbm>>) target(%dma_start3A_76 : memref<96x64xf32, #tpu.memory_space<vmem>>) offsets(%dma_start3A_78 : memref<96xi32, #tpu.memory_space<vmem>>) semaphore(%arg12 : memref<!tpu.dma_semaphore, #tpu.memory_space<semaphore_mem>>)
    %dma_start3A_82 = arith.constant 6 : i32
    %dma_start3A_83 = arith.constant 0 : i32
    %dma_start3A_84 = arith.constant 0 : i32
    %dma_start3A_85 = tpu.memref_slice %arg6[%dma_start3A_82, %dma_start3A_83, %dma_start3A_84] : memref<8x104x64xf32, #tpu.memory_space<vmem>> -> memref<1x104x64xf32, #tpu.memory_space<vmem>>
    %dma_start3A_86 = tpu.memref_squeeze %dma_start3A_85 : memref<1x104x64xf32, #tpu.memory_space<vmem>> -> memref<104x64xf32, #tpu.memory_space<vmem>>
    %dma_start3A_87 = arith.constant 0 : i32
    %dma_start3A_88 = arith.constant 0 : i32
    %dma_start3A_89 = tpu.memref_slice %dma_start3A_86[%dma_start3A_87, %dma_start3A_88] : memref<104x64xf32, #tpu.memory_space<vmem>> -> memref<104x64xf32, #tpu.memory_space<vmem>>
    %dma_start3A_90 = arith.constant 600 : i32
    %dma_start3A_91 = tpu.memref_slice %arg5[%dma_start3A_90] : memref<25600xi32, #tpu.memory_space<vmem>> -> memref<104xi32, #tpu.memory_space<vmem>>
    %dma_start3A_92 = arith.constant 0 : i32
    %dma_start3A_93 = arith.constant 0 : i32
    %dma_start3A_94 = tpu.memref_slice %arg3[%dma_start3A_92, %dma_start3A_93] : memref<1000000x64xf32, #tpu.memory_space<hbm>> -> memref<1000000x64xf32, #tpu.memory_space<hbm>>
    tpu.enqueue_indirect_dma source(%dma_start3A_94 : memref<1000000x64xf32, #tpu.memory_space<hbm>>) target(%dma_start3A_89 : memref<104x64xf32, #tpu.memory_space<vmem>>) offsets(%dma_start3A_91 : memref<104xi32, #tpu.memory_space<vmem>>) semaphore(%arg13 : memref<!tpu.dma_semaphore, #tpu.memory_space<semaphore_mem>>)
    %dma_start3A_95 = arith.constant 7 : i32
    %dma_start3A_96 = arith.constant 0 : i32
    %dma_start3A_97 = arith.constant 0 : i32
    %dma_start3A_98 = tpu.memref_slice %arg6[%dma_start3A_95, %dma_start3A_96, %dma_start3A_97] : memref<8x104x64xf32, #tpu.memory_space<vmem>> -> memref<1x104x64xf32, #tpu.memory_space<vmem>>
    %dma_start3A_99 = tpu.memref_squeeze %dma_start3A_98 : memref<1x104x64xf32, #tpu.memory_space<vmem>> -> memref<104x64xf32, #tpu.memory_space<vmem>>
    %dma_start3A_100 = arith.constant 0 : i32
    %dma_start3A_101 = arith.constant 0 : i32
    %dma_start3A_102 = tpu.memref_slice %dma_start3A_99[%dma_start3A_100, %dma_start3A_101] : memref<104x64xf32, #tpu.memory_space<vmem>> -> memref<96x64xf32, #tpu.memory_space<vmem>>
    %dma_start3A_103 = arith.constant 704 : i32
    %dma_start3A_104 = tpu.memref_slice %arg5[%dma_start3A_103] : memref<25600xi32, #tpu.memory_space<vmem>> -> memref<96xi32, #tpu.memory_space<vmem>>
    %dma_start3A_105 = arith.constant 0 : i32
    %dma_start3A_106 = arith.constant 0 : i32
    %dma_start3A_107 = tpu.memref_slice %arg3[%dma_start3A_105, %dma_start3A_106] : memref<1000000x64xf32, #tpu.memory_space<hbm>> -> memref<1000000x64xf32, #tpu.memory_space<hbm>>
    tpu.enqueue_indirect_dma source(%dma_start3A_107 : memref<1000000x64xf32, #tpu.memory_space<hbm>>) target(%dma_start3A_102 : memref<96x64xf32, #tpu.memory_space<vmem>>) offsets(%dma_start3A_104 : memref<96xi32, #tpu.memory_space<vmem>>) semaphore(%arg14 : memref<!tpu.dma_semaphore, #tpu.memory_space<semaphore_mem>>)
    %dma_wait3A = arith.constant 0 : i32
    %dma_wait3A_108 = arith.constant 0 : i32
    %dma_wait3A_109 = arith.constant 0 : i32
    %dma_wait3A_110 = tpu.memref_slice %arg6[%dma_wait3A, %dma_wait3A_108, %dma_wait3A_109] : memref<8x104x64xf32, #tpu.memory_space<vmem>> -> memref<1x104x64xf32, #tpu.memory_space<vmem>>
    %dma_wait3A_111 = tpu.memref_squeeze %dma_wait3A_110 : memref<1x104x64xf32, #tpu.memory_space<vmem>> -> memref<104x64xf32, #tpu.memory_space<vmem>>
    %dma_wait3A_112 = arith.constant 0 : i32
    %dma_wait3A_113 = arith.constant 0 : i32
    %dma_wait3A_114 = tpu.memref_slice %dma_wait3A_111[%dma_wait3A_112, %dma_wait3A_113] : memref<104x64xf32, #tpu.memory_space<vmem>> -> memref<104x64xf32, #tpu.memory_space<vmem>>
    %dma_wait3A_115 = arith.constant 0 : i32
    %dma_wait3A_116 = tpu.memref_slice %arg5[%dma_wait3A_115] : memref<25600xi32, #tpu.memory_space<vmem>> -> memref<104xi32, #tpu.memory_space<vmem>>
    %dma_wait3A_117 = arith.constant 0 : i32
    %dma_wait3A_118 = arith.constant 0 : i32
    %dma_wait3A_119 = tpu.memref_slice %arg3[%dma_wait3A_117, %dma_wait3A_118] : memref<1000000x64xf32, #tpu.memory_space<hbm>> -> memref<1000000x64xf32, #tpu.memory_space<hbm>>
    tpu.wait_indirect_dma semaphore(%arg7 : memref<!tpu.dma_semaphore, #tpu.memory_space<semaphore_mem>>) src(%dma_wait3A_119 : memref<1000000x64xf32, #tpu.memory_space<hbm>>) dst(%dma_wait3A_114 : memref<104x64xf32, #tpu.memory_space<vmem>>)
    %add3A_120 = arith.constant 0 : i32
    %add3A_121 = arith.addi %mul3A_2, %add3A_120 : i32
    %dma_start3A_122 = arith.constant 0 : i32
    %dma_start3A_123 = arith.constant 0 : i32
    %dma_start3A_124 = arith.constant 0 : i32
    %dma_start3A_125 = tpu.memref_slice %arg6[%dma_start3A_122, %dma_start3A_123, %dma_start3A_124] : memref<8x104x64xf32, #tpu.memory_space<vmem>> -> memref<1x104x64xf32, #tpu.memory_space<vmem>>
    %dma_start3A_126 = tpu.memref_squeeze %dma_start3A_125 : memref<1x104x64xf32, #tpu.memory_space<vmem>> -> memref<104x64xf32, #tpu.memory_space<vmem>>
    %dma_start3A_127 = arith.constant 0 : i32
    %dma_start3A_128 = arith.constant 0 : i32
    %dma_start3A_129 = tpu.memref_slice %dma_start3A_126[%dma_start3A_127, %dma_start3A_128] : memref<104x64xf32, #tpu.memory_space<vmem>> -> memref<104x64xf32, #tpu.memory_space<vmem>>
    %dma_start3A_130 = arith.constant 0 : i32
    %dma_start3A_131 = arith.constant 0 : i32
    %dma_start3A_132 = tpu.memref_slice %arg4[%add3A_121, %dma_start3A_130, %dma_start3A_131] : memref<4096x200x64xf32, #tpu.memory_space<hbm>> -> memref<1x200x64xf32, #tpu.memory_space<hbm>>
    %dma_start3A_133 = tpu.memref_squeeze %dma_start3A_132 : memref<1x200x64xf32, #tpu.memory_space<hbm>> -> memref<200x64xf32, #tpu.memory_space<hbm>>
    %dma_start3A_134 = arith.constant 0 : i32
    %dma_start3A_135 = arith.constant 0 : i32
    %dma_start3A_136 = tpu.memref_slice %dma_start3A_133[%dma_start3A_134, %dma_start3A_135] : memref<200x64xf32, #tpu.memory_space<hbm>> -> memref<104x64xf32, #tpu.memory_space<hbm>>
    %dma_start3A_137 = arith.constant 0 : i32
    %dma_start3A_138 = arith.constant 0 : i32
    %dma_start3A_139 = tpu.memref_slice %arg4[%add3A_121, %dma_start3A_137, %dma_start3A_138] : memref<4096x200x64xf32, #tpu.memory_space<hbm>> -> memref<1x200x64xf32, #tpu.memory_space<hbm>>
    %dma_start3A_140 = tpu.memref_squeeze %dma_start3A_139 : memref<1x200x64xf32, #tpu.memory_space<hbm>> -> memref<200x64xf32, #tpu.memory_space<hbm>>
    %dma_start3A_141 = arith.constant 0 : i32
    %dma_start3A_142 = arith.constant 0 : i32
    %dma_start3A_143 = tpu.memref_slice %dma_start3A_140[%dma_start3A_141, %dma_start3A_142] : memref<200x64xf32, #tpu.memory_space<hbm>> -> memref<104x64xf32, #tpu.memory_space<hbm>>
    %dma_start3A_144 = arith.constant 0 : i32
    %dma_start3A_145 = arith.constant 0 : i32
    %dma_start3A_146 = tpu.memref_slice %arg6[%dma_start3A_122, %dma_start3A_144, %dma_start3A_145] : memref<8x104x64xf32, #tpu.memory_space<vmem>> -> memref<1x104x64xf32, #tpu.memory_space<vmem>>
    %dma_start3A_147 = tpu.memref_squeeze %dma_start3A_146 : memref<1x104x64xf32, #tpu.memory_space<vmem>> -> memref<104x64xf32, #tpu.memory_space<vmem>>
    %dma_start3A_148 = arith.constant 0 : i32
    %dma_start3A_149 = arith.constant 0 : i32
    %dma_start3A_150 = tpu.memref_slice %dma_start3A_147[%dma_start3A_148, %dma_start3A_149] : memref<104x64xf32, #tpu.memory_space<vmem>> -> memref<104x64xf32, #tpu.memory_space<vmem>>
    tpu.enqueue_dma source(%dma_start3A_150 : memref<104x64xf32, #tpu.memory_space<vmem>>) target(%dma_start3A_143 : memref<104x64xf32, #tpu.memory_space<hbm>>) target_semaphore(%arg15 : memref<!tpu.dma_semaphore, #tpu.memory_space<semaphore_mem>>)
    %dma_wait3A_151 = arith.constant 1 : i32
    %dma_wait3A_152 = arith.constant 0 : i32
    %dma_wait3A_153 = arith.constant 0 : i32
    %dma_wait3A_154 = tpu.memref_slice %arg6[%dma_wait3A_151, %dma_wait3A_152, %dma_wait3A_153] : memref<8x104x64xf32, #tpu.memory_space<vmem>> -> memref<1x104x64xf32, #tpu.memory_space<vmem>>
    %dma_wait3A_155 = tpu.memref_squeeze %dma_wait3A_154 : memref<1x104x64xf32, #tpu.memory_space<vmem>> -> memref<104x64xf32, #tpu.memory_space<vmem>>
    %dma_wait3A_156 = arith.constant 0 : i32
    %dma_wait3A_157 = arith.constant 0 : i32
    %dma_wait3A_158 = tpu.memref_slice %dma_wait3A_155[%dma_wait3A_156, %dma_wait3A_157] : memref<104x64xf32, #tpu.memory_space<vmem>> -> memref<96x64xf32, #tpu.memory_space<vmem>>
    %dma_wait3A_159 = arith.constant 104 : i32
    %dma_wait3A_160 = tpu.memref_slice %arg5[%dma_wait3A_159] : memref<25600xi32, #tpu.memory_space<vmem>> -> memref<96xi32, #tpu.memory_space<vmem>>
    %dma_wait3A_161 = arith.constant 0 : i32
    %dma_wait3A_162 = arith.constant 0 : i32
    %dma_wait3A_163 = tpu.memref_slice %arg3[%dma_wait3A_161, %dma_wait3A_162] : memref<1000000x64xf32, #tpu.memory_space<hbm>> -> memref<1000000x64xf32, #tpu.memory_space<hbm>>
    tpu.wait_indirect_dma semaphore(%arg8 : memref<!tpu.dma_semaphore, #tpu.memory_space<semaphore_mem>>) src(%dma_wait3A_163 : memref<1000000x64xf32, #tpu.memory_space<hbm>>) dst(%dma_wait3A_158 : memref<96x64xf32, #tpu.memory_space<vmem>>)
    %add3A_164 = arith.constant 0 : i32
    %add3A_165 = arith.addi %mul3A_2, %add3A_164 : i32
    %dma_start3A_166 = arith.constant 1 : i32
    %dma_start3A_167 = arith.constant 0 : i32
    %dma_start3A_168 = arith.constant 0 : i32
    %dma_start3A_169 = tpu.memref_slice %arg6[%dma_start3A_166, %dma_start3A_167, %dma_start3A_168] : memref<8x104x64xf32, #tpu.memory_space<vmem>> -> memref<1x104x64xf32, #tpu.memory_space<vmem>>
    %dma_start3A_170 = tpu.memref_squeeze %dma_start3A_169 : memref<1x104x64xf32, #tpu.memory_space<vmem>> -> memref<104x64xf32, #tpu.memory_space<vmem>>
    %dma_start3A_171 = arith.constant 0 : i32
    %dma_start3A_172 = arith.constant 0 : i32
    %dma_start3A_173 = tpu.memref_slice %dma_start3A_170[%dma_start3A_171, %dma_start3A_172] : memref<104x64xf32, #tpu.memory_space<vmem>> -> memref<96x64xf32, #tpu.memory_space<vmem>>
    %dma_start3A_174 = arith.constant 0 : i32
    %dma_start3A_175 = arith.constant 0 : i32
    %dma_start3A_176 = tpu.memref_slice %arg4[%add3A_165, %dma_start3A_174, %dma_start3A_175] : memref<4096x200x64xf32, #tpu.memory_space<hbm>> -> memref<1x200x64xf32, #tpu.memory_space<hbm>>
    %dma_start3A_177 = tpu.memref_squeeze %dma_start3A_176 : memref<1x200x64xf32, #tpu.memory_space<hbm>> -> memref<200x64xf32, #tpu.memory_space<hbm>>
    %dma_start3A_178 = arith.constant 104 : i32
    %dma_start3A_179 = arith.constant 0 : i32
    %dma_start3A_180 = tpu.memref_slice %dma_start3A_177[%dma_start3A_178, %dma_start3A_179] : memref<200x64xf32, #tpu.memory_space<hbm>> -> memref<96x64xf32, #tpu.memory_space<hbm>>
    %dma_start3A_181 = arith.constant 0 : i32
    %dma_start3A_182 = arith.constant 0 : i32
    %dma_start3A_183 = tpu.memref_slice %arg4[%add3A_165, %dma_start3A_181, %dma_start3A_182] : memref<4096x200x64xf32, #tpu.memory_space<hbm>> -> memref<1x200x64xf32, #tpu.memory_space<hbm>>
    %dma_start3A_184 = tpu.memref_squeeze %dma_start3A_183 : memref<1x200x64xf32, #tpu.memory_space<hbm>> -> memref<200x64xf32, #tpu.memory_space<hbm>>
    %dma_start3A_185 = arith.constant 104 : i32
    %dma_start3A_186 = arith.constant 0 : i32
    %dma_start3A_187 = tpu.memref_slice %dma_start3A_184[%dma_start3A_185, %dma_start3A_186] : memref<200x64xf32, #tpu.memory_space<hbm>> -> memref<96x64xf32, #tpu.memory_space<hbm>>
    %dma_start3A_188 = arith.constant 0 : i32
    %dma_start3A_189 = arith.constant 0 : i32
    %dma_start3A_190 = tpu.memref_slice %arg6[%dma_start3A_166, %dma_start3A_188, %dma_start3A_189] : memref<8x104x64xf32, #tpu.memory_space<vmem>> -> memref<1x104x64xf32, #tpu.memory_space<vmem>>
    %dma_start3A_191 = tpu.memref_squeeze %dma_start3A_190 : memref<1x104x64xf32, #tpu.memory_space<vmem>> -> memref<104x64xf32, #tpu.memory_space<vmem>>
    %dma_start3A_192 = arith.constant 0 : i32
    %dma_start3A_193 = arith.constant 0 : i32
    %dma_start3A_194 = tpu.memref_slice %dma_start3A_191[%dma_start3A_192, %dma_start3A_193] : memref<104x64xf32, #tpu.memory_space<vmem>> -> memref<96x64xf32, #tpu.memory_space<vmem>>
    tpu.enqueue_dma source(%dma_start3A_194 : memref<96x64xf32, #tpu.memory_space<vmem>>) target(%dma_start3A_187 : memref<96x64xf32, #tpu.memory_space<hbm>>) target_semaphore(%arg16 : memref<!tpu.dma_semaphore, #tpu.memory_space<semaphore_mem>>)
    %dma_wait3A_195 = arith.constant 2 : i32
    %dma_wait3A_196 = arith.constant 0 : i32
    %dma_wait3A_197 = arith.constant 0 : i32
    %dma_wait3A_198 = tpu.memref_slice %arg6[%dma_wait3A_195, %dma_wait3A_196, %dma_wait3A_197] : memref<8x104x64xf32, #tpu.memory_space<vmem>> -> memref<1x104x64xf32, #tpu.memory_space<vmem>>
    %dma_wait3A_199 = tpu.memref_squeeze %dma_wait3A_198 : memref<1x104x64xf32, #tpu.memory_space<vmem>> -> memref<104x64xf32, #tpu.memory_space<vmem>>
    %dma_wait3A_200 = arith.constant 0 : i32
    %dma_wait3A_201 = arith.constant 0 : i32
    %dma_wait3A_202 = tpu.memref_slice %dma_wait3A_199[%dma_wait3A_200, %dma_wait3A_201] : memref<104x64xf32, #tpu.memory_space<vmem>> -> memref<104x64xf32, #tpu.memory_space<vmem>>
    %dma_wait3A_203 = arith.constant 200 : i32
    %dma_wait3A_204 = tpu.memref_slice %arg5[%dma_wait3A_203] : memref<25600xi32, #tpu.memory_space<vmem>> -> memref<104xi32, #tpu.memory_space<vmem>>
    %dma_wait3A_205 = arith.constant 0 : i32
    %dma_wait3A_206 = arith.constant 0 : i32
    %dma_wait3A_207 = tpu.memref_slice %arg3[%dma_wait3A_205, %dma_wait3A_206] : memref<1000000x64xf32, #tpu.memory_space<hbm>> -> memref<1000000x64xf32, #tpu.memory_space<hbm>>
    tpu.wait_indirect_dma semaphore(%arg9 : memref<!tpu.dma_semaphore, #tpu.memory_space<semaphore_mem>>) src(%dma_wait3A_207 : memref<1000000x64xf32, #tpu.memory_space<hbm>>) dst(%dma_wait3A_202 : memref<104x64xf32, #tpu.memory_space<vmem>>)
    %add3A_208 = arith.constant 1 : i32
    %add3A_209 = arith.addi %mul3A_2, %add3A_208 : i32
    %dma_start3A_210 = arith.constant 2 : i32
    %dma_start3A_211 = arith.constant 0 : i32
    %dma_start3A_212 = arith.constant 0 : i32
    %dma_start3A_213 = tpu.memref_slice %arg6[%dma_start3A_210, %dma_start3A_211, %dma_start3A_212] : memref<8x104x64xf32, #tpu.memory_space<vmem>> -> memref<1x104x64xf32, #tpu.memory_space<vmem>>
    %dma_start3A_214 = tpu.memref_squeeze %dma_start3A_213 : memref<1x104x64xf32, #tpu.memory_space<vmem>> -> memref<104x64xf32, #tpu.memory_space<vmem>>
    %dma_start3A_215 = arith.constant 0 : i32
    %dma_start3A_216 = arith.constant 0 : i32
    %dma_start3A_217 = tpu.memref_slice %dma_start3A_214[%dma_start3A_215, %dma_start3A_216] : memref<104x64xf32, #tpu.memory_space<vmem>> -> memref<104x64xf32, #tpu.memory_space<vmem>>
    %dma_start3A_218 = arith.constant 0 : i32
    %dma_start3A_219 = arith.constant 0 : i32
    %dma_start3A_220 = tpu.memref_slice %arg4[%add3A_209, %dma_start3A_218, %dma_start3A_219] : memref<4096x200x64xf32, #tpu.memory_space<hbm>> -> memref<1x200x64xf32, #tpu.memory_space<hbm>>
    %dma_start3A_221 = tpu.memref_squeeze %dma_start3A_220 : memref<1x200x64xf32, #tpu.memory_space<hbm>> -> memref<200x64xf32, #tpu.memory_space<hbm>>
    %dma_start3A_222 = arith.constant 0 : i32
    %dma_start3A_223 = arith.constant 0 : i32
    %dma_start3A_224 = tpu.memref_slice %dma_start3A_221[%dma_start3A_222, %dma_start3A_223] : memref<200x64xf32, #tpu.memory_space<hbm>> -> memref<104x64xf32, #tpu.memory_space<hbm>>
    %dma_start3A_225 = arith.constant 0 : i32
    %dma_start3A_226 = arith.constant 0 : i32
    %dma_start3A_227 = tpu.memref_slice %arg4[%add3A_209, %dma_start3A_225, %dma_start3A_226] : memref<4096x200x64xf32, #tpu.memory_space<hbm>> -> memref<1x200x64xf32, #tpu.memory_space<hbm>>
    %dma_start3A_228 = tpu.memref_squeeze %dma_start3A_227 : memref<1x200x64xf32, #tpu.memory_space<hbm>> -> memref<200x64xf32, #tpu.memory_space<hbm>>
    %dma_start3A_229 = arith.constant 0 : i32
    %dma_start3A_230 = arith.constant 0 : i32
    %dma_start3A_231 = tpu.memref_slice %dma_start3A_228[%dma_start3A_229, %dma_start3A_230] : memref<200x64xf32, #tpu.memory_space<hbm>> -> memref<104x64xf32, #tpu.memory_space<hbm>>
    %dma_start3A_232 = arith.constant 0 : i32
    %dma_start3A_233 = arith.constant 0 : i32
    %dma_start3A_234 = tpu.memref_slice %arg6[%dma_start3A_210, %dma_start3A_232, %dma_start3A_233] : memref<8x104x64xf32, #tpu.memory_space<vmem>> -> memref<1x104x64xf32, #tpu.memory_space<vmem>>
    %dma_start3A_235 = tpu.memref_squeeze %dma_start3A_234 : memref<1x104x64xf32, #tpu.memory_space<vmem>> -> memref<104x64xf32, #tpu.memory_space<vmem>>
    %dma_start3A_236 = arith.constant 0 : i32
    %dma_start3A_237 = arith.constant 0 : i32
    %dma_start3A_238 = tpu.memref_slice %dma_start3A_235[%dma_start3A_236, %dma_start3A_237] : memref<104x64xf32, #tpu.memory_space<vmem>> -> memref<104x64xf32, #tpu.memory_space<vmem>>
    tpu.enqueue_dma source(%dma_start3A_238 : memref<104x64xf32, #tpu.memory_space<vmem>>) target(%dma_start3A_231 : memref<104x64xf32, #tpu.memory_space<hbm>>) target_semaphore(%arg17 : memref<!tpu.dma_semaphore, #tpu.memory_space<semaphore_mem>>)
    %dma_wait3A_239 = arith.constant 3 : i32
    %dma_wait3A_240 = arith.constant 0 : i32
    %dma_wait3A_241 = arith.constant 0 : i32
    %dma_wait3A_242 = tpu.memref_slice %arg6[%dma_wait3A_239, %dma_wait3A_240, %dma_wait3A_241] : memref<8x104x64xf32, #tpu.memory_space<vmem>> -> memref<1x104x64xf32, #tpu.memory_space<vmem>>
    %dma_wait3A_243 = tpu.memref_squeeze %dma_wait3A_242 : memref<1x104x64xf32, #tpu.memory_space<vmem>> -> memref<104x64xf32, #tpu.memory_space<vmem>>
    %dma_wait3A_244 = arith.constant 0 : i32
    %dma_wait3A_245 = arith.constant 0 : i32
    %dma_wait3A_246 = tpu.memref_slice %dma_wait3A_243[%dma_wait3A_244, %dma_wait3A_245] : memref<104x64xf32, #tpu.memory_space<vmem>> -> memref<96x64xf32, #tpu.memory_space<vmem>>
    %dma_wait3A_247 = arith.constant 304 : i32
    %dma_wait3A_248 = tpu.memref_slice %arg5[%dma_wait3A_247] : memref<25600xi32, #tpu.memory_space<vmem>> -> memref<96xi32, #tpu.memory_space<vmem>>
    %dma_wait3A_249 = arith.constant 0 : i32
    %dma_wait3A_250 = arith.constant 0 : i32
    %dma_wait3A_251 = tpu.memref_slice %arg3[%dma_wait3A_249, %dma_wait3A_250] : memref<1000000x64xf32, #tpu.memory_space<hbm>> -> memref<1000000x64xf32, #tpu.memory_space<hbm>>
    tpu.wait_indirect_dma semaphore(%arg10 : memref<!tpu.dma_semaphore, #tpu.memory_space<semaphore_mem>>) src(%dma_wait3A_251 : memref<1000000x64xf32, #tpu.memory_space<hbm>>) dst(%dma_wait3A_246 : memref<96x64xf32, #tpu.memory_space<vmem>>)
    %add3A_252 = arith.constant 1 : i32
    %add3A_253 = arith.addi %mul3A_2, %add3A_252 : i32
    %dma_start3A_254 = arith.constant 3 : i32
    %dma_start3A_255 = arith.constant 0 : i32
    %dma_start3A_256 = arith.constant 0 : i32
    %dma_start3A_257 = tpu.memref_slice %arg6[%dma_start3A_254, %dma_start3A_255, %dma_start3A_256] : memref<8x104x64xf32, #tpu.memory_space<vmem>> -> memref<1x104x64xf32, #tpu.memory_space<vmem>>
    %dma_start3A_258 = tpu.memref_squeeze %dma_start3A_257 : memref<1x104x64xf32, #tpu.memory_space<vmem>> -> memref<104x64xf32, #tpu.memory_space<vmem>>
    %dma_start3A_259 = arith.constant 0 : i32
    %dma_start3A_260 = arith.constant 0 : i32
    %dma_start3A_261 = tpu.memref_slice %dma_start3A_258[%dma_start3A_259, %dma_start3A_260] : memref<104x64xf32, #tpu.memory_space<vmem>> -> memref<96x64xf32, #tpu.memory_space<vmem>>
    %dma_start3A_262 = arith.constant 0 : i32
    %dma_start3A_263 = arith.constant 0 : i32
    %dma_start3A_264 = tpu.memref_slice %arg4[%add3A_253, %dma_start3A_262, %dma_start3A_263] : memref<4096x200x64xf32, #tpu.memory_space<hbm>> -> memref<1x200x64xf32, #tpu.memory_space<hbm>>
    %dma_start3A_265 = tpu.memref_squeeze %dma_start3A_264 : memref<1x200x64xf32, #tpu.memory_space<hbm>> -> memref<200x64xf32, #tpu.memory_space<hbm>>
    %dma_start3A_266 = arith.constant 104 : i32
    %dma_start3A_267 = arith.constant 0 : i32
    %dma_start3A_268 = tpu.memref_slice %dma_start3A_265[%dma_start3A_266, %dma_start3A_267] : memref<200x64xf32, #tpu.memory_space<hbm>> -> memref<96x64xf32, #tpu.memory_space<hbm>>
    %dma_start3A_269 = arith.constant 0 : i32
    %dma_start3A_270 = arith.constant 0 : i32
    %dma_start3A_271 = tpu.memref_slice %arg4[%add3A_253, %dma_start3A_269, %dma_start3A_270] : memref<4096x200x64xf32, #tpu.memory_space<hbm>> -> memref<1x200x64xf32, #tpu.memory_space<hbm>>
    %dma_start3A_272 = tpu.memref_squeeze %dma_start3A_271 : memref<1x200x64xf32, #tpu.memory_space<hbm>> -> memref<200x64xf32, #tpu.memory_space<hbm>>
    %dma_start3A_273 = arith.constant 104 : i32
    %dma_start3A_274 = arith.constant 0 : i32
    %dma_start3A_275 = tpu.memref_slice %dma_start3A_272[%dma_start3A_273, %dma_start3A_274] : memref<200x64xf32, #tpu.memory_space<hbm>> -> memref<96x64xf32, #tpu.memory_space<hbm>>
    %dma_start3A_276 = arith.constant 0 : i32
    %dma_start3A_277 = arith.constant 0 : i32
    %dma_start3A_278 = tpu.memref_slice %arg6[%dma_start3A_254, %dma_start3A_276, %dma_start3A_277] : memref<8x104x64xf32, #tpu.memory_space<vmem>> -> memref<1x104x64xf32, #tpu.memory_space<vmem>>
    %dma_start3A_279 = tpu.memref_squeeze %dma_start3A_278 : memref<1x104x64xf32, #tpu.memory_space<vmem>> -> memref<104x64xf32, #tpu.memory_space<vmem>>
    %dma_start3A_280 = arith.constant 0 : i32
    %dma_start3A_281 = arith.constant 0 : i32
    %dma_start3A_282 = tpu.memref_slice %dma_start3A_279[%dma_start3A_280, %dma_start3A_281] : memref<104x64xf32, #tpu.memory_space<vmem>> -> memref<96x64xf32, #tpu.memory_space<vmem>>
    tpu.enqueue_dma source(%dma_start3A_282 : memref<96x64xf32, #tpu.memory_space<vmem>>) target(%dma_start3A_275 : memref<96x64xf32, #tpu.memory_space<hbm>>) target_semaphore(%arg18 : memref<!tpu.dma_semaphore, #tpu.memory_space<semaphore_mem>>)
    %dma_wait3A_283 = arith.constant 4 : i32
    %dma_wait3A_284 = arith.constant 0 : i32
    %dma_wait3A_285 = arith.constant 0 : i32
    %dma_wait3A_286 = tpu.memref_slice %arg6[%dma_wait3A_283, %dma_wait3A_284, %dma_wait3A_285] : memref<8x104x64xf32, #tpu.memory_space<vmem>> -> memref<1x104x64xf32, #tpu.memory_space<vmem>>
    %dma_wait3A_287 = tpu.memref_squeeze %dma_wait3A_286 : memref<1x104x64xf32, #tpu.memory_space<vmem>> -> memref<104x64xf32, #tpu.memory_space<vmem>>
    %dma_wait3A_288 = arith.constant 0 : i32
    %dma_wait3A_289 = arith.constant 0 : i32
    %dma_wait3A_290 = tpu.memref_slice %dma_wait3A_287[%dma_wait3A_288, %dma_wait3A_289] : memref<104x64xf32, #tpu.memory_space<vmem>> -> memref<104x64xf32, #tpu.memory_space<vmem>>
    %dma_wait3A_291 = arith.constant 400 : i32
    %dma_wait3A_292 = tpu.memref_slice %arg5[%dma_wait3A_291] : memref<25600xi32, #tpu.memory_space<vmem>> -> memref<104xi32, #tpu.memory_space<vmem>>
    %dma_wait3A_293 = arith.constant 0 : i32
    %dma_wait3A_294 = arith.constant 0 : i32
    %dma_wait3A_295 = tpu.memref_slice %arg3[%dma_wait3A_293, %dma_wait3A_294] : memref<1000000x64xf32, #tpu.memory_space<hbm>> -> memref<1000000x64xf32, #tpu.memory_space<hbm>>
    tpu.wait_indirect_dma semaphore(%arg11 : memref<!tpu.dma_semaphore, #tpu.memory_space<semaphore_mem>>) src(%dma_wait3A_295 : memref<1000000x64xf32, #tpu.memory_space<hbm>>) dst(%dma_wait3A_290 : memref<104x64xf32, #tpu.memory_space<vmem>>)
    %add3A_296 = arith.constant 2 : i32
    %add3A_297 = arith.addi %mul3A_2, %add3A_296 : i32
    %dma_start3A_298 = arith.constant 4 : i32
    %dma_start3A_299 = arith.constant 0 : i32
    %dma_start3A_300 = arith.constant 0 : i32
    %dma_start3A_301 = tpu.memref_slice %arg6[%dma_start3A_298, %dma_start3A_299, %dma_start3A_300] : memref<8x104x64xf32, #tpu.memory_space<vmem>> -> memref<1x104x64xf32, #tpu.memory_space<vmem>>
    %dma_start3A_302 = tpu.memref_squeeze %dma_start3A_301 : memref<1x104x64xf32, #tpu.memory_space<vmem>> -> memref<104x64xf32, #tpu.memory_space<vmem>>
    %dma_start3A_303 = arith.constant 0 : i32
    %dma_start3A_304 = arith.constant 0 : i32
    %dma_start3A_305 = tpu.memref_slice %dma_start3A_302[%dma_start3A_303, %dma_start3A_304] : memref<104x64xf32, #tpu.memory_space<vmem>> -> memref<104x64xf32, #tpu.memory_space<vmem>>
    %dma_start3A_306 = arith.constant 0 : i32
    %dma_start3A_307 = arith.constant 0 : i32
    %dma_start3A_308 = tpu.memref_slice %arg4[%add3A_297, %dma_start3A_306, %dma_start3A_307] : memref<4096x200x64xf32, #tpu.memory_space<hbm>> -> memref<1x200x64xf32, #tpu.memory_space<hbm>>
    %dma_start3A_309 = tpu.memref_squeeze %dma_start3A_308 : memref<1x200x64xf32, #tpu.memory_space<hbm>> -> memref<200x64xf32, #tpu.memory_space<hbm>>
    %dma_start3A_310 = arith.constant 0 : i32
    %dma_start3A_311 = arith.constant 0 : i32
    %dma_start3A_312 = tpu.memref_slice %dma_start3A_309[%dma_start3A_310, %dma_start3A_311] : memref<200x64xf32, #tpu.memory_space<hbm>> -> memref<104x64xf32, #tpu.memory_space<hbm>>
    %dma_start3A_313 = arith.constant 0 : i32
    %dma_start3A_314 = arith.constant 0 : i32
    %dma_start3A_315 = tpu.memref_slice %arg4[%add3A_297, %dma_start3A_313, %dma_start3A_314] : memref<4096x200x64xf32, #tpu.memory_space<hbm>> -> memref<1x200x64xf32, #tpu.memory_space<hbm>>
    %dma_start3A_316 = tpu.memref_squeeze %dma_start3A_315 : memref<1x200x64xf32, #tpu.memory_space<hbm>> -> memref<200x64xf32, #tpu.memory_space<hbm>>
    %dma_start3A_317 = arith.constant 0 : i32
    %dma_start3A_318 = arith.constant 0 : i32
    %dma_start3A_319 = tpu.memref_slice %dma_start3A_316[%dma_start3A_317, %dma_start3A_318] : memref<200x64xf32, #tpu.memory_space<hbm>> -> memref<104x64xf32, #tpu.memory_space<hbm>>
    %dma_start3A_320 = arith.constant 0 : i32
    %dma_start3A_321 = arith.constant 0 : i32
    %dma_start3A_322 = tpu.memref_slice %arg6[%dma_start3A_298, %dma_start3A_320, %dma_start3A_321] : memref<8x104x64xf32, #tpu.memory_space<vmem>> -> memref<1x104x64xf32, #tpu.memory_space<vmem>>
    %dma_start3A_323 = tpu.memref_squeeze %dma_start3A_322 : memref<1x104x64xf32, #tpu.memory_space<vmem>> -> memref<104x64xf32, #tpu.memory_space<vmem>>
    %dma_start3A_324 = arith.constant 0 : i32
    %dma_start3A_325 = arith.constant 0 : i32
    %dma_start3A_326 = tpu.memref_slice %dma_start3A_323[%dma_start3A_324, %dma_start3A_325] : memref<104x64xf32, #tpu.memory_space<vmem>> -> memref<104x64xf32, #tpu.memory_space<vmem>>
    tpu.enqueue_dma source(%dma_start3A_326 : memref<104x64xf32, #tpu.memory_space<vmem>>) target(%dma_start3A_319 : memref<104x64xf32, #tpu.memory_space<hbm>>) target_semaphore(%arg19 : memref<!tpu.dma_semaphore, #tpu.memory_space<semaphore_mem>>)
    %dma_wait3A_327 = arith.constant 5 : i32
    %dma_wait3A_328 = arith.constant 0 : i32
    %dma_wait3A_329 = arith.constant 0 : i32
    %dma_wait3A_330 = tpu.memref_slice %arg6[%dma_wait3A_327, %dma_wait3A_328, %dma_wait3A_329] : memref<8x104x64xf32, #tpu.memory_space<vmem>> -> memref<1x104x64xf32, #tpu.memory_space<vmem>>
    %dma_wait3A_331 = tpu.memref_squeeze %dma_wait3A_330 : memref<1x104x64xf32, #tpu.memory_space<vmem>> -> memref<104x64xf32, #tpu.memory_space<vmem>>
    %dma_wait3A_332 = arith.constant 0 : i32
    %dma_wait3A_333 = arith.constant 0 : i32
    %dma_wait3A_334 = tpu.memref_slice %dma_wait3A_331[%dma_wait3A_332, %dma_wait3A_333] : memref<104x64xf32, #tpu.memory_space<vmem>> -> memref<96x64xf32, #tpu.memory_space<vmem>>
    %dma_wait3A_335 = arith.constant 504 : i32
    %dma_wait3A_336 = tpu.memref_slice %arg5[%dma_wait3A_335] : memref<25600xi32, #tpu.memory_space<vmem>> -> memref<96xi32, #tpu.memory_space<vmem>>
    %dma_wait3A_337 = arith.constant 0 : i32
    %dma_wait3A_338 = arith.constant 0 : i32
    %dma_wait3A_339 = tpu.memref_slice %arg3[%dma_wait3A_337, %dma_wait3A_338] : memref<1000000x64xf32, #tpu.memory_space<hbm>> -> memref<1000000x64xf32, #tpu.memory_space<hbm>>
    tpu.wait_indirect_dma semaphore(%arg12 : memref<!tpu.dma_semaphore, #tpu.memory_space<semaphore_mem>>) src(%dma_wait3A_339 : memref<1000000x64xf32, #tpu.memory_space<hbm>>) dst(%dma_wait3A_334 : memref<96x64xf32, #tpu.memory_space<vmem>>)
    %add3A_340 = arith.constant 2 : i32
    %add3A_341 = arith.addi %mul3A_2, %add3A_340 : i32
    %dma_start3A_342 = arith.constant 5 : i32
    %dma_start3A_343 = arith.constant 0 : i32
    %dma_start3A_344 = arith.constant 0 : i32
    %dma_start3A_345 = tpu.memref_slice %arg6[%dma_start3A_342, %dma_start3A_343, %dma_start3A_344] : memref<8x104x64xf32, #tpu.memory_space<vmem>> -> memref<1x104x64xf32, #tpu.memory_space<vmem>>
    %dma_start3A_346 = tpu.memref_squeeze %dma_start3A_345 : memref<1x104x64xf32, #tpu.memory_space<vmem>> -> memref<104x64xf32, #tpu.memory_space<vmem>>
    %dma_start3A_347 = arith.constant 0 : i32
    %dma_start3A_348 = arith.constant 0 : i32
    %dma_start3A_349 = tpu.memref_slice %dma_start3A_346[%dma_start3A_347, %dma_start3A_348] : memref<104x64xf32, #tpu.memory_space<vmem>> -> memref<96x64xf32, #tpu.memory_space<vmem>>
    %dma_start3A_350 = arith.constant 0 : i32
    %dma_start3A_351 = arith.constant 0 : i32
    %dma_start3A_352 = tpu.memref_slice %arg4[%add3A_341, %dma_start3A_350, %dma_start3A_351] : memref<4096x200x64xf32, #tpu.memory_space<hbm>> -> memref<1x200x64xf32, #tpu.memory_space<hbm>>
    %dma_start3A_353 = tpu.memref_squeeze %dma_start3A_352 : memref<1x200x64xf32, #tpu.memory_space<hbm>> -> memref<200x64xf32, #tpu.memory_space<hbm>>
    %dma_start3A_354 = arith.constant 104 : i32
    %dma_start3A_355 = arith.constant 0 : i32
    %dma_start3A_356 = tpu.memref_slice %dma_start3A_353[%dma_start3A_354, %dma_start3A_355] : memref<200x64xf32, #tpu.memory_space<hbm>> -> memref<96x64xf32, #tpu.memory_space<hbm>>
    %dma_start3A_357 = arith.constant 0 : i32
    %dma_start3A_358 = arith.constant 0 : i32
    %dma_start3A_359 = tpu.memref_slice %arg4[%add3A_341, %dma_start3A_357, %dma_start3A_358] : memref<4096x200x64xf32, #tpu.memory_space<hbm>> -> memref<1x200x64xf32, #tpu.memory_space<hbm>>
    %dma_start3A_360 = tpu.memref_squeeze %dma_start3A_359 : memref<1x200x64xf32, #tpu.memory_space<hbm>> -> memref<200x64xf32, #tpu.memory_space<hbm>>
    %dma_start3A_361 = arith.constant 104 : i32
    %dma_start3A_362 = arith.constant 0 : i32
    %dma_start3A_363 = tpu.memref_slice %dma_start3A_360[%dma_start3A_361, %dma_start3A_362] : memref<200x64xf32, #tpu.memory_space<hbm>> -> memref<96x64xf32, #tpu.memory_space<hbm>>
    %dma_start3A_364 = arith.constant 0 : i32
    %dma_start3A_365 = arith.constant 0 : i32
    %dma_start3A_366 = tpu.memref_slice %arg6[%dma_start3A_342, %dma_start3A_364, %dma_start3A_365] : memref<8x104x64xf32, #tpu.memory_space<vmem>> -> memref<1x104x64xf32, #tpu.memory_space<vmem>>
    %dma_start3A_367 = tpu.memref_squeeze %dma_start3A_366 : memref<1x104x64xf32, #tpu.memory_space<vmem>> -> memref<104x64xf32, #tpu.memory_space<vmem>>
    %dma_start3A_368 = arith.constant 0 : i32
    %dma_start3A_369 = arith.constant 0 : i32
    %dma_start3A_370 = tpu.memref_slice %dma_start3A_367[%dma_start3A_368, %dma_start3A_369] : memref<104x64xf32, #tpu.memory_space<vmem>> -> memref<96x64xf32, #tpu.memory_space<vmem>>
    tpu.enqueue_dma source(%dma_start3A_370 : memref<96x64xf32, #tpu.memory_space<vmem>>) target(%dma_start3A_363 : memref<96x64xf32, #tpu.memory_space<hbm>>) target_semaphore(%arg20 : memref<!tpu.dma_semaphore, #tpu.memory_space<semaphore_mem>>)
    %dma_wait3A_371 = arith.constant 6 : i32
    %dma_wait3A_372 = arith.constant 0 : i32
    %dma_wait3A_373 = arith.constant 0 : i32
    %dma_wait3A_374 = tpu.memref_slice %arg6[%dma_wait3A_371, %dma_wait3A_372, %dma_wait3A_373] : memref<8x104x64xf32, #tpu.memory_space<vmem>> -> memref<1x104x64xf32, #tpu.memory_space<vmem>>
    %dma_wait3A_375 = tpu.memref_squeeze %dma_wait3A_374 : memref<1x104x64xf32, #tpu.memory_space<vmem>> -> memref<104x64xf32, #tpu.memory_space<vmem>>
    %dma_wait3A_376 = arith.constant 0 : i32
    %dma_wait3A_377 = arith.constant 0 : i32
    %dma_wait3A_378 = tpu.memref_slice %dma_wait3A_375[%dma_wait3A_376, %dma_wait3A_377] : memref<104x64xf32, #tpu.memory_space<vmem>> -> memref<104x64xf32, #tpu.memory_space<vmem>>
    %dma_wait3A_379 = arith.constant 600 : i32
    %dma_wait3A_380 = tpu.memref_slice %arg5[%dma_wait3A_379] : memref<25600xi32, #tpu.memory_space<vmem>> -> memref<104xi32, #tpu.memory_space<vmem>>
    %dma_wait3A_381 = arith.constant 0 : i32
    %dma_wait3A_382 = arith.constant 0 : i32
    %dma_wait3A_383 = tpu.memref_slice %arg3[%dma_wait3A_381, %dma_wait3A_382] : memref<1000000x64xf32, #tpu.memory_space<hbm>> -> memref<1000000x64xf32, #tpu.memory_space<hbm>>
    tpu.wait_indirect_dma semaphore(%arg13 : memref<!tpu.dma_semaphore, #tpu.memory_space<semaphore_mem>>) src(%dma_wait3A_383 : memref<1000000x64xf32, #tpu.memory_space<hbm>>) dst(%dma_wait3A_378 : memref<104x64xf32, #tpu.memory_space<vmem>>)
    %add3A_384 = arith.constant 3 : i32
    %add3A_385 = arith.addi %mul3A_2, %add3A_384 : i32
    %dma_start3A_386 = arith.constant 6 : i32
    %dma_start3A_387 = arith.constant 0 : i32
    %dma_start3A_388 = arith.constant 0 : i32
    %dma_start3A_389 = tpu.memref_slice %arg6[%dma_start3A_386, %dma_start3A_387, %dma_start3A_388] : memref<8x104x64xf32, #tpu.memory_space<vmem>> -> memref<1x104x64xf32, #tpu.memory_space<vmem>>
    %dma_start3A_390 = tpu.memref_squeeze %dma_start3A_389 : memref<1x104x64xf32, #tpu.memory_space<vmem>> -> memref<104x64xf32, #tpu.memory_space<vmem>>
    %dma_start3A_391 = arith.constant 0 : i32
    %dma_start3A_392 = arith.constant 0 : i32
    %dma_start3A_393 = tpu.memref_slice %dma_start3A_390[%dma_start3A_391, %dma_start3A_392] : memref<104x64xf32, #tpu.memory_space<vmem>> -> memref<104x64xf32, #tpu.memory_space<vmem>>
    %dma_start3A_394 = arith.constant 0 : i32
    %dma_start3A_395 = arith.constant 0 : i32
    %dma_start3A_396 = tpu.memref_slice %arg4[%add3A_385, %dma_start3A_394, %dma_start3A_395] : memref<4096x200x64xf32, #tpu.memory_space<hbm>> -> memref<1x200x64xf32, #tpu.memory_space<hbm>>
    %dma_start3A_397 = tpu.memref_squeeze %dma_start3A_396 : memref<1x200x64xf32, #tpu.memory_space<hbm>> -> memref<200x64xf32, #tpu.memory_space<hbm>>
    %dma_start3A_398 = arith.constant 0 : i32
    %dma_start3A_399 = arith.constant 0 : i32
    %dma_start3A_400 = tpu.memref_slice %dma_start3A_397[%dma_start3A_398, %dma_start3A_399] : memref<200x64xf32, #tpu.memory_space<hbm>> -> memref<104x64xf32, #tpu.memory_space<hbm>>
    %dma_start3A_401 = arith.constant 0 : i32
    %dma_start3A_402 = arith.constant 0 : i32
    %dma_start3A_403 = tpu.memref_slice %arg4[%add3A_385, %dma_start3A_401, %dma_start3A_402] : memref<4096x200x64xf32, #tpu.memory_space<hbm>> -> memref<1x200x64xf32, #tpu.memory_space<hbm>>
    %dma_start3A_404 = tpu.memref_squeeze %dma_start3A_403 : memref<1x200x64xf32, #tpu.memory_space<hbm>> -> memref<200x64xf32, #tpu.memory_space<hbm>>
    %dma_start3A_405 = arith.constant 0 : i32
    %dma_start3A_406 = arith.constant 0 : i32
    %dma_start3A_407 = tpu.memref_slice %dma_start3A_404[%dma_start3A_405, %dma_start3A_406] : memref<200x64xf32, #tpu.memory_space<hbm>> -> memref<104x64xf32, #tpu.memory_space<hbm>>
    %dma_start3A_408 = arith.constant 0 : i32
    %dma_start3A_409 = arith.constant 0 : i32
    %dma_start3A_410 = tpu.memref_slice %arg6[%dma_start3A_386, %dma_start3A_408, %dma_start3A_409] : memref<8x104x64xf32, #tpu.memory_space<vmem>> -> memref<1x104x64xf32, #tpu.memory_space<vmem>>
    %dma_start3A_411 = tpu.memref_squeeze %dma_start3A_410 : memref<1x104x64xf32, #tpu.memory_space<vmem>> -> memref<104x64xf32, #tpu.memory_space<vmem>>
    %dma_start3A_412 = arith.constant 0 : i32
    %dma_start3A_413 = arith.constant 0 : i32
    %dma_start3A_414 = tpu.memref_slice %dma_start3A_411[%dma_start3A_412, %dma_start3A_413] : memref<104x64xf32, #tpu.memory_space<vmem>> -> memref<104x64xf32, #tpu.memory_space<vmem>>
    tpu.enqueue_dma source(%dma_start3A_414 : memref<104x64xf32, #tpu.memory_space<vmem>>) target(%dma_start3A_407 : memref<104x64xf32, #tpu.memory_space<hbm>>) target_semaphore(%arg21 : memref<!tpu.dma_semaphore, #tpu.memory_space<semaphore_mem>>)
    %dma_wait3A_415 = arith.constant 7 : i32
    %dma_wait3A_416 = arith.constant 0 : i32
    %dma_wait3A_417 = arith.constant 0 : i32
    %dma_wait3A_418 = tpu.memref_slice %arg6[%dma_wait3A_415, %dma_wait3A_416, %dma_wait3A_417] : memref<8x104x64xf32, #tpu.memory_space<vmem>> -> memref<1x104x64xf32, #tpu.memory_space<vmem>>
    %dma_wait3A_419 = tpu.memref_squeeze %dma_wait3A_418 : memref<1x104x64xf32, #tpu.memory_space<vmem>> -> memref<104x64xf32, #tpu.memory_space<vmem>>
    %dma_wait3A_420 = arith.constant 0 : i32
    %dma_wait3A_421 = arith.constant 0 : i32
    %dma_wait3A_422 = tpu.memref_slice %dma_wait3A_419[%dma_wait3A_420, %dma_wait3A_421] : memref<104x64xf32, #tpu.memory_space<vmem>> -> memref<96x64xf32, #tpu.memory_space<vmem>>
    %dma_wait3A_423 = arith.constant 704 : i32
    %dma_wait3A_424 = tpu.memref_slice %arg5[%dma_wait3A_423] : memref<25600xi32, #tpu.memory_space<vmem>> -> memref<96xi32, #tpu.memory_space<vmem>>
    %dma_wait3A_425 = arith.constant 0 : i32
    %dma_wait3A_426 = arith.constant 0 : i32
    %dma_wait3A_427 = tpu.memref_slice %arg3[%dma_wait3A_425, %dma_wait3A_426] : memref<1000000x64xf32, #tpu.memory_space<hbm>> -> memref<1000000x64xf32, #tpu.memory_space<hbm>>
    tpu.wait_indirect_dma semaphore(%arg14 : memref<!tpu.dma_semaphore, #tpu.memory_space<semaphore_mem>>) src(%dma_wait3A_427 : memref<1000000x64xf32, #tpu.memory_space<hbm>>) dst(%dma_wait3A_422 : memref<96x64xf32, #tpu.memory_space<vmem>>)
    %add3A_428 = arith.constant 3 : i32
    %add3A_429 = arith.addi %mul3A_2, %add3A_428 : i32
    %dma_start3A_430 = arith.constant 7 : i32
    %dma_start3A_431 = arith.constant 0 : i32
    %dma_start3A_432 = arith.constant 0 : i32
    %dma_start3A_433 = tpu.memref_slice %arg6[%dma_start3A_430, %dma_start3A_431, %dma_start3A_432] : memref<8x104x64xf32, #tpu.memory_space<vmem>> -> memref<1x104x64xf32, #tpu.memory_space<vmem>>
    %dma_start3A_434 = tpu.memref_squeeze %dma_start3A_433 : memref<1x104x64xf32, #tpu.memory_space<vmem>> -> memref<104x64xf32, #tpu.memory_space<vmem>>
    %dma_start3A_435 = arith.constant 0 : i32
    %dma_start3A_436 = arith.constant 0 : i32
    %dma_start3A_437 = tpu.memref_slice %dma_start3A_434[%dma_start3A_435, %dma_start3A_436] : memref<104x64xf32, #tpu.memory_space<vmem>> -> memref<96x64xf32, #tpu.memory_space<vmem>>
    %dma_start3A_438 = arith.constant 0 : i32
    %dma_start3A_439 = arith.constant 0 : i32
    %dma_start3A_440 = tpu.memref_slice %arg4[%add3A_429, %dma_start3A_438, %dma_start3A_439] : memref<4096x200x64xf32, #tpu.memory_space<hbm>> -> memref<1x200x64xf32, #tpu.memory_space<hbm>>
    %dma_start3A_441 = tpu.memref_squeeze %dma_start3A_440 : memref<1x200x64xf32, #tpu.memory_space<hbm>> -> memref<200x64xf32, #tpu.memory_space<hbm>>
    %dma_start3A_442 = arith.constant 104 : i32
    %dma_start3A_443 = arith.constant 0 : i32
    %dma_start3A_444 = tpu.memref_slice %dma_start3A_441[%dma_start3A_442, %dma_start3A_443] : memref<200x64xf32, #tpu.memory_space<hbm>> -> memref<96x64xf32, #tpu.memory_space<hbm>>
    %dma_start3A_445 = arith.constant 0 : i32
    %dma_start3A_446 = arith.constant 0 : i32
    %dma_start3A_447 = tpu.memref_slice %arg4[%add3A_429, %dma_start3A_445, %dma_start3A_446] : memref<4096x200x64xf32, #tpu.memory_space<hbm>> -> memref<1x200x64xf32, #tpu.memory_space<hbm>>
    %dma_start3A_448 = tpu.memref_squeeze %dma_start3A_447 : memref<1x200x64xf32, #tpu.memory_space<hbm>> -> memref<200x64xf32, #tpu.memory_space<hbm>>
    %dma_start3A_449 = arith.constant 104 : i32
    %dma_start3A_450 = arith.constant 0 : i32
    %dma_start3A_451 = tpu.memref_slice %dma_start3A_448[%dma_start3A_449, %dma_start3A_450] : memref<200x64xf32, #tpu.memory_space<hbm>> -> memref<96x64xf32, #tpu.memory_space<hbm>>
    %dma_start3A_452 = arith.constant 0 : i32
    %dma_start3A_453 = arith.constant 0 : i32
    %dma_start3A_454 = tpu.memref_slice %arg6[%dma_start3A_430, %dma_start3A_452, %dma_start3A_453] : memref<8x104x64xf32, #tpu.memory_space<vmem>> -> memref<1x104x64xf32, #tpu.memory_space<vmem>>
    %dma_start3A_455 = tpu.memref_squeeze %dma_start3A_454 : memref<1x104x64xf32, #tpu.memory_space<vmem>> -> memref<104x64xf32, #tpu.memory_space<vmem>>
    %dma_start3A_456 = arith.constant 0 : i32
    %dma_start3A_457 = arith.constant 0 : i32
    %dma_start3A_458 = tpu.memref_slice %dma_start3A_455[%dma_start3A_456, %dma_start3A_457] : memref<104x64xf32, #tpu.memory_space<vmem>> -> memref<96x64xf32, #tpu.memory_space<vmem>>
    tpu.enqueue_dma source(%dma_start3A_458 : memref<96x64xf32, #tpu.memory_space<vmem>>) target(%dma_start3A_451 : memref<96x64xf32, #tpu.memory_space<hbm>>) target_semaphore(%arg22 : memref<!tpu.dma_semaphore, #tpu.memory_space<semaphore_mem>>)
    %scan3A = arith.constant 0 : i32
    %scan3A_459 = arith.constant 1 : i32
    %scan3A_460 = arith.constant 31 : i32
    %scan3A_461 = arith.addi %scan3A_459, %scan3A_460 : i32
    %scan3A_462 = arith.constant 1 : i32
    scf.for %scan3A_704 = %scan3A_459 to %scan3A_461 step %scan3A_462  : i32 {
      %dma_wait3A_705 = arith.constant 0 : i32
      %dma_wait3A_706 = arith.constant 0 : i32
      %dma_wait3A_707 = arith.constant 0 : i32
      %dma_wait3A_708 = arith.constant 0 : i32
      %dma_wait3A_709 = tpu.memref_slice %arg6[%dma_wait3A_705, %dma_wait3A_707, %dma_wait3A_708] : memref<8x104x64xf32, #tpu.memory_space<vmem>> -> memref<1x104x64xf32, #tpu.memory_space<vmem>>
      %dma_wait3A_710 = tpu.memref_squeeze %dma_wait3A_709 : memref<1x104x64xf32, #tpu.memory_space<vmem>> -> memref<104x64xf32, #tpu.memory_space<vmem>>
      %dma_wait3A_711 = arith.constant 0 : i32
      %dma_wait3A_712 = arith.constant 0 : i32
      %dma_wait3A_713 = tpu.memref_slice %dma_wait3A_710[%dma_wait3A_711, %dma_wait3A_712] : memref<104x64xf32, #tpu.memory_space<vmem>> -> memref<104x64xf32, #tpu.memory_space<vmem>>
      %dma_wait3A_714 = arith.constant 0 : i32
      %dma_wait3A_715 = arith.constant 0 : i32
      %dma_wait3A_716 = tpu.memref_slice %arg4[%dma_wait3A_706, %dma_wait3A_714, %dma_wait3A_715] : memref<4096x200x64xf32, #tpu.memory_space<hbm>> -> memref<1x200x64xf32, #tpu.memory_space<hbm>>
      %dma_wait3A_717 = tpu.memref_squeeze %dma_wait3A_716 : memref<1x200x64xf32, #tpu.memory_space<hbm>> -> memref<200x64xf32, #tpu.memory_space<hbm>>
      %dma_wait3A_718 = arith.constant 0 : i32
      %dma_wait3A_719 = arith.constant 0 : i32
      %dma_wait3A_720 = tpu.memref_slice %dma_wait3A_717[%dma_wait3A_718, %dma_wait3A_719] : memref<200x64xf32, #tpu.memory_space<hbm>> -> memref<104x64xf32, #tpu.memory_space<hbm>>
      %dma_wait3A_721 = arith.constant 0 : i32
      %dma_wait3A_722 = arith.constant 0 : i32
      %dma_wait3A_723 = tpu.memref_slice %arg4[%dma_wait3A_706, %dma_wait3A_721, %dma_wait3A_722] : memref<4096x200x64xf32, #tpu.memory_space<hbm>> -> memref<1x200x64xf32, #tpu.memory_space<hbm>>
      %dma_wait3A_724 = tpu.memref_squeeze %dma_wait3A_723 : memref<1x200x64xf32, #tpu.memory_space<hbm>> -> memref<200x64xf32, #tpu.memory_space<hbm>>
      %dma_wait3A_725 = arith.constant 0 : i32
      %dma_wait3A_726 = arith.constant 0 : i32
      %dma_wait3A_727 = tpu.memref_slice %dma_wait3A_724[%dma_wait3A_725, %dma_wait3A_726] : memref<200x64xf32, #tpu.memory_space<hbm>> -> memref<104x64xf32, #tpu.memory_space<hbm>>
      %dma_wait3A_728 = arith.constant 0 : i32
      %dma_wait3A_729 = arith.constant 0 : i32
      %dma_wait3A_730 = tpu.memref_slice %arg6[%dma_wait3A_705, %dma_wait3A_728, %dma_wait3A_729] : memref<8x104x64xf32, #tpu.memory_space<vmem>> -> memref<1x104x64xf32, #tpu.memory_space<vmem>>
      %dma_wait3A_731 = tpu.memref_squeeze %dma_wait3A_730 : memref<1x104x64xf32, #tpu.memory_space<vmem>> -> memref<104x64xf32, #tpu.memory_space<vmem>>
      %dma_wait3A_732 = arith.constant 0 : i32
      %dma_wait3A_733 = arith.constant 0 : i32
      %dma_wait3A_734 = tpu.memref_slice %dma_wait3A_731[%dma_wait3A_732, %dma_wait3A_733] : memref<104x64xf32, #tpu.memory_space<vmem>> -> memref<104x64xf32, #tpu.memory_space<vmem>>
      tpu.wait_dma2 semaphore(%arg15 : memref<!tpu.dma_semaphore, #tpu.memory_space<semaphore_mem>>) src(%dma_wait3A_734 : memref<104x64xf32, #tpu.memory_space<vmem>>) dst(%dma_wait3A_727 : memref<104x64xf32, #tpu.memory_space<hbm>>)
      %mul3A_735 = arith.constant 8 : i32
      %mul3A_736 = arith.muli %scan3A_704, %mul3A_735 : i32
      %add3A_737 = arith.constant 0 : i32
      %add3A_738 = arith.addi %mul3A_736, %add3A_737 : i32
      %jit3A = arith.constant 2 : i32
      %div3A = arith.divsi %add3A_738, %jit3A : i32
      %sign3A = arith.constant 0 : i32
      %sign3A_739 = arith.cmpi sgt, %add3A_738, %sign3A : i32
      %sign3A_740 = arith.extui %sign3A_739 : i1 to i32
      %sign3A_741 = arith.constant 0 : i32
      %sign3A_742 = arith.cmpi slt, %add3A_738, %sign3A_741 : i32
      %sign3A_743 = arith.extui %sign3A_742 : i1 to i32
      %sign3A_744 = arith.subi %sign3A_740, %sign3A_743 : i32
      %sign3A_745 = arith.constant 0 : i32
      %sign3A_746 = arith.cmpi sgt, %jit3A, %sign3A_745 : i32
      %sign3A_747 = arith.extui %sign3A_746 : i1 to i32
      %sign3A_748 = arith.constant 0 : i32
      %sign3A_749 = arith.cmpi slt, %jit3A, %sign3A_748 : i32
      %sign3A_750 = arith.extui %sign3A_749 : i1 to i32
      %sign3A_751 = arith.subi %sign3A_747, %sign3A_750 : i32
      %ne3A = arith.cmpi ne, %sign3A_744, %sign3A_751 : i32
      %rem3A = arith.remsi %add3A_738, %jit3A : i32
      %ne3A_752 = arith.constant 0 : i32
      %ne3A_753 = arith.cmpi ne, %rem3A, %ne3A_752 : i32
      %and3A = arith.andi %ne3A, %ne3A_753 : i1
      %sub3A = arith.constant 1 : i32
      %sub3A_754 = arith.subi %div3A, %sub3A : i32
      %select_n3A = arith.select %and3A, %sub3A_754, %div3A : i32
      %mul3A_755 = arith.constant 200 : i32
      %mul3A_756 = arith.muli %select_n3A, %mul3A_755 : i32
      %add3A_757 = arith.constant 0 : i32
      %add3A_758 = arith.addi %mul3A_756, %add3A_757 : i32
      %dma_start3A_759 = arith.constant 0 : i32
      %dma_start3A_760 = arith.constant 0 : i32
      %dma_start3A_761 = arith.constant 0 : i32
      %dma_start3A_762 = tpu.memref_slice %arg6[%dma_start3A_759, %dma_start3A_760, %dma_start3A_761] : memref<8x104x64xf32, #tpu.memory_space<vmem>> -> memref<1x104x64xf32, #tpu.memory_space<vmem>>
      %dma_start3A_763 = tpu.memref_squeeze %dma_start3A_762 : memref<1x104x64xf32, #tpu.memory_space<vmem>> -> memref<104x64xf32, #tpu.memory_space<vmem>>
      %dma_start3A_764 = arith.constant 0 : i32
      %dma_start3A_765 = arith.constant 0 : i32
      %dma_start3A_766 = tpu.memref_slice %dma_start3A_763[%dma_start3A_764, %dma_start3A_765] : memref<104x64xf32, #tpu.memory_space<vmem>> -> memref<104x64xf32, #tpu.memory_space<vmem>>
      %dma_start3A_767 = tpu.memref_slice %arg5[%add3A_758] : memref<25600xi32, #tpu.memory_space<vmem>> -> memref<104xi32, #tpu.memory_space<vmem>>
      %dma_start3A_768 = arith.constant 0 : i32
      %dma_start3A_769 = arith.constant 0 : i32
      %dma_start3A_770 = tpu.memref_slice %arg3[%dma_start3A_768, %dma_start3A_769] : memref<1000000x64xf32, #tpu.memory_space<hbm>> -> memref<1000000x64xf32, #tpu.memory_space<hbm>>
      tpu.enqueue_indirect_dma source(%dma_start3A_770 : memref<1000000x64xf32, #tpu.memory_space<hbm>>) target(%dma_start3A_766 : memref<104x64xf32, #tpu.memory_space<vmem>>) offsets(%dma_start3A_767 : memref<104xi32, #tpu.memory_space<vmem>>) semaphore(%arg7 : memref<!tpu.dma_semaphore, #tpu.memory_space<semaphore_mem>>)
      %dma_wait3A_771 = arith.constant 1 : i32
      %dma_wait3A_772 = arith.constant 0 : i32
      %dma_wait3A_773 = arith.constant 0 : i32
      %dma_wait3A_774 = arith.constant 0 : i32
      %dma_wait3A_775 = tpu.memref_slice %arg6[%dma_wait3A_771, %dma_wait3A_773, %dma_wait3A_774] : memref<8x104x64xf32, #tpu.memory_space<vmem>> -> memref<1x104x64xf32, #tpu.memory_space<vmem>>
      %dma_wait3A_776 = tpu.memref_squeeze %dma_wait3A_775 : memref<1x104x64xf32, #tpu.memory_space<vmem>> -> memref<104x64xf32, #tpu.memory_space<vmem>>
      %dma_wait3A_777 = arith.constant 0 : i32
      %dma_wait3A_778 = arith.constant 0 : i32
      %dma_wait3A_779 = tpu.memref_slice %dma_wait3A_776[%dma_wait3A_777, %dma_wait3A_778] : memref<104x64xf32, #tpu.memory_space<vmem>> -> memref<96x64xf32, #tpu.memory_space<vmem>>
      %dma_wait3A_780 = arith.constant 0 : i32
      %dma_wait3A_781 = arith.constant 0 : i32
      %dma_wait3A_782 = tpu.memref_slice %arg4[%dma_wait3A_772, %dma_wait3A_780, %dma_wait3A_781] : memref<4096x200x64xf32, #tpu.memory_space<hbm>> -> memref<1x200x64xf32, #tpu.memory_space<hbm>>
      %dma_wait3A_783 = tpu.memref_squeeze %dma_wait3A_782 : memref<1x200x64xf32, #tpu.memory_space<hbm>> -> memref<200x64xf32, #tpu.memory_space<hbm>>
      %dma_wait3A_784 = arith.constant 0 : i32
      %dma_wait3A_785 = arith.constant 0 : i32
      %dma_wait3A_786 = tpu.memref_slice %dma_wait3A_783[%dma_wait3A_784, %dma_wait3A_785] : memref<200x64xf32, #tpu.memory_space<hbm>> -> memref<96x64xf32, #tpu.memory_space<hbm>>
      %dma_wait3A_787 = arith.constant 0 : i32
      %dma_wait3A_788 = arith.constant 0 : i32
      %dma_wait3A_789 = tpu.memref_slice %arg4[%dma_wait3A_772, %dma_wait3A_787, %dma_wait3A_788] : memref<4096x200x64xf32, #tpu.memory_space<hbm>> -> memref<1x200x64xf32, #tpu.memory_space<hbm>>
      %dma_wait3A_790 = tpu.memref_squeeze %dma_wait3A_789 : memref<1x200x64xf32, #tpu.memory_space<hbm>> -> memref<200x64xf32, #tpu.memory_space<hbm>>
      %dma_wait3A_791 = arith.constant 0 : i32
      %dma_wait3A_792 = arith.constant 0 : i32
      %dma_wait3A_793 = tpu.memref_slice %dma_wait3A_790[%dma_wait3A_791, %dma_wait3A_792] : memref<200x64xf32, #tpu.memory_space<hbm>> -> memref<96x64xf32, #tpu.memory_space<hbm>>
      %dma_wait3A_794 = arith.constant 0 : i32
      %dma_wait3A_795 = arith.constant 0 : i32
      %dma_wait3A_796 = tpu.memref_slice %arg6[%dma_wait3A_771, %dma_wait3A_794, %dma_wait3A_795] : memref<8x104x64xf32, #tpu.memory_space<vmem>> -> memref<1x104x64xf32, #tpu.memory_space<vmem>>
      %dma_wait3A_797 = tpu.memref_squeeze %dma_wait3A_796 : memref<1x104x64xf32, #tpu.memory_space<vmem>> -> memref<104x64xf32, #tpu.memory_space<vmem>>
      %dma_wait3A_798 = arith.constant 0 : i32
      %dma_wait3A_799 = arith.constant 0 : i32
      %dma_wait3A_800 = tpu.memref_slice %dma_wait3A_797[%dma_wait3A_798, %dma_wait3A_799] : memref<104x64xf32, #tpu.memory_space<vmem>> -> memref<96x64xf32, #tpu.memory_space<vmem>>
      tpu.wait_dma2 semaphore(%arg16 : memref<!tpu.dma_semaphore, #tpu.memory_space<semaphore_mem>>) src(%dma_wait3A_800 : memref<96x64xf32, #tpu.memory_space<vmem>>) dst(%dma_wait3A_793 : memref<96x64xf32, #tpu.memory_space<hbm>>)
      %mul3A_801 = arith.constant 8 : i32
      %mul3A_802 = arith.muli %scan3A_704, %mul3A_801 : i32
      %add3A_803 = arith.constant 1 : i32
      %add3A_804 = arith.addi %mul3A_802, %add3A_803 : i32
      %jit3A_805 = arith.constant 2 : i32
      %div3A_806 = arith.divsi %add3A_804, %jit3A_805 : i32
      %sign3A_807 = arith.constant 0 : i32
      %sign3A_808 = arith.cmpi sgt, %add3A_804, %sign3A_807 : i32
      %sign3A_809 = arith.extui %sign3A_808 : i1 to i32
      %sign3A_810 = arith.constant 0 : i32
      %sign3A_811 = arith.cmpi slt, %add3A_804, %sign3A_810 : i32
      %sign3A_812 = arith.extui %sign3A_811 : i1 to i32
      %sign3A_813 = arith.subi %sign3A_809, %sign3A_812 : i32
      %sign3A_814 = arith.constant 0 : i32
      %sign3A_815 = arith.cmpi sgt, %jit3A_805, %sign3A_814 : i32
      %sign3A_816 = arith.extui %sign3A_815 : i1 to i32
      %sign3A_817 = arith.constant 0 : i32
      %sign3A_818 = arith.cmpi slt, %jit3A_805, %sign3A_817 : i32
      %sign3A_819 = arith.extui %sign3A_818 : i1 to i32
      %sign3A_820 = arith.subi %sign3A_816, %sign3A_819 : i32
      %ne3A_821 = arith.cmpi ne, %sign3A_813, %sign3A_820 : i32
      %rem3A_822 = arith.remsi %add3A_804, %jit3A_805 : i32
      %ne3A_823 = arith.constant 0 : i32
      %ne3A_824 = arith.cmpi ne, %rem3A_822, %ne3A_823 : i32
      %and3A_825 = arith.andi %ne3A_821, %ne3A_824 : i1
      %sub3A_826 = arith.constant 1 : i32
      %sub3A_827 = arith.subi %div3A_806, %sub3A_826 : i32
      %select_n3A_828 = arith.select %and3A_825, %sub3A_827, %div3A_806 : i32
      %mul3A_829 = arith.constant 200 : i32
      %mul3A_830 = arith.muli %select_n3A_828, %mul3A_829 : i32
      %add3A_831 = arith.constant 104 : i32
      %add3A_832 = arith.addi %mul3A_830, %add3A_831 : i32
      %dma_start3A_833 = arith.constant 1 : i32
      %dma_start3A_834 = arith.constant 0 : i32
      %dma_start3A_835 = arith.constant 0 : i32
      %dma_start3A_836 = tpu.memref_slice %arg6[%dma_start3A_833, %dma_start3A_834, %dma_start3A_835] : memref<8x104x64xf32, #tpu.memory_space<vmem>> -> memref<1x104x64xf32, #tpu.memory_space<vmem>>
      %dma_start3A_837 = tpu.memref_squeeze %dma_start3A_836 : memref<1x104x64xf32, #tpu.memory_space<vmem>> -> memref<104x64xf32, #tpu.memory_space<vmem>>
      %dma_start3A_838 = arith.constant 0 : i32
      %dma_start3A_839 = arith.constant 0 : i32
      %dma_start3A_840 = tpu.memref_slice %dma_start3A_837[%dma_start3A_838, %dma_start3A_839] : memref<104x64xf32, #tpu.memory_space<vmem>> -> memref<96x64xf32, #tpu.memory_space<vmem>>
      %dma_start3A_841 = tpu.memref_slice %arg5[%add3A_832] : memref<25600xi32, #tpu.memory_space<vmem>> -> memref<96xi32, #tpu.memory_space<vmem>>
      %dma_start3A_842 = arith.constant 0 : i32
      %dma_start3A_843 = arith.constant 0 : i32
      %dma_start3A_844 = tpu.memref_slice %arg3[%dma_start3A_842, %dma_start3A_843] : memref<1000000x64xf32, #tpu.memory_space<hbm>> -> memref<1000000x64xf32, #tpu.memory_space<hbm>>
      tpu.enqueue_indirect_dma source(%dma_start3A_844 : memref<1000000x64xf32, #tpu.memory_space<hbm>>) target(%dma_start3A_840 : memref<96x64xf32, #tpu.memory_space<vmem>>) offsets(%dma_start3A_841 : memref<96xi32, #tpu.memory_space<vmem>>) semaphore(%arg8 : memref<!tpu.dma_semaphore, #tpu.memory_space<semaphore_mem>>)
      %dma_wait3A_845 = arith.constant 2 : i32
      %dma_wait3A_846 = arith.constant 0 : i32
      %dma_wait3A_847 = arith.constant 0 : i32
      %dma_wait3A_848 = arith.constant 0 : i32
      %dma_wait3A_849 = tpu.memref_slice %arg6[%dma_wait3A_845, %dma_wait3A_847, %dma_wait3A_848] : memref<8x104x64xf32, #tpu.memory_space<vmem>> -> memref<1x104x64xf32, #tpu.memory_space<vmem>>
      %dma_wait3A_850 = tpu.memref_squeeze %dma_wait3A_849 : memref<1x104x64xf32, #tpu.memory_space<vmem>> -> memref<104x64xf32, #tpu.memory_space<vmem>>
      %dma_wait3A_851 = arith.constant 0 : i32
      %dma_wait3A_852 = arith.constant 0 : i32
      %dma_wait3A_853 = tpu.memref_slice %dma_wait3A_850[%dma_wait3A_851, %dma_wait3A_852] : memref<104x64xf32, #tpu.memory_space<vmem>> -> memref<104x64xf32, #tpu.memory_space<vmem>>
      %dma_wait3A_854 = arith.constant 0 : i32
      %dma_wait3A_855 = arith.constant 0 : i32
      %dma_wait3A_856 = tpu.memref_slice %arg4[%dma_wait3A_846, %dma_wait3A_854, %dma_wait3A_855] : memref<4096x200x64xf32, #tpu.memory_space<hbm>> -> memref<1x200x64xf32, #tpu.memory_space<hbm>>
      %dma_wait3A_857 = tpu.memref_squeeze %dma_wait3A_856 : memref<1x200x64xf32, #tpu.memory_space<hbm>> -> memref<200x64xf32, #tpu.memory_space<hbm>>
      %dma_wait3A_858 = arith.constant 0 : i32
      %dma_wait3A_859 = arith.constant 0 : i32
      %dma_wait3A_860 = tpu.memref_slice %dma_wait3A_857[%dma_wait3A_858, %dma_wait3A_859] : memref<200x64xf32, #tpu.memory_space<hbm>> -> memref<104x64xf32, #tpu.memory_space<hbm>>
      %dma_wait3A_861 = arith.constant 0 : i32
      %dma_wait3A_862 = arith.constant 0 : i32
      %dma_wait3A_863 = tpu.memref_slice %arg4[%dma_wait3A_846, %dma_wait3A_861, %dma_wait3A_862] : memref<4096x200x64xf32, #tpu.memory_space<hbm>> -> memref<1x200x64xf32, #tpu.memory_space<hbm>>
      %dma_wait3A_864 = tpu.memref_squeeze %dma_wait3A_863 : memref<1x200x64xf32, #tpu.memory_space<hbm>> -> memref<200x64xf32, #tpu.memory_space<hbm>>
      %dma_wait3A_865 = arith.constant 0 : i32
      %dma_wait3A_866 = arith.constant 0 : i32
      %dma_wait3A_867 = tpu.memref_slice %dma_wait3A_864[%dma_wait3A_865, %dma_wait3A_866] : memref<200x64xf32, #tpu.memory_space<hbm>> -> memref<104x64xf32, #tpu.memory_space<hbm>>
      %dma_wait3A_868 = arith.constant 0 : i32
      %dma_wait3A_869 = arith.constant 0 : i32
      %dma_wait3A_870 = tpu.memref_slice %arg6[%dma_wait3A_845, %dma_wait3A_868, %dma_wait3A_869] : memref<8x104x64xf32, #tpu.memory_space<vmem>> -> memref<1x104x64xf32, #tpu.memory_space<vmem>>
      %dma_wait3A_871 = tpu.memref_squeeze %dma_wait3A_870 : memref<1x104x64xf32, #tpu.memory_space<vmem>> -> memref<104x64xf32, #tpu.memory_space<vmem>>
      %dma_wait3A_872 = arith.constant 0 : i32
      %dma_wait3A_873 = arith.constant 0 : i32
      %dma_wait3A_874 = tpu.memref_slice %dma_wait3A_871[%dma_wait3A_872, %dma_wait3A_873] : memref<104x64xf32, #tpu.memory_space<vmem>> -> memref<104x64xf32, #tpu.memory_space<vmem>>
      tpu.wait_dma2 semaphore(%arg17 : memref<!tpu.dma_semaphore, #tpu.memory_space<semaphore_mem>>) src(%dma_wait3A_874 : memref<104x64xf32, #tpu.memory_space<vmem>>) dst(%dma_wait3A_867 : memref<104x64xf32, #tpu.memory_space<hbm>>)
      %mul3A_875 = arith.constant 8 : i32
      %mul3A_876 = arith.muli %scan3A_704, %mul3A_875 : i32
      %add3A_877 = arith.constant 2 : i32
      %add3A_878 = arith.addi %mul3A_876, %add3A_877 : i32
      %jit3A_879 = arith.constant 2 : i32
      %div3A_880 = arith.divsi %add3A_878, %jit3A_879 : i32
      %sign3A_881 = arith.constant 0 : i32
      %sign3A_882 = arith.cmpi sgt, %add3A_878, %sign3A_881 : i32
      %sign3A_883 = arith.extui %sign3A_882 : i1 to i32
      %sign3A_884 = arith.constant 0 : i32
      %sign3A_885 = arith.cmpi slt, %add3A_878, %sign3A_884 : i32
      %sign3A_886 = arith.extui %sign3A_885 : i1 to i32
      %sign3A_887 = arith.subi %sign3A_883, %sign3A_886 : i32
      %sign3A_888 = arith.constant 0 : i32
      %sign3A_889 = arith.cmpi sgt, %jit3A_879, %sign3A_888 : i32
      %sign3A_890 = arith.extui %sign3A_889 : i1 to i32
      %sign3A_891 = arith.constant 0 : i32
      %sign3A_892 = arith.cmpi slt, %jit3A_879, %sign3A_891 : i32
      %sign3A_893 = arith.extui %sign3A_892 : i1 to i32
      %sign3A_894 = arith.subi %sign3A_890, %sign3A_893 : i32
      %ne3A_895 = arith.cmpi ne, %sign3A_887, %sign3A_894 : i32
      %rem3A_896 = arith.remsi %add3A_878, %jit3A_879 : i32
      %ne3A_897 = arith.constant 0 : i32
      %ne3A_898 = arith.cmpi ne, %rem3A_896, %ne3A_897 : i32
      %and3A_899 = arith.andi %ne3A_895, %ne3A_898 : i1
      %sub3A_900 = arith.constant 1 : i32
      %sub3A_901 = arith.subi %div3A_880, %sub3A_900 : i32
      %select_n3A_902 = arith.select %and3A_899, %sub3A_901, %div3A_880 : i32
      %mul3A_903 = arith.constant 200 : i32
      %mul3A_904 = arith.muli %select_n3A_902, %mul3A_903 : i32
      %add3A_905 = arith.constant 0 : i32
      %add3A_906 = arith.addi %mul3A_904, %add3A_905 : i32
      %dma_start3A_907 = arith.constant 2 : i32
      %dma_start3A_908 = arith.constant 0 : i32
      %dma_start3A_909 = arith.constant 0 : i32
      %dma_start3A_910 = tpu.memref_slice %arg6[%dma_start3A_907, %dma_start3A_908, %dma_start3A_909] : memref<8x104x64xf32, #tpu.memory_space<vmem>> -> memref<1x104x64xf32, #tpu.memory_space<vmem>>
      %dma_start3A_911 = tpu.memref_squeeze %dma_start3A_910 : memref<1x104x64xf32, #tpu.memory_space<vmem>> -> memref<104x64xf32, #tpu.memory_space<vmem>>
      %dma_start3A_912 = arith.constant 0 : i32
      %dma_start3A_913 = arith.constant 0 : i32
      %dma_start3A_914 = tpu.memref_slice %dma_start3A_911[%dma_start3A_912, %dma_start3A_913] : memref<104x64xf32, #tpu.memory_space<vmem>> -> memref<104x64xf32, #tpu.memory_space<vmem>>
      %dma_start3A_915 = tpu.memref_slice %arg5[%add3A_906] : memref<25600xi32, #tpu.memory_space<vmem>> -> memref<104xi32, #tpu.memory_space<vmem>>
      %dma_start3A_916 = arith.constant 0 : i32
      %dma_start3A_917 = arith.constant 0 : i32
      %dma_start3A_918 = tpu.memref_slice %arg3[%dma_start3A_916, %dma_start3A_917] : memref<1000000x64xf32, #tpu.memory_space<hbm>> -> memref<1000000x64xf32, #tpu.memory_space<hbm>>
      tpu.enqueue_indirect_dma source(%dma_start3A_918 : memref<1000000x64xf32, #tpu.memory_space<hbm>>) target(%dma_start3A_914 : memref<104x64xf32, #tpu.memory_space<vmem>>) offsets(%dma_start3A_915 : memref<104xi32, #tpu.memory_space<vmem>>) semaphore(%arg9 : memref<!tpu.dma_semaphore, #tpu.memory_space<semaphore_mem>>)
      %dma_wait3A_919 = arith.constant 3 : i32
      %dma_wait3A_920 = arith.constant 0 : i32
      %dma_wait3A_921 = arith.constant 0 : i32
      %dma_wait3A_922 = arith.constant 0 : i32
      %dma_wait3A_923 = tpu.memref_slice %arg6[%dma_wait3A_919, %dma_wait3A_921, %dma_wait3A_922] : memref<8x104x64xf32, #tpu.memory_space<vmem>> -> memref<1x104x64xf32, #tpu.memory_space<vmem>>
      %dma_wait3A_924 = tpu.memref_squeeze %dma_wait3A_923 : memref<1x104x64xf32, #tpu.memory_space<vmem>> -> memref<104x64xf32, #tpu.memory_space<vmem>>
      %dma_wait3A_925 = arith.constant 0 : i32
      %dma_wait3A_926 = arith.constant 0 : i32
      %dma_wait3A_927 = tpu.memref_slice %dma_wait3A_924[%dma_wait3A_925, %dma_wait3A_926] : memref<104x64xf32, #tpu.memory_space<vmem>> -> memref<96x64xf32, #tpu.memory_space<vmem>>
      %dma_wait3A_928 = arith.constant 0 : i32
      %dma_wait3A_929 = arith.constant 0 : i32
      %dma_wait3A_930 = tpu.memref_slice %arg4[%dma_wait3A_920, %dma_wait3A_928, %dma_wait3A_929] : memref<4096x200x64xf32, #tpu.memory_space<hbm>> -> memref<1x200x64xf32, #tpu.memory_space<hbm>>
      %dma_wait3A_931 = tpu.memref_squeeze %dma_wait3A_930 : memref<1x200x64xf32, #tpu.memory_space<hbm>> -> memref<200x64xf32, #tpu.memory_space<hbm>>
      %dma_wait3A_932 = arith.constant 0 : i32
      %dma_wait3A_933 = arith.constant 0 : i32
      %dma_wait3A_934 = tpu.memref_slice %dma_wait3A_931[%dma_wait3A_932, %dma_wait3A_933] : memref<200x64xf32, #tpu.memory_space<hbm>> -> memref<96x64xf32, #tpu.memory_space<hbm>>
      %dma_wait3A_935 = arith.constant 0 : i32
      %dma_wait3A_936 = arith.constant 0 : i32
      %dma_wait3A_937 = tpu.memref_slice %arg4[%dma_wait3A_920, %dma_wait3A_935, %dma_wait3A_936] : memref<4096x200x64xf32, #tpu.memory_space<hbm>> -> memref<1x200x64xf32, #tpu.memory_space<hbm>>
      %dma_wait3A_938 = tpu.memref_squeeze %dma_wait3A_937 : memref<1x200x64xf32, #tpu.memory_space<hbm>> -> memref<200x64xf32, #tpu.memory_space<hbm>>
      %dma_wait3A_939 = arith.constant 0 : i32
      %dma_wait3A_940 = arith.constant 0 : i32
      %dma_wait3A_941 = tpu.memref_slice %dma_wait3A_938[%dma_wait3A_939, %dma_wait3A_940] : memref<200x64xf32, #tpu.memory_space<hbm>> -> memref<96x64xf32, #tpu.memory_space<hbm>>
      %dma_wait3A_942 = arith.constant 0 : i32
      %dma_wait3A_943 = arith.constant 0 : i32
      %dma_wait3A_944 = tpu.memref_slice %arg6[%dma_wait3A_919, %dma_wait3A_942, %dma_wait3A_943] : memref<8x104x64xf32, #tpu.memory_space<vmem>> -> memref<1x104x64xf32, #tpu.memory_space<vmem>>
      %dma_wait3A_945 = tpu.memref_squeeze %dma_wait3A_944 : memref<1x104x64xf32, #tpu.memory_space<vmem>> -> memref<104x64xf32, #tpu.memory_space<vmem>>
      %dma_wait3A_946 = arith.constant 0 : i32
      %dma_wait3A_947 = arith.constant 0 : i32
      %dma_wait3A_948 = tpu.memref_slice %dma_wait3A_945[%dma_wait3A_946, %dma_wait3A_947] : memref<104x64xf32, #tpu.memory_space<vmem>> -> memref<96x64xf32, #tpu.memory_space<vmem>>
      tpu.wait_dma2 semaphore(%arg18 : memref<!tpu.dma_semaphore, #tpu.memory_space<semaphore_mem>>) src(%dma_wait3A_948 : memref<96x64xf32, #tpu.memory_space<vmem>>) dst(%dma_wait3A_941 : memref<96x64xf32, #tpu.memory_space<hbm>>)
      %mul3A_949 = arith.constant 8 : i32
      %mul3A_950 = arith.muli %scan3A_704, %mul3A_949 : i32
      %add3A_951 = arith.constant 3 : i32
      %add3A_952 = arith.addi %mul3A_950, %add3A_951 : i32
      %jit3A_953 = arith.constant 2 : i32
      %div3A_954 = arith.divsi %add3A_952, %jit3A_953 : i32
      %sign3A_955 = arith.constant 0 : i32
      %sign3A_956 = arith.cmpi sgt, %add3A_952, %sign3A_955 : i32
      %sign3A_957 = arith.extui %sign3A_956 : i1 to i32
      %sign3A_958 = arith.constant 0 : i32
      %sign3A_959 = arith.cmpi slt, %add3A_952, %sign3A_958 : i32
      %sign3A_960 = arith.extui %sign3A_959 : i1 to i32
      %sign3A_961 = arith.subi %sign3A_957, %sign3A_960 : i32
      %sign3A_962 = arith.constant 0 : i32
      %sign3A_963 = arith.cmpi sgt, %jit3A_953, %sign3A_962 : i32
      %sign3A_964 = arith.extui %sign3A_963 : i1 to i32
      %sign3A_965 = arith.constant 0 : i32
      %sign3A_966 = arith.cmpi slt, %jit3A_953, %sign3A_965 : i32
      %sign3A_967 = arith.extui %sign3A_966 : i1 to i32
      %sign3A_968 = arith.subi %sign3A_964, %sign3A_967 : i32
      %ne3A_969 = arith.cmpi ne, %sign3A_961, %sign3A_968 : i32
      %rem3A_970 = arith.remsi %add3A_952, %jit3A_953 : i32
      %ne3A_971 = arith.constant 0 : i32
      %ne3A_972 = arith.cmpi ne, %rem3A_970, %ne3A_971 : i32
      %and3A_973 = arith.andi %ne3A_969, %ne3A_972 : i1
      %sub3A_974 = arith.constant 1 : i32
      %sub3A_975 = arith.subi %div3A_954, %sub3A_974 : i32
      %select_n3A_976 = arith.select %and3A_973, %sub3A_975, %div3A_954 : i32
      %mul3A_977 = arith.constant 200 : i32
      %mul3A_978 = arith.muli %select_n3A_976, %mul3A_977 : i32
      %add3A_979 = arith.constant 104 : i32
      %add3A_980 = arith.addi %mul3A_978, %add3A_979 : i32
      %dma_start3A_981 = arith.constant 3 : i32
      %dma_start3A_982 = arith.constant 0 : i32
      %dma_start3A_983 = arith.constant 0 : i32
      %dma_start3A_984 = tpu.memref_slice %arg6[%dma_start3A_981, %dma_start3A_982, %dma_start3A_983] : memref<8x104x64xf32, #tpu.memory_space<vmem>> -> memref<1x104x64xf32, #tpu.memory_space<vmem>>
      %dma_start3A_985 = tpu.memref_squeeze %dma_start3A_984 : memref<1x104x64xf32, #tpu.memory_space<vmem>> -> memref<104x64xf32, #tpu.memory_space<vmem>>
      %dma_start3A_986 = arith.constant 0 : i32
      %dma_start3A_987 = arith.constant 0 : i32
      %dma_start3A_988 = tpu.memref_slice %dma_start3A_985[%dma_start3A_986, %dma_start3A_987] : memref<104x64xf32, #tpu.memory_space<vmem>> -> memref<96x64xf32, #tpu.memory_space<vmem>>
      %dma_start3A_989 = tpu.memref_slice %arg5[%add3A_980] : memref<25600xi32, #tpu.memory_space<vmem>> -> memref<96xi32, #tpu.memory_space<vmem>>
      %dma_start3A_990 = arith.constant 0 : i32
      %dma_start3A_991 = arith.constant 0 : i32
      %dma_start3A_992 = tpu.memref_slice %arg3[%dma_start3A_990, %dma_start3A_991] : memref<1000000x64xf32, #tpu.memory_space<hbm>> -> memref<1000000x64xf32, #tpu.memory_space<hbm>>
      tpu.enqueue_indirect_dma source(%dma_start3A_992 : memref<1000000x64xf32, #tpu.memory_space<hbm>>) target(%dma_start3A_988 : memref<96x64xf32, #tpu.memory_space<vmem>>) offsets(%dma_start3A_989 : memref<96xi32, #tpu.memory_space<vmem>>) semaphore(%arg10 : memref<!tpu.dma_semaphore, #tpu.memory_space<semaphore_mem>>)
      %dma_wait3A_993 = arith.constant 4 : i32
      %dma_wait3A_994 = arith.constant 0 : i32
      %dma_wait3A_995 = arith.constant 0 : i32
      %dma_wait3A_996 = arith.constant 0 : i32
      %dma_wait3A_997 = tpu.memref_slice %arg6[%dma_wait3A_993, %dma_wait3A_995, %dma_wait3A_996] : memref<8x104x64xf32, #tpu.memory_space<vmem>> -> memref<1x104x64xf32, #tpu.memory_space<vmem>>
      %dma_wait3A_998 = tpu.memref_squeeze %dma_wait3A_997 : memref<1x104x64xf32, #tpu.memory_space<vmem>> -> memref<104x64xf32, #tpu.memory_space<vmem>>
      %dma_wait3A_999 = arith.constant 0 : i32
      %dma_wait3A_1000 = arith.constant 0 : i32
      %dma_wait3A_1001 = tpu.memref_slice %dma_wait3A_998[%dma_wait3A_999, %dma_wait3A_1000] : memref<104x64xf32, #tpu.memory_space<vmem>> -> memref<104x64xf32, #tpu.memory_space<vmem>>
      %dma_wait3A_1002 = arith.constant 0 : i32
      %dma_wait3A_1003 = arith.constant 0 : i32
      %dma_wait3A_1004 = tpu.memref_slice %arg4[%dma_wait3A_994, %dma_wait3A_1002, %dma_wait3A_1003] : memref<4096x200x64xf32, #tpu.memory_space<hbm>> -> memref<1x200x64xf32, #tpu.memory_space<hbm>>
      %dma_wait3A_1005 = tpu.memref_squeeze %dma_wait3A_1004 : memref<1x200x64xf32, #tpu.memory_space<hbm>> -> memref<200x64xf32, #tpu.memory_space<hbm>>
      %dma_wait3A_1006 = arith.constant 0 : i32
      %dma_wait3A_1007 = arith.constant 0 : i32
      %dma_wait3A_1008 = tpu.memref_slice %dma_wait3A_1005[%dma_wait3A_1006, %dma_wait3A_1007] : memref<200x64xf32, #tpu.memory_space<hbm>> -> memref<104x64xf32, #tpu.memory_space<hbm>>
      %dma_wait3A_1009 = arith.constant 0 : i32
      %dma_wait3A_1010 = arith.constant 0 : i32
      %dma_wait3A_1011 = tpu.memref_slice %arg4[%dma_wait3A_994, %dma_wait3A_1009, %dma_wait3A_1010] : memref<4096x200x64xf32, #tpu.memory_space<hbm>> -> memref<1x200x64xf32, #tpu.memory_space<hbm>>
      %dma_wait3A_1012 = tpu.memref_squeeze %dma_wait3A_1011 : memref<1x200x64xf32, #tpu.memory_space<hbm>> -> memref<200x64xf32, #tpu.memory_space<hbm>>
      %dma_wait3A_1013 = arith.constant 0 : i32
      %dma_wait3A_1014 = arith.constant 0 : i32
      %dma_wait3A_1015 = tpu.memref_slice %dma_wait3A_1012[%dma_wait3A_1013, %dma_wait3A_1014] : memref<200x64xf32, #tpu.memory_space<hbm>> -> memref<104x64xf32, #tpu.memory_space<hbm>>
      %dma_wait3A_1016 = arith.constant 0 : i32
      %dma_wait3A_1017 = arith.constant 0 : i32
      %dma_wait3A_1018 = tpu.memref_slice %arg6[%dma_wait3A_993, %dma_wait3A_1016, %dma_wait3A_1017] : memref<8x104x64xf32, #tpu.memory_space<vmem>> -> memref<1x104x64xf32, #tpu.memory_space<vmem>>
      %dma_wait3A_1019 = tpu.memref_squeeze %dma_wait3A_1018 : memref<1x104x64xf32, #tpu.memory_space<vmem>> -> memref<104x64xf32, #tpu.memory_space<vmem>>
      %dma_wait3A_1020 = arith.constant 0 : i32
      %dma_wait3A_1021 = arith.constant 0 : i32
      %dma_wait3A_1022 = tpu.memref_slice %dma_wait3A_1019[%dma_wait3A_1020, %dma_wait3A_1021] : memref<104x64xf32, #tpu.memory_space<vmem>> -> memref<104x64xf32, #tpu.memory_space<vmem>>
      tpu.wait_dma2 semaphore(%arg19 : memref<!tpu.dma_semaphore, #tpu.memory_space<semaphore_mem>>) src(%dma_wait3A_1022 : memref<104x64xf32, #tpu.memory_space<vmem>>) dst(%dma_wait3A_1015 : memref<104x64xf32, #tpu.memory_space<hbm>>)
      %mul3A_1023 = arith.constant 8 : i32
      %mul3A_1024 = arith.muli %scan3A_704, %mul3A_1023 : i32
      %add3A_1025 = arith.constant 4 : i32
      %add3A_1026 = arith.addi %mul3A_1024, %add3A_1025 : i32
      %jit3A_1027 = arith.constant 2 : i32
      %div3A_1028 = arith.divsi %add3A_1026, %jit3A_1027 : i32
      %sign3A_1029 = arith.constant 0 : i32
      %sign3A_1030 = arith.cmpi sgt, %add3A_1026, %sign3A_1029 : i32
      %sign3A_1031 = arith.extui %sign3A_1030 : i1 to i32
      %sign3A_1032 = arith.constant 0 : i32
      %sign3A_1033 = arith.cmpi slt, %add3A_1026, %sign3A_1032 : i32
      %sign3A_1034 = arith.extui %sign3A_1033 : i1 to i32
      %sign3A_1035 = arith.subi %sign3A_1031, %sign3A_1034 : i32
      %sign3A_1036 = arith.constant 0 : i32
      %sign3A_1037 = arith.cmpi sgt, %jit3A_1027, %sign3A_1036 : i32
      %sign3A_1038 = arith.extui %sign3A_1037 : i1 to i32
      %sign3A_1039 = arith.constant 0 : i32
      %sign3A_1040 = arith.cmpi slt, %jit3A_1027, %sign3A_1039 : i32
      %sign3A_1041 = arith.extui %sign3A_1040 : i1 to i32
      %sign3A_1042 = arith.subi %sign3A_1038, %sign3A_1041 : i32
      %ne3A_1043 = arith.cmpi ne, %sign3A_1035, %sign3A_1042 : i32
      %rem3A_1044 = arith.remsi %add3A_1026, %jit3A_1027 : i32
      %ne3A_1045 = arith.constant 0 : i32
      %ne3A_1046 = arith.cmpi ne, %rem3A_1044, %ne3A_1045 : i32
      %and3A_1047 = arith.andi %ne3A_1043, %ne3A_1046 : i1
      %sub3A_1048 = arith.constant 1 : i32
      %sub3A_1049 = arith.subi %div3A_1028, %sub3A_1048 : i32
      %select_n3A_1050 = arith.select %and3A_1047, %sub3A_1049, %div3A_1028 : i32
      %mul3A_1051 = arith.constant 200 : i32
      %mul3A_1052 = arith.muli %select_n3A_1050, %mul3A_1051 : i32
      %add3A_1053 = arith.constant 0 : i32
      %add3A_1054 = arith.addi %mul3A_1052, %add3A_1053 : i32
      %dma_start3A_1055 = arith.constant 4 : i32
      %dma_start3A_1056 = arith.constant 0 : i32
      %dma_start3A_1057 = arith.constant 0 : i32
      %dma_start3A_1058 = tpu.memref_slice %arg6[%dma_start3A_1055, %dma_start3A_1056, %dma_start3A_1057] : memref<8x104x64xf32, #tpu.memory_space<vmem>> -> memref<1x104x64xf32, #tpu.memory_space<vmem>>
      %dma_start3A_1059 = tpu.memref_squeeze %dma_start3A_1058 : memref<1x104x64xf32, #tpu.memory_space<vmem>> -> memref<104x64xf32, #tpu.memory_space<vmem>>
      %dma_start3A_1060 = arith.constant 0 : i32
      %dma_start3A_1061 = arith.constant 0 : i32
      %dma_start3A_1062 = tpu.memref_slice %dma_start3A_1059[%dma_start3A_1060, %dma_start3A_1061] : memref<104x64xf32, #tpu.memory_space<vmem>> -> memref<104x64xf32, #tpu.memory_space<vmem>>
      %dma_start3A_1063 = tpu.memref_slice %arg5[%add3A_1054] : memref<25600xi32, #tpu.memory_space<vmem>> -> memref<104xi32, #tpu.memory_space<vmem>>
      %dma_start3A_1064 = arith.constant 0 : i32
      %dma_start3A_1065 = arith.constant 0 : i32
      %dma_start3A_1066 = tpu.memref_slice %arg3[%dma_start3A_1064, %dma_start3A_1065] : memref<1000000x64xf32, #tpu.memory_space<hbm>> -> memref<1000000x64xf32, #tpu.memory_space<hbm>>
      tpu.enqueue_indirect_dma source(%dma_start3A_1066 : memref<1000000x64xf32, #tpu.memory_space<hbm>>) target(%dma_start3A_1062 : memref<104x64xf32, #tpu.memory_space<vmem>>) offsets(%dma_start3A_1063 : memref<104xi32, #tpu.memory_space<vmem>>) semaphore(%arg11 : memref<!tpu.dma_semaphore, #tpu.memory_space<semaphore_mem>>)
      %dma_wait3A_1067 = arith.constant 5 : i32
      %dma_wait3A_1068 = arith.constant 0 : i32
      %dma_wait3A_1069 = arith.constant 0 : i32
      %dma_wait3A_1070 = arith.constant 0 : i32
      %dma_wait3A_1071 = tpu.memref_slice %arg6[%dma_wait3A_1067, %dma_wait3A_1069, %dma_wait3A_1070] : memref<8x104x64xf32, #tpu.memory_space<vmem>> -> memref<1x104x64xf32, #tpu.memory_space<vmem>>
      %dma_wait3A_1072 = tpu.memref_squeeze %dma_wait3A_1071 : memref<1x104x64xf32, #tpu.memory_space<vmem>> -> memref<104x64xf32, #tpu.memory_space<vmem>>
      %dma_wait3A_1073 = arith.constant 0 : i32
      %dma_wait3A_1074 = arith.constant 0 : i32
      %dma_wait3A_1075 = tpu.memref_slice %dma_wait3A_1072[%dma_wait3A_1073, %dma_wait3A_1074] : memref<104x64xf32, #tpu.memory_space<vmem>> -> memref<96x64xf32, #tpu.memory_space<vmem>>
      %dma_wait3A_1076 = arith.constant 0 : i32
      %dma_wait3A_1077 = arith.constant 0 : i32
      %dma_wait3A_1078 = tpu.memref_slice %arg4[%dma_wait3A_1068, %dma_wait3A_1076, %dma_wait3A_1077] : memref<4096x200x64xf32, #tpu.memory_space<hbm>> -> memref<1x200x64xf32, #tpu.memory_space<hbm>>
      %dma_wait3A_1079 = tpu.memref_squeeze %dma_wait3A_1078 : memref<1x200x64xf32, #tpu.memory_space<hbm>> -> memref<200x64xf32, #tpu.memory_space<hbm>>
      %dma_wait3A_1080 = arith.constant 0 : i32
      %dma_wait3A_1081 = arith.constant 0 : i32
      %dma_wait3A_1082 = tpu.memref_slice %dma_wait3A_1079[%dma_wait3A_1080, %dma_wait3A_1081] : memref<200x64xf32, #tpu.memory_space<hbm>> -> memref<96x64xf32, #tpu.memory_space<hbm>>
      %dma_wait3A_1083 = arith.constant 0 : i32
      %dma_wait3A_1084 = arith.constant 0 : i32
      %dma_wait3A_1085 = tpu.memref_slice %arg4[%dma_wait3A_1068, %dma_wait3A_1083, %dma_wait3A_1084] : memref<4096x200x64xf32, #tpu.memory_space<hbm>> -> memref<1x200x64xf32, #tpu.memory_space<hbm>>
      %dma_wait3A_1086 = tpu.memref_squeeze %dma_wait3A_1085 : memref<1x200x64xf32, #tpu.memory_space<hbm>> -> memref<200x64xf32, #tpu.memory_space<hbm>>
      %dma_wait3A_1087 = arith.constant 0 : i32
      %dma_wait3A_1088 = arith.constant 0 : i32
      %dma_wait3A_1089 = tpu.memref_slice %dma_wait3A_1086[%dma_wait3A_1087, %dma_wait3A_1088] : memref<200x64xf32, #tpu.memory_space<hbm>> -> memref<96x64xf32, #tpu.memory_space<hbm>>
      %dma_wait3A_1090 = arith.constant 0 : i32
      %dma_wait3A_1091 = arith.constant 0 : i32
      %dma_wait3A_1092 = tpu.memref_slice %arg6[%dma_wait3A_1067, %dma_wait3A_1090, %dma_wait3A_1091] : memref<8x104x64xf32, #tpu.memory_space<vmem>> -> memref<1x104x64xf32, #tpu.memory_space<vmem>>
      %dma_wait3A_1093 = tpu.memref_squeeze %dma_wait3A_1092 : memref<1x104x64xf32, #tpu.memory_space<vmem>> -> memref<104x64xf32, #tpu.memory_space<vmem>>
      %dma_wait3A_1094 = arith.constant 0 : i32
      %dma_wait3A_1095 = arith.constant 0 : i32
      %dma_wait3A_1096 = tpu.memref_slice %dma_wait3A_1093[%dma_wait3A_1094, %dma_wait3A_1095] : memref<104x64xf32, #tpu.memory_space<vmem>> -> memref<96x64xf32, #tpu.memory_space<vmem>>
      tpu.wait_dma2 semaphore(%arg20 : memref<!tpu.dma_semaphore, #tpu.memory_space<semaphore_mem>>) src(%dma_wait3A_1096 : memref<96x64xf32, #tpu.memory_space<vmem>>) dst(%dma_wait3A_1089 : memref<96x64xf32, #tpu.memory_space<hbm>>)
      %mul3A_1097 = arith.constant 8 : i32
      %mul3A_1098 = arith.muli %scan3A_704, %mul3A_1097 : i32
      %add3A_1099 = arith.constant 5 : i32
      %add3A_1100 = arith.addi %mul3A_1098, %add3A_1099 : i32
      %jit3A_1101 = arith.constant 2 : i32
      %div3A_1102 = arith.divsi %add3A_1100, %jit3A_1101 : i32
      %sign3A_1103 = arith.constant 0 : i32
      %sign3A_1104 = arith.cmpi sgt, %add3A_1100, %sign3A_1103 : i32
      %sign3A_1105 = arith.extui %sign3A_1104 : i1 to i32
      %sign3A_1106 = arith.constant 0 : i32
      %sign3A_1107 = arith.cmpi slt, %add3A_1100, %sign3A_1106 : i32
      %sign3A_1108 = arith.extui %sign3A_1107 : i1 to i32
      %sign3A_1109 = arith.subi %sign3A_1105, %sign3A_1108 : i32
      %sign3A_1110 = arith.constant 0 : i32
      %sign3A_1111 = arith.cmpi sgt, %jit3A_1101, %sign3A_1110 : i32
      %sign3A_1112 = arith.extui %sign3A_1111 : i1 to i32
      %sign3A_1113 = arith.constant 0 : i32
      %sign3A_1114 = arith.cmpi slt, %jit3A_1101, %sign3A_1113 : i32
      %sign3A_1115 = arith.extui %sign3A_1114 : i1 to i32
      %sign3A_1116 = arith.subi %sign3A_1112, %sign3A_1115 : i32
      %ne3A_1117 = arith.cmpi ne, %sign3A_1109, %sign3A_1116 : i32
      %rem3A_1118 = arith.remsi %add3A_1100, %jit3A_1101 : i32
      %ne3A_1119 = arith.constant 0 : i32
      %ne3A_1120 = arith.cmpi ne, %rem3A_1118, %ne3A_1119 : i32
      %and3A_1121 = arith.andi %ne3A_1117, %ne3A_1120 : i1
      %sub3A_1122 = arith.constant 1 : i32
      %sub3A_1123 = arith.subi %div3A_1102, %sub3A_1122 : i32
      %select_n3A_1124 = arith.select %and3A_1121, %sub3A_1123, %div3A_1102 : i32
      %mul3A_1125 = arith.constant 200 : i32
      %mul3A_1126 = arith.muli %select_n3A_1124, %mul3A_1125 : i32
      %add3A_1127 = arith.constant 104 : i32
      %add3A_1128 = arith.addi %mul3A_1126, %add3A_1127 : i32
      %dma_start3A_1129 = arith.constant 5 : i32
      %dma_start3A_1130 = arith.constant 0 : i32
      %dma_start3A_1131 = arith.constant 0 : i32
      %dma_start3A_1132 = tpu.memref_slice %arg6[%dma_start3A_1129, %dma_start3A_1130, %dma_start3A_1131] : memref<8x104x64xf32, #tpu.memory_space<vmem>> -> memref<1x104x64xf32, #tpu.memory_space<vmem>>
      %dma_start3A_1133 = tpu.memref_squeeze %dma_start3A_1132 : memref<1x104x64xf32, #tpu.memory_space<vmem>> -> memref<104x64xf32, #tpu.memory_space<vmem>>
      %dma_start3A_1134 = arith.constant 0 : i32
      %dma_start3A_1135 = arith.constant 0 : i32
      %dma_start3A_1136 = tpu.memref_slice %dma_start3A_1133[%dma_start3A_1134, %dma_start3A_1135] : memref<104x64xf32, #tpu.memory_space<vmem>> -> memref<96x64xf32, #tpu.memory_space<vmem>>
      %dma_start3A_1137 = tpu.memref_slice %arg5[%add3A_1128] : memref<25600xi32, #tpu.memory_space<vmem>> -> memref<96xi32, #tpu.memory_space<vmem>>
      %dma_start3A_1138 = arith.constant 0 : i32
      %dma_start3A_1139 = arith.constant 0 : i32
      %dma_start3A_1140 = tpu.memref_slice %arg3[%dma_start3A_1138, %dma_start3A_1139] : memref<1000000x64xf32, #tpu.memory_space<hbm>> -> memref<1000000x64xf32, #tpu.memory_space<hbm>>
      tpu.enqueue_indirect_dma source(%dma_start3A_1140 : memref<1000000x64xf32, #tpu.memory_space<hbm>>) target(%dma_start3A_1136 : memref<96x64xf32, #tpu.memory_space<vmem>>) offsets(%dma_start3A_1137 : memref<96xi32, #tpu.memory_space<vmem>>) semaphore(%arg12 : memref<!tpu.dma_semaphore, #tpu.memory_space<semaphore_mem>>)
      %dma_wait3A_1141 = arith.constant 6 : i32
      %dma_wait3A_1142 = arith.constant 0 : i32
      %dma_wait3A_1143 = arith.constant 0 : i32
      %dma_wait3A_1144 = arith.constant 0 : i32
      %dma_wait3A_1145 = tpu.memref_slice %arg6[%dma_wait3A_1141, %dma_wait3A_1143, %dma_wait3A_1144] : memref<8x104x64xf32, #tpu.memory_space<vmem>> -> memref<1x104x64xf32, #tpu.memory_space<vmem>>
      %dma_wait3A_1146 = tpu.memref_squeeze %dma_wait3A_1145 : memref<1x104x64xf32, #tpu.memory_space<vmem>> -> memref<104x64xf32, #tpu.memory_space<vmem>>
      %dma_wait3A_1147 = arith.constant 0 : i32
      %dma_wait3A_1148 = arith.constant 0 : i32
      %dma_wait3A_1149 = tpu.memref_slice %dma_wait3A_1146[%dma_wait3A_1147, %dma_wait3A_1148] : memref<104x64xf32, #tpu.memory_space<vmem>> -> memref<104x64xf32, #tpu.memory_space<vmem>>
      %dma_wait3A_1150 = arith.constant 0 : i32
      %dma_wait3A_1151 = arith.constant 0 : i32
      %dma_wait3A_1152 = tpu.memref_slice %arg4[%dma_wait3A_1142, %dma_wait3A_1150, %dma_wait3A_1151] : memref<4096x200x64xf32, #tpu.memory_space<hbm>> -> memref<1x200x64xf32, #tpu.memory_space<hbm>>
      %dma_wait3A_1153 = tpu.memref_squeeze %dma_wait3A_1152 : memref<1x200x64xf32, #tpu.memory_space<hbm>> -> memref<200x64xf32, #tpu.memory_space<hbm>>
      %dma_wait3A_1154 = arith.constant 0 : i32
      %dma_wait3A_1155 = arith.constant 0 : i32
      %dma_wait3A_1156 = tpu.memref_slice %dma_wait3A_1153[%dma_wait3A_1154, %dma_wait3A_1155] : memref<200x64xf32, #tpu.memory_space<hbm>> -> memref<104x64xf32, #tpu.memory_space<hbm>>
      %dma_wait3A_1157 = arith.constant 0 : i32
      %dma_wait3A_1158 = arith.constant 0 : i32
      %dma_wait3A_1159 = tpu.memref_slice %arg4[%dma_wait3A_1142, %dma_wait3A_1157, %dma_wait3A_1158] : memref<4096x200x64xf32, #tpu.memory_space<hbm>> -> memref<1x200x64xf32, #tpu.memory_space<hbm>>
      %dma_wait3A_1160 = tpu.memref_squeeze %dma_wait3A_1159 : memref<1x200x64xf32, #tpu.memory_space<hbm>> -> memref<200x64xf32, #tpu.memory_space<hbm>>
      %dma_wait3A_1161 = arith.constant 0 : i32
      %dma_wait3A_1162 = arith.constant 0 : i32
      %dma_wait3A_1163 = tpu.memref_slice %dma_wait3A_1160[%dma_wait3A_1161, %dma_wait3A_1162] : memref<200x64xf32, #tpu.memory_space<hbm>> -> memref<104x64xf32, #tpu.memory_space<hbm>>
      %dma_wait3A_1164 = arith.constant 0 : i32
      %dma_wait3A_1165 = arith.constant 0 : i32
      %dma_wait3A_1166 = tpu.memref_slice %arg6[%dma_wait3A_1141, %dma_wait3A_1164, %dma_wait3A_1165] : memref<8x104x64xf32, #tpu.memory_space<vmem>> -> memref<1x104x64xf32, #tpu.memory_space<vmem>>
      %dma_wait3A_1167 = tpu.memref_squeeze %dma_wait3A_1166 : memref<1x104x64xf32, #tpu.memory_space<vmem>> -> memref<104x64xf32, #tpu.memory_space<vmem>>
      %dma_wait3A_1168 = arith.constant 0 : i32
      %dma_wait3A_1169 = arith.constant 0 : i32
      %dma_wait3A_1170 = tpu.memref_slice %dma_wait3A_1167[%dma_wait3A_1168, %dma_wait3A_1169] : memref<104x64xf32, #tpu.memory_space<vmem>> -> memref<104x64xf32, #tpu.memory_space<vmem>>
      tpu.wait_dma2 semaphore(%arg21 : memref<!tpu.dma_semaphore, #tpu.memory_space<semaphore_mem>>) src(%dma_wait3A_1170 : memref<104x64xf32, #tpu.memory_space<vmem>>) dst(%dma_wait3A_1163 : memref<104x64xf32, #tpu.memory_space<hbm>>)
      %mul3A_1171 = arith.constant 8 : i32
      %mul3A_1172 = arith.muli %scan3A_704, %mul3A_1171 : i32
      %add3A_1173 = arith.constant 6 : i32
      %add3A_1174 = arith.addi %mul3A_1172, %add3A_1173 : i32
      %jit3A_1175 = arith.constant 2 : i32
      %div3A_1176 = arith.divsi %add3A_1174, %jit3A_1175 : i32
      %sign3A_1177 = arith.constant 0 : i32
      %sign3A_1178 = arith.cmpi sgt, %add3A_1174, %sign3A_1177 : i32
      %sign3A_1179 = arith.extui %sign3A_1178 : i1 to i32
      %sign3A_1180 = arith.constant 0 : i32
      %sign3A_1181 = arith.cmpi slt, %add3A_1174, %sign3A_1180 : i32
      %sign3A_1182 = arith.extui %sign3A_1181 : i1 to i32
      %sign3A_1183 = arith.subi %sign3A_1179, %sign3A_1182 : i32
      %sign3A_1184 = arith.constant 0 : i32
      %sign3A_1185 = arith.cmpi sgt, %jit3A_1175, %sign3A_1184 : i32
      %sign3A_1186 = arith.extui %sign3A_1185 : i1 to i32
      %sign3A_1187 = arith.constant 0 : i32
      %sign3A_1188 = arith.cmpi slt, %jit3A_1175, %sign3A_1187 : i32
      %sign3A_1189 = arith.extui %sign3A_1188 : i1 to i32
      %sign3A_1190 = arith.subi %sign3A_1186, %sign3A_1189 : i32
      %ne3A_1191 = arith.cmpi ne, %sign3A_1183, %sign3A_1190 : i32
      %rem3A_1192 = arith.remsi %add3A_1174, %jit3A_1175 : i32
      %ne3A_1193 = arith.constant 0 : i32
      %ne3A_1194 = arith.cmpi ne, %rem3A_1192, %ne3A_1193 : i32
      %and3A_1195 = arith.andi %ne3A_1191, %ne3A_1194 : i1
      %sub3A_1196 = arith.constant 1 : i32
      %sub3A_1197 = arith.subi %div3A_1176, %sub3A_1196 : i32
      %select_n3A_1198 = arith.select %and3A_1195, %sub3A_1197, %div3A_1176 : i32
      %mul3A_1199 = arith.constant 200 : i32
      %mul3A_1200 = arith.muli %select_n3A_1198, %mul3A_1199 : i32
      %add3A_1201 = arith.constant 0 : i32
      %add3A_1202 = arith.addi %mul3A_1200, %add3A_1201 : i32
      %dma_start3A_1203 = arith.constant 6 : i32
      %dma_start3A_1204 = arith.constant 0 : i32
      %dma_start3A_1205 = arith.constant 0 : i32
      %dma_start3A_1206 = tpu.memref_slice %arg6[%dma_start3A_1203, %dma_start3A_1204, %dma_start3A_1205] : memref<8x104x64xf32, #tpu.memory_space<vmem>> -> memref<1x104x64xf32, #tpu.memory_space<vmem>>
      %dma_start3A_1207 = tpu.memref_squeeze %dma_start3A_1206 : memref<1x104x64xf32, #tpu.memory_space<vmem>> -> memref<104x64xf32, #tpu.memory_space<vmem>>
      %dma_start3A_1208 = arith.constant 0 : i32
      %dma_start3A_1209 = arith.constant 0 : i32
      %dma_start3A_1210 = tpu.memref_slice %dma_start3A_1207[%dma_start3A_1208, %dma_start3A_1209] : memref<104x64xf32, #tpu.memory_space<vmem>> -> memref<104x64xf32, #tpu.memory_space<vmem>>
      %dma_start3A_1211 = tpu.memref_slice %arg5[%add3A_1202] : memref<25600xi32, #tpu.memory_space<vmem>> -> memref<104xi32, #tpu.memory_space<vmem>>
      %dma_start3A_1212 = arith.constant 0 : i32
      %dma_start3A_1213 = arith.constant 0 : i32
      %dma_start3A_1214 = tpu.memref_slice %arg3[%dma_start3A_1212, %dma_start3A_1213] : memref<1000000x64xf32, #tpu.memory_space<hbm>> -> memref<1000000x64xf32, #tpu.memory_space<hbm>>
      tpu.enqueue_indirect_dma source(%dma_start3A_1214 : memref<1000000x64xf32, #tpu.memory_space<hbm>>) target(%dma_start3A_1210 : memref<104x64xf32, #tpu.memory_space<vmem>>) offsets(%dma_start3A_1211 : memref<104xi32, #tpu.memory_space<vmem>>) semaphore(%arg13 : memref<!tpu.dma_semaphore, #tpu.memory_space<semaphore_mem>>)
      %dma_wait3A_1215 = arith.constant 7 : i32
      %dma_wait3A_1216 = arith.constant 0 : i32
      %dma_wait3A_1217 = arith.constant 0 : i32
      %dma_wait3A_1218 = arith.constant 0 : i32
      %dma_wait3A_1219 = tpu.memref_slice %arg6[%dma_wait3A_1215, %dma_wait3A_1217, %dma_wait3A_1218] : memref<8x104x64xf32, #tpu.memory_space<vmem>> -> memref<1x104x64xf32, #tpu.memory_space<vmem>>
      %dma_wait3A_1220 = tpu.memref_squeeze %dma_wait3A_1219 : memref<1x104x64xf32, #tpu.memory_space<vmem>> -> memref<104x64xf32, #tpu.memory_space<vmem>>
      %dma_wait3A_1221 = arith.constant 0 : i32
      %dma_wait3A_1222 = arith.constant 0 : i32
      %dma_wait3A_1223 = tpu.memref_slice %dma_wait3A_1220[%dma_wait3A_1221, %dma_wait3A_1222] : memref<104x64xf32, #tpu.memory_space<vmem>> -> memref<96x64xf32, #tpu.memory_space<vmem>>
      %dma_wait3A_1224 = arith.constant 0 : i32
      %dma_wait3A_1225 = arith.constant 0 : i32
      %dma_wait3A_1226 = tpu.memref_slice %arg4[%dma_wait3A_1216, %dma_wait3A_1224, %dma_wait3A_1225] : memref<4096x200x64xf32, #tpu.memory_space<hbm>> -> memref<1x200x64xf32, #tpu.memory_space<hbm>>
      %dma_wait3A_1227 = tpu.memref_squeeze %dma_wait3A_1226 : memref<1x200x64xf32, #tpu.memory_space<hbm>> -> memref<200x64xf32, #tpu.memory_space<hbm>>
      %dma_wait3A_1228 = arith.constant 0 : i32
      %dma_wait3A_1229 = arith.constant 0 : i32
      %dma_wait3A_1230 = tpu.memref_slice %dma_wait3A_1227[%dma_wait3A_1228, %dma_wait3A_1229] : memref<200x64xf32, #tpu.memory_space<hbm>> -> memref<96x64xf32, #tpu.memory_space<hbm>>
      %dma_wait3A_1231 = arith.constant 0 : i32
      %dma_wait3A_1232 = arith.constant 0 : i32
      %dma_wait3A_1233 = tpu.memref_slice %arg4[%dma_wait3A_1216, %dma_wait3A_1231, %dma_wait3A_1232] : memref<4096x200x64xf32, #tpu.memory_space<hbm>> -> memref<1x200x64xf32, #tpu.memory_space<hbm>>
      %dma_wait3A_1234 = tpu.memref_squeeze %dma_wait3A_1233 : memref<1x200x64xf32, #tpu.memory_space<hbm>> -> memref<200x64xf32, #tpu.memory_space<hbm>>
      %dma_wait3A_1235 = arith.constant 0 : i32
      %dma_wait3A_1236 = arith.constant 0 : i32
      %dma_wait3A_1237 = tpu.memref_slice %dma_wait3A_1234[%dma_wait3A_1235, %dma_wait3A_1236] : memref<200x64xf32, #tpu.memory_space<hbm>> -> memref<96x64xf32, #tpu.memory_space<hbm>>
      %dma_wait3A_1238 = arith.constant 0 : i32
      %dma_wait3A_1239 = arith.constant 0 : i32
      %dma_wait3A_1240 = tpu.memref_slice %arg6[%dma_wait3A_1215, %dma_wait3A_1238, %dma_wait3A_1239] : memref<8x104x64xf32, #tpu.memory_space<vmem>> -> memref<1x104x64xf32, #tpu.memory_space<vmem>>
      %dma_wait3A_1241 = tpu.memref_squeeze %dma_wait3A_1240 : memref<1x104x64xf32, #tpu.memory_space<vmem>> -> memref<104x64xf32, #tpu.memory_space<vmem>>
      %dma_wait3A_1242 = arith.constant 0 : i32
      %dma_wait3A_1243 = arith.constant 0 : i32
      %dma_wait3A_1244 = tpu.memref_slice %dma_wait3A_1241[%dma_wait3A_1242, %dma_wait3A_1243] : memref<104x64xf32, #tpu.memory_space<vmem>> -> memref<96x64xf32, #tpu.memory_space<vmem>>
      tpu.wait_dma2 semaphore(%arg22 : memref<!tpu.dma_semaphore, #tpu.memory_space<semaphore_mem>>) src(%dma_wait3A_1244 : memref<96x64xf32, #tpu.memory_space<vmem>>) dst(%dma_wait3A_1237 : memref<96x64xf32, #tpu.memory_space<hbm>>)
      %mul3A_1245 = arith.constant 8 : i32
      %mul3A_1246 = arith.muli %scan3A_704, %mul3A_1245 : i32
      %add3A_1247 = arith.constant 7 : i32
      %add3A_1248 = arith.addi %mul3A_1246, %add3A_1247 : i32
      %jit3A_1249 = arith.constant 2 : i32
      %div3A_1250 = arith.divsi %add3A_1248, %jit3A_1249 : i32
      %sign3A_1251 = arith.constant 0 : i32
      %sign3A_1252 = arith.cmpi sgt, %add3A_1248, %sign3A_1251 : i32
      %sign3A_1253 = arith.extui %sign3A_1252 : i1 to i32
      %sign3A_1254 = arith.constant 0 : i32
      %sign3A_1255 = arith.cmpi slt, %add3A_1248, %sign3A_1254 : i32
      %sign3A_1256 = arith.extui %sign3A_1255 : i1 to i32
      %sign3A_1257 = arith.subi %sign3A_1253, %sign3A_1256 : i32
      %sign3A_1258 = arith.constant 0 : i32
      %sign3A_1259 = arith.cmpi sgt, %jit3A_1249, %sign3A_1258 : i32
      %sign3A_1260 = arith.extui %sign3A_1259 : i1 to i32
      %sign3A_1261 = arith.constant 0 : i32
      %sign3A_1262 = arith.cmpi slt, %jit3A_1249, %sign3A_1261 : i32
      %sign3A_1263 = arith.extui %sign3A_1262 : i1 to i32
      %sign3A_1264 = arith.subi %sign3A_1260, %sign3A_1263 : i32
      %ne3A_1265 = arith.cmpi ne, %sign3A_1257, %sign3A_1264 : i32
      %rem3A_1266 = arith.remsi %add3A_1248, %jit3A_1249 : i32
      %ne3A_1267 = arith.constant 0 : i32
      %ne3A_1268 = arith.cmpi ne, %rem3A_1266, %ne3A_1267 : i32
      %and3A_1269 = arith.andi %ne3A_1265, %ne3A_1268 : i1
      %sub3A_1270 = arith.constant 1 : i32
      %sub3A_1271 = arith.subi %div3A_1250, %sub3A_1270 : i32
      %select_n3A_1272 = arith.select %and3A_1269, %sub3A_1271, %div3A_1250 : i32
      %mul3A_1273 = arith.constant 200 : i32
      %mul3A_1274 = arith.muli %select_n3A_1272, %mul3A_1273 : i32
      %add3A_1275 = arith.constant 104 : i32
      %add3A_1276 = arith.addi %mul3A_1274, %add3A_1275 : i32
      %dma_start3A_1277 = arith.constant 7 : i32
      %dma_start3A_1278 = arith.constant 0 : i32
      %dma_start3A_1279 = arith.constant 0 : i32
      %dma_start3A_1280 = tpu.memref_slice %arg6[%dma_start3A_1277, %dma_start3A_1278, %dma_start3A_1279] : memref<8x104x64xf32, #tpu.memory_space<vmem>> -> memref<1x104x64xf32, #tpu.memory_space<vmem>>
      %dma_start3A_1281 = tpu.memref_squeeze %dma_start3A_1280 : memref<1x104x64xf32, #tpu.memory_space<vmem>> -> memref<104x64xf32, #tpu.memory_space<vmem>>
      %dma_start3A_1282 = arith.constant 0 : i32
      %dma_start3A_1283 = arith.constant 0 : i32
      %dma_start3A_1284 = tpu.memref_slice %dma_start3A_1281[%dma_start3A_1282, %dma_start3A_1283] : memref<104x64xf32, #tpu.memory_space<vmem>> -> memref<96x64xf32, #tpu.memory_space<vmem>>
      %dma_start3A_1285 = tpu.memref_slice %arg5[%add3A_1276] : memref<25600xi32, #tpu.memory_space<vmem>> -> memref<96xi32, #tpu.memory_space<vmem>>
      %dma_start3A_1286 = arith.constant 0 : i32
      %dma_start3A_1287 = arith.constant 0 : i32
      %dma_start3A_1288 = tpu.memref_slice %arg3[%dma_start3A_1286, %dma_start3A_1287] : memref<1000000x64xf32, #tpu.memory_space<hbm>> -> memref<1000000x64xf32, #tpu.memory_space<hbm>>
      tpu.enqueue_indirect_dma source(%dma_start3A_1288 : memref<1000000x64xf32, #tpu.memory_space<hbm>>) target(%dma_start3A_1284 : memref<96x64xf32, #tpu.memory_space<vmem>>) offsets(%dma_start3A_1285 : memref<96xi32, #tpu.memory_space<vmem>>) semaphore(%arg14 : memref<!tpu.dma_semaphore, #tpu.memory_space<semaphore_mem>>)
      %dma_wait3A_1289 = arith.constant 0 : i32
      %dma_wait3A_1290 = arith.constant 0 : i32
      %dma_wait3A_1291 = arith.constant 0 : i32
      %dma_wait3A_1292 = tpu.memref_slice %arg6[%dma_wait3A_1289, %dma_wait3A_1290, %dma_wait3A_1291] : memref<8x104x64xf32, #tpu.memory_space<vmem>> -> memref<1x104x64xf32, #tpu.memory_space<vmem>>
      %dma_wait3A_1293 = tpu.memref_squeeze %dma_wait3A_1292 : memref<1x104x64xf32, #tpu.memory_space<vmem>> -> memref<104x64xf32, #tpu.memory_space<vmem>>
      %dma_wait3A_1294 = arith.constant 0 : i32
      %dma_wait3A_1295 = arith.constant 0 : i32
      %dma_wait3A_1296 = tpu.memref_slice %dma_wait3A_1293[%dma_wait3A_1294, %dma_wait3A_1295] : memref<104x64xf32, #tpu.memory_space<vmem>> -> memref<104x64xf32, #tpu.memory_space<vmem>>
      %dma_wait3A_1297 = tpu.memref_slice %arg5[%add3A_758] : memref<25600xi32, #tpu.memory_space<vmem>> -> memref<104xi32, #tpu.memory_space<vmem>>
      %dma_wait3A_1298 = arith.constant 0 : i32
      %dma_wait3A_1299 = arith.constant 0 : i32
      %dma_wait3A_1300 = tpu.memref_slice %arg3[%dma_wait3A_1298, %dma_wait3A_1299] : memref<1000000x64xf32, #tpu.memory_space<hbm>> -> memref<1000000x64xf32, #tpu.memory_space<hbm>>
      tpu.wait_indirect_dma semaphore(%arg7 : memref<!tpu.dma_semaphore, #tpu.memory_space<semaphore_mem>>) src(%dma_wait3A_1300 : memref<1000000x64xf32, #tpu.memory_space<hbm>>) dst(%dma_wait3A_1296 : memref<104x64xf32, #tpu.memory_space<vmem>>)
      %mul3A_1301 = arith.constant 8 : i32
      %mul3A_1302 = arith.muli %scan3A_704, %mul3A_1301 : i32
      %add3A_1303 = arith.constant 0 : i32
      %add3A_1304 = arith.addi %mul3A_1302, %add3A_1303 : i32
      %jit3A_1305 = arith.constant 2 : i32
      %div3A_1306 = arith.divsi %add3A_1304, %jit3A_1305 : i32
      %sign3A_1307 = arith.constant 0 : i32
      %sign3A_1308 = arith.cmpi sgt, %add3A_1304, %sign3A_1307 : i32
      %sign3A_1309 = arith.extui %sign3A_1308 : i1 to i32
      %sign3A_1310 = arith.constant 0 : i32
      %sign3A_1311 = arith.cmpi slt, %add3A_1304, %sign3A_1310 : i32
      %sign3A_1312 = arith.extui %sign3A_1311 : i1 to i32
      %sign3A_1313 = arith.subi %sign3A_1309, %sign3A_1312 : i32
      %sign3A_1314 = arith.constant 0 : i32
      %sign3A_1315 = arith.cmpi sgt, %jit3A_1305, %sign3A_1314 : i32
      %sign3A_1316 = arith.extui %sign3A_1315 : i1 to i32
      %sign3A_1317 = arith.constant 0 : i32
      %sign3A_1318 = arith.cmpi slt, %jit3A_1305, %sign3A_1317 : i32
      %sign3A_1319 = arith.extui %sign3A_1318 : i1 to i32
      %sign3A_1320 = arith.subi %sign3A_1316, %sign3A_1319 : i32
      %ne3A_1321 = arith.cmpi ne, %sign3A_1313, %sign3A_1320 : i32
      %rem3A_1322 = arith.remsi %add3A_1304, %jit3A_1305 : i32
      %ne3A_1323 = arith.constant 0 : i32
      %ne3A_1324 = arith.cmpi ne, %rem3A_1322, %ne3A_1323 : i32
      %and3A_1325 = arith.andi %ne3A_1321, %ne3A_1324 : i1
      %sub3A_1326 = arith.constant 1 : i32
      %sub3A_1327 = arith.subi %div3A_1306, %sub3A_1326 : i32
      %select_n3A_1328 = arith.select %and3A_1325, %sub3A_1327, %div3A_1306 : i32
      %add3A_1329 = arith.addi %mul3A_2, %select_n3A_1328 : i32
      %dma_start3A_1330 = arith.constant 0 : i32
      %dma_start3A_1331 = arith.constant 0 : i32
      %dma_start3A_1332 = arith.constant 0 : i32
      %dma_start3A_1333 = tpu.memref_slice %arg6[%dma_start3A_1330, %dma_start3A_1331, %dma_start3A_1332] : memref<8x104x64xf32, #tpu.memory_space<vmem>> -> memref<1x104x64xf32, #tpu.memory_space<vmem>>
      %dma_start3A_1334 = tpu.memref_squeeze %dma_start3A_1333 : memref<1x104x64xf32, #tpu.memory_space<vmem>> -> memref<104x64xf32, #tpu.memory_space<vmem>>
      %dma_start3A_1335 = arith.constant 0 : i32
      %dma_start3A_1336 = arith.constant 0 : i32
      %dma_start3A_1337 = tpu.memref_slice %dma_start3A_1334[%dma_start3A_1335, %dma_start3A_1336] : memref<104x64xf32, #tpu.memory_space<vmem>> -> memref<104x64xf32, #tpu.memory_space<vmem>>
      %dma_start3A_1338 = arith.constant 0 : i32
      %dma_start3A_1339 = arith.constant 0 : i32
      %dma_start3A_1340 = tpu.memref_slice %arg4[%add3A_1329, %dma_start3A_1338, %dma_start3A_1339] : memref<4096x200x64xf32, #tpu.memory_space<hbm>> -> memref<1x200x64xf32, #tpu.memory_space<hbm>>
      %dma_start3A_1341 = tpu.memref_squeeze %dma_start3A_1340 : memref<1x200x64xf32, #tpu.memory_space<hbm>> -> memref<200x64xf32, #tpu.memory_space<hbm>>
      %dma_start3A_1342 = arith.constant 0 : i32
      %dma_start3A_1343 = arith.constant 0 : i32
      %dma_start3A_1344 = tpu.memref_slice %dma_start3A_1341[%dma_start3A_1342, %dma_start3A_1343] : memref<200x64xf32, #tpu.memory_space<hbm>> -> memref<104x64xf32, #tpu.memory_space<hbm>>
      %dma_start3A_1345 = arith.constant 0 : i32
      %dma_start3A_1346 = arith.constant 0 : i32
      %dma_start3A_1347 = tpu.memref_slice %arg4[%add3A_1329, %dma_start3A_1345, %dma_start3A_1346] : memref<4096x200x64xf32, #tpu.memory_space<hbm>> -> memref<1x200x64xf32, #tpu.memory_space<hbm>>
      %dma_start3A_1348 = tpu.memref_squeeze %dma_start3A_1347 : memref<1x200x64xf32, #tpu.memory_space<hbm>> -> memref<200x64xf32, #tpu.memory_space<hbm>>
      %dma_start3A_1349 = arith.constant 0 : i32
      %dma_start3A_1350 = arith.constant 0 : i32
      %dma_start3A_1351 = tpu.memref_slice %dma_start3A_1348[%dma_start3A_1349, %dma_start3A_1350] : memref<200x64xf32, #tpu.memory_space<hbm>> -> memref<104x64xf32, #tpu.memory_space<hbm>>
      %dma_start3A_1352 = arith.constant 0 : i32
      %dma_start3A_1353 = arith.constant 0 : i32
      %dma_start3A_1354 = tpu.memref_slice %arg6[%dma_start3A_1330, %dma_start3A_1352, %dma_start3A_1353] : memref<8x104x64xf32, #tpu.memory_space<vmem>> -> memref<1x104x64xf32, #tpu.memory_space<vmem>>
      %dma_start3A_1355 = tpu.memref_squeeze %dma_start3A_1354 : memref<1x104x64xf32, #tpu.memory_space<vmem>> -> memref<104x64xf32, #tpu.memory_space<vmem>>
      %dma_start3A_1356 = arith.constant 0 : i32
      %dma_start3A_1357 = arith.constant 0 : i32
      %dma_start3A_1358 = tpu.memref_slice %dma_start3A_1355[%dma_start3A_1356, %dma_start3A_1357] : memref<104x64xf32, #tpu.memory_space<vmem>> -> memref<104x64xf32, #tpu.memory_space<vmem>>
      tpu.enqueue_dma source(%dma_start3A_1358 : memref<104x64xf32, #tpu.memory_space<vmem>>) target(%dma_start3A_1351 : memref<104x64xf32, #tpu.memory_space<hbm>>) target_semaphore(%arg15 : memref<!tpu.dma_semaphore, #tpu.memory_space<semaphore_mem>>)
      %dma_wait3A_1359 = arith.constant 1 : i32
      %dma_wait3A_1360 = arith.constant 0 : i32
      %dma_wait3A_1361 = arith.constant 0 : i32
      %dma_wait3A_1362 = tpu.memref_slice %arg6[%dma_wait3A_1359, %dma_wait3A_1360, %dma_wait3A_1361] : memref<8x104x64xf32, #tpu.memory_space<vmem>> -> memref<1x104x64xf32, #tpu.memory_space<vmem>>
      %dma_wait3A_1363 = tpu.memref_squeeze %dma_wait3A_1362 : memref<1x104x64xf32, #tpu.memory_space<vmem>> -> memref<104x64xf32, #tpu.memory_space<vmem>>
      %dma_wait3A_1364 = arith.constant 0 : i32
      %dma_wait3A_1365 = arith.constant 0 : i32
      %dma_wait3A_1366 = tpu.memref_slice %dma_wait3A_1363[%dma_wait3A_1364, %dma_wait3A_1365] : memref<104x64xf32, #tpu.memory_space<vmem>> -> memref<96x64xf32, #tpu.memory_space<vmem>>
      %dma_wait3A_1367 = tpu.memref_slice %arg5[%add3A_832] : memref<25600xi32, #tpu.memory_space<vmem>> -> memref<96xi32, #tpu.memory_space<vmem>>
      %dma_wait3A_1368 = arith.constant 0 : i32
      %dma_wait3A_1369 = arith.constant 0 : i32
      %dma_wait3A_1370 = tpu.memref_slice %arg3[%dma_wait3A_1368, %dma_wait3A_1369] : memref<1000000x64xf32, #tpu.memory_space<hbm>> -> memref<1000000x64xf32, #tpu.memory_space<hbm>>
      tpu.wait_indirect_dma semaphore(%arg8 : memref<!tpu.dma_semaphore, #tpu.memory_space<semaphore_mem>>) src(%dma_wait3A_1370 : memref<1000000x64xf32, #tpu.memory_space<hbm>>) dst(%dma_wait3A_1366 : memref<96x64xf32, #tpu.memory_space<vmem>>)
      %mul3A_1371 = arith.constant 8 : i32
      %mul3A_1372 = arith.muli %scan3A_704, %mul3A_1371 : i32
      %add3A_1373 = arith.constant 1 : i32
      %add3A_1374 = arith.addi %mul3A_1372, %add3A_1373 : i32
      %jit3A_1375 = arith.constant 2 : i32
      %div3A_1376 = arith.divsi %add3A_1374, %jit3A_1375 : i32
      %sign3A_1377 = arith.constant 0 : i32
      %sign3A_1378 = arith.cmpi sgt, %add3A_1374, %sign3A_1377 : i32
      %sign3A_1379 = arith.extui %sign3A_1378 : i1 to i32
      %sign3A_1380 = arith.constant 0 : i32
      %sign3A_1381 = arith.cmpi slt, %add3A_1374, %sign3A_1380 : i32
      %sign3A_1382 = arith.extui %sign3A_1381 : i1 to i32
      %sign3A_1383 = arith.subi %sign3A_1379, %sign3A_1382 : i32
      %sign3A_1384 = arith.constant 0 : i32
      %sign3A_1385 = arith.cmpi sgt, %jit3A_1375, %sign3A_1384 : i32
      %sign3A_1386 = arith.extui %sign3A_1385 : i1 to i32
      %sign3A_1387 = arith.constant 0 : i32
      %sign3A_1388 = arith.cmpi slt, %jit3A_1375, %sign3A_1387 : i32
      %sign3A_1389 = arith.extui %sign3A_1388 : i1 to i32
      %sign3A_1390 = arith.subi %sign3A_1386, %sign3A_1389 : i32
      %ne3A_1391 = arith.cmpi ne, %sign3A_1383, %sign3A_1390 : i32
      %rem3A_1392 = arith.remsi %add3A_1374, %jit3A_1375 : i32
      %ne3A_1393 = arith.constant 0 : i32
      %ne3A_1394 = arith.cmpi ne, %rem3A_1392, %ne3A_1393 : i32
      %and3A_1395 = arith.andi %ne3A_1391, %ne3A_1394 : i1
      %sub3A_1396 = arith.constant 1 : i32
      %sub3A_1397 = arith.subi %div3A_1376, %sub3A_1396 : i32
      %select_n3A_1398 = arith.select %and3A_1395, %sub3A_1397, %div3A_1376 : i32
      %add3A_1399 = arith.addi %mul3A_2, %select_n3A_1398 : i32
      %dma_start3A_1400 = arith.constant 1 : i32
      %dma_start3A_1401 = arith.constant 0 : i32
      %dma_start3A_1402 = arith.constant 0 : i32
      %dma_start3A_1403 = tpu.memref_slice %arg6[%dma_start3A_1400, %dma_start3A_1401, %dma_start3A_1402] : memref<8x104x64xf32, #tpu.memory_space<vmem>> -> memref<1x104x64xf32, #tpu.memory_space<vmem>>
      %dma_start3A_1404 = tpu.memref_squeeze %dma_start3A_1403 : memref<1x104x64xf32, #tpu.memory_space<vmem>> -> memref<104x64xf32, #tpu.memory_space<vmem>>
      %dma_start3A_1405 = arith.constant 0 : i32
      %dma_start3A_1406 = arith.constant 0 : i32
      %dma_start3A_1407 = tpu.memref_slice %dma_start3A_1404[%dma_start3A_1405, %dma_start3A_1406] : memref<104x64xf32, #tpu.memory_space<vmem>> -> memref<96x64xf32, #tpu.memory_space<vmem>>
      %dma_start3A_1408 = arith.constant 0 : i32
      %dma_start3A_1409 = arith.constant 0 : i32
      %dma_start3A_1410 = tpu.memref_slice %arg4[%add3A_1399, %dma_start3A_1408, %dma_start3A_1409] : memref<4096x200x64xf32, #tpu.memory_space<hbm>> -> memref<1x200x64xf32, #tpu.memory_space<hbm>>
      %dma_start3A_1411 = tpu.memref_squeeze %dma_start3A_1410 : memref<1x200x64xf32, #tpu.memory_space<hbm>> -> memref<200x64xf32, #tpu.memory_space<hbm>>
      %dma_start3A_1412 = arith.constant 104 : i32
      %dma_start3A_1413 = arith.constant 0 : i32
      %dma_start3A_1414 = tpu.memref_slice %dma_start3A_1411[%dma_start3A_1412, %dma_start3A_1413] : memref<200x64xf32, #tpu.memory_space<hbm>> -> memref<96x64xf32, #tpu.memory_space<hbm>>
      %dma_start3A_1415 = arith.constant 0 : i32
      %dma_start3A_1416 = arith.constant 0 : i32
      %dma_start3A_1417 = tpu.memref_slice %arg4[%add3A_1399, %dma_start3A_1415, %dma_start3A_1416] : memref<4096x200x64xf32, #tpu.memory_space<hbm>> -> memref<1x200x64xf32, #tpu.memory_space<hbm>>
      %dma_start3A_1418 = tpu.memref_squeeze %dma_start3A_1417 : memref<1x200x64xf32, #tpu.memory_space<hbm>> -> memref<200x64xf32, #tpu.memory_space<hbm>>
      %dma_start3A_1419 = arith.constant 104 : i32
      %dma_start3A_1420 = arith.constant 0 : i32
      %dma_start3A_1421 = tpu.memref_slice %dma_start3A_1418[%dma_start3A_1419, %dma_start3A_1420] : memref<200x64xf32, #tpu.memory_space<hbm>> -> memref<96x64xf32, #tpu.memory_space<hbm>>
      %dma_start3A_1422 = arith.constant 0 : i32
      %dma_start3A_1423 = arith.constant 0 : i32
      %dma_start3A_1424 = tpu.memref_slice %arg6[%dma_start3A_1400, %dma_start3A_1422, %dma_start3A_1423] : memref<8x104x64xf32, #tpu.memory_space<vmem>> -> memref<1x104x64xf32, #tpu.memory_space<vmem>>
      %dma_start3A_1425 = tpu.memref_squeeze %dma_start3A_1424 : memref<1x104x64xf32, #tpu.memory_space<vmem>> -> memref<104x64xf32, #tpu.memory_space<vmem>>
      %dma_start3A_1426 = arith.constant 0 : i32
      %dma_start3A_1427 = arith.constant 0 : i32
      %dma_start3A_1428 = tpu.memref_slice %dma_start3A_1425[%dma_start3A_1426, %dma_start3A_1427] : memref<104x64xf32, #tpu.memory_space<vmem>> -> memref<96x64xf32, #tpu.memory_space<vmem>>
      tpu.enqueue_dma source(%dma_start3A_1428 : memref<96x64xf32, #tpu.memory_space<vmem>>) target(%dma_start3A_1421 : memref<96x64xf32, #tpu.memory_space<hbm>>) target_semaphore(%arg16 : memref<!tpu.dma_semaphore, #tpu.memory_space<semaphore_mem>>)
      %dma_wait3A_1429 = arith.constant 2 : i32
      %dma_wait3A_1430 = arith.constant 0 : i32
      %dma_wait3A_1431 = arith.constant 0 : i32
      %dma_wait3A_1432 = tpu.memref_slice %arg6[%dma_wait3A_1429, %dma_wait3A_1430, %dma_wait3A_1431] : memref<8x104x64xf32, #tpu.memory_space<vmem>> -> memref<1x104x64xf32, #tpu.memory_space<vmem>>
      %dma_wait3A_1433 = tpu.memref_squeeze %dma_wait3A_1432 : memref<1x104x64xf32, #tpu.memory_space<vmem>> -> memref<104x64xf32, #tpu.memory_space<vmem>>
      %dma_wait3A_1434 = arith.constant 0 : i32
      %dma_wait3A_1435 = arith.constant 0 : i32
      %dma_wait3A_1436 = tpu.memref_slice %dma_wait3A_1433[%dma_wait3A_1434, %dma_wait3A_1435] : memref<104x64xf32, #tpu.memory_space<vmem>> -> memref<104x64xf32, #tpu.memory_space<vmem>>
      %dma_wait3A_1437 = tpu.memref_slice %arg5[%add3A_906] : memref<25600xi32, #tpu.memory_space<vmem>> -> memref<104xi32, #tpu.memory_space<vmem>>
      %dma_wait3A_1438 = arith.constant 0 : i32
      %dma_wait3A_1439 = arith.constant 0 : i32
      %dma_wait3A_1440 = tpu.memref_slice %arg3[%dma_wait3A_1438, %dma_wait3A_1439] : memref<1000000x64xf32, #tpu.memory_space<hbm>> -> memref<1000000x64xf32, #tpu.memory_space<hbm>>
      tpu.wait_indirect_dma semaphore(%arg9 : memref<!tpu.dma_semaphore, #tpu.memory_space<semaphore_mem>>) src(%dma_wait3A_1440 : memref<1000000x64xf32, #tpu.memory_space<hbm>>) dst(%dma_wait3A_1436 : memref<104x64xf32, #tpu.memory_space<vmem>>)
      %mul3A_1441 = arith.constant 8 : i32
      %mul3A_1442 = arith.muli %scan3A_704, %mul3A_1441 : i32
      %add3A_1443 = arith.constant 2 : i32
      %add3A_1444 = arith.addi %mul3A_1442, %add3A_1443 : i32
      %jit3A_1445 = arith.constant 2 : i32
      %div3A_1446 = arith.divsi %add3A_1444, %jit3A_1445 : i32
      %sign3A_1447 = arith.constant 0 : i32
      %sign3A_1448 = arith.cmpi sgt, %add3A_1444, %sign3A_1447 : i32
      %sign3A_1449 = arith.extui %sign3A_1448 : i1 to i32
      %sign3A_1450 = arith.constant 0 : i32
      %sign3A_1451 = arith.cmpi slt, %add3A_1444, %sign3A_1450 : i32
      %sign3A_1452 = arith.extui %sign3A_1451 : i1 to i32
      %sign3A_1453 = arith.subi %sign3A_1449, %sign3A_1452 : i32
      %sign3A_1454 = arith.constant 0 : i32
      %sign3A_1455 = arith.cmpi sgt, %jit3A_1445, %sign3A_1454 : i32
      %sign3A_1456 = arith.extui %sign3A_1455 : i1 to i32
      %sign3A_1457 = arith.constant 0 : i32
      %sign3A_1458 = arith.cmpi slt, %jit3A_1445, %sign3A_1457 : i32
      %sign3A_1459 = arith.extui %sign3A_1458 : i1 to i32
      %sign3A_1460 = arith.subi %sign3A_1456, %sign3A_1459 : i32
      %ne3A_1461 = arith.cmpi ne, %sign3A_1453, %sign3A_1460 : i32
      %rem3A_1462 = arith.remsi %add3A_1444, %jit3A_1445 : i32
      %ne3A_1463 = arith.constant 0 : i32
      %ne3A_1464 = arith.cmpi ne, %rem3A_1462, %ne3A_1463 : i32
      %and3A_1465 = arith.andi %ne3A_1461, %ne3A_1464 : i1
      %sub3A_1466 = arith.constant 1 : i32
      %sub3A_1467 = arith.subi %div3A_1446, %sub3A_1466 : i32
      %select_n3A_1468 = arith.select %and3A_1465, %sub3A_1467, %div3A_1446 : i32
      %add3A_1469 = arith.addi %mul3A_2, %select_n3A_1468 : i32
      %dma_start3A_1470 = arith.constant 2 : i32
      %dma_start3A_1471 = arith.constant 0 : i32
      %dma_start3A_1472 = arith.constant 0 : i32
      %dma_start3A_1473 = tpu.memref_slice %arg6[%dma_start3A_1470, %dma_start3A_1471, %dma_start3A_1472] : memref<8x104x64xf32, #tpu.memory_space<vmem>> -> memref<1x104x64xf32, #tpu.memory_space<vmem>>
      %dma_start3A_1474 = tpu.memref_squeeze %dma_start3A_1473 : memref<1x104x64xf32, #tpu.memory_space<vmem>> -> memref<104x64xf32, #tpu.memory_space<vmem>>
      %dma_start3A_1475 = arith.constant 0 : i32
      %dma_start3A_1476 = arith.constant 0 : i32
      %dma_start3A_1477 = tpu.memref_slice %dma_start3A_1474[%dma_start3A_1475, %dma_start3A_1476] : memref<104x64xf32, #tpu.memory_space<vmem>> -> memref<104x64xf32, #tpu.memory_space<vmem>>
      %dma_start3A_1478 = arith.constant 0 : i32
      %dma_start3A_1479 = arith.constant 0 : i32
      %dma_start3A_1480 = tpu.memref_slice %arg4[%add3A_1469, %dma_start3A_1478, %dma_start3A_1479] : memref<4096x200x64xf32, #tpu.memory_space<hbm>> -> memref<1x200x64xf32, #tpu.memory_space<hbm>>
      %dma_start3A_1481 = tpu.memref_squeeze %dma_start3A_1480 : memref<1x200x64xf32, #tpu.memory_space<hbm>> -> memref<200x64xf32, #tpu.memory_space<hbm>>
      %dma_start3A_1482 = arith.constant 0 : i32
      %dma_start3A_1483 = arith.constant 0 : i32
      %dma_start3A_1484 = tpu.memref_slice %dma_start3A_1481[%dma_start3A_1482, %dma_start3A_1483] : memref<200x64xf32, #tpu.memory_space<hbm>> -> memref<104x64xf32, #tpu.memory_space<hbm>>
      %dma_start3A_1485 = arith.constant 0 : i32
      %dma_start3A_1486 = arith.constant 0 : i32
      %dma_start3A_1487 = tpu.memref_slice %arg4[%add3A_1469, %dma_start3A_1485, %dma_start3A_1486] : memref<4096x200x64xf32, #tpu.memory_space<hbm>> -> memref<1x200x64xf32, #tpu.memory_space<hbm>>
      %dma_start3A_1488 = tpu.memref_squeeze %dma_start3A_1487 : memref<1x200x64xf32, #tpu.memory_space<hbm>> -> memref<200x64xf32, #tpu.memory_space<hbm>>
      %dma_start3A_1489 = arith.constant 0 : i32
      %dma_start3A_1490 = arith.constant 0 : i32
      %dma_start3A_1491 = tpu.memref_slice %dma_start3A_1488[%dma_start3A_1489, %dma_start3A_1490] : memref<200x64xf32, #tpu.memory_space<hbm>> -> memref<104x64xf32, #tpu.memory_space<hbm>>
      %dma_start3A_1492 = arith.constant 0 : i32
      %dma_start3A_1493 = arith.constant 0 : i32
      %dma_start3A_1494 = tpu.memref_slice %arg6[%dma_start3A_1470, %dma_start3A_1492, %dma_start3A_1493] : memref<8x104x64xf32, #tpu.memory_space<vmem>> -> memref<1x104x64xf32, #tpu.memory_space<vmem>>
      %dma_start3A_1495 = tpu.memref_squeeze %dma_start3A_1494 : memref<1x104x64xf32, #tpu.memory_space<vmem>> -> memref<104x64xf32, #tpu.memory_space<vmem>>
      %dma_start3A_1496 = arith.constant 0 : i32
      %dma_start3A_1497 = arith.constant 0 : i32
      %dma_start3A_1498 = tpu.memref_slice %dma_start3A_1495[%dma_start3A_1496, %dma_start3A_1497] : memref<104x64xf32, #tpu.memory_space<vmem>> -> memref<104x64xf32, #tpu.memory_space<vmem>>
      tpu.enqueue_dma source(%dma_start3A_1498 : memref<104x64xf32, #tpu.memory_space<vmem>>) target(%dma_start3A_1491 : memref<104x64xf32, #tpu.memory_space<hbm>>) target_semaphore(%arg17 : memref<!tpu.dma_semaphore, #tpu.memory_space<semaphore_mem>>)
      %dma_wait3A_1499 = arith.constant 3 : i32
      %dma_wait3A_1500 = arith.constant 0 : i32
      %dma_wait3A_1501 = arith.constant 0 : i32
      %dma_wait3A_1502 = tpu.memref_slice %arg6[%dma_wait3A_1499, %dma_wait3A_1500, %dma_wait3A_1501] : memref<8x104x64xf32, #tpu.memory_space<vmem>> -> memref<1x104x64xf32, #tpu.memory_space<vmem>>
      %dma_wait3A_1503 = tpu.memref_squeeze %dma_wait3A_1502 : memref<1x104x64xf32, #tpu.memory_space<vmem>> -> memref<104x64xf32, #tpu.memory_space<vmem>>
      %dma_wait3A_1504 = arith.constant 0 : i32
      %dma_wait3A_1505 = arith.constant 0 : i32
      %dma_wait3A_1506 = tpu.memref_slice %dma_wait3A_1503[%dma_wait3A_1504, %dma_wait3A_1505] : memref<104x64xf32, #tpu.memory_space<vmem>> -> memref<96x64xf32, #tpu.memory_space<vmem>>
      %dma_wait3A_1507 = tpu.memref_slice %arg5[%add3A_980] : memref<25600xi32, #tpu.memory_space<vmem>> -> memref<96xi32, #tpu.memory_space<vmem>>
      %dma_wait3A_1508 = arith.constant 0 : i32
      %dma_wait3A_1509 = arith.constant 0 : i32
      %dma_wait3A_1510 = tpu.memref_slice %arg3[%dma_wait3A_1508, %dma_wait3A_1509] : memref<1000000x64xf32, #tpu.memory_space<hbm>> -> memref<1000000x64xf32, #tpu.memory_space<hbm>>
      tpu.wait_indirect_dma semaphore(%arg10 : memref<!tpu.dma_semaphore, #tpu.memory_space<semaphore_mem>>) src(%dma_wait3A_1510 : memref<1000000x64xf32, #tpu.memory_space<hbm>>) dst(%dma_wait3A_1506 : memref<96x64xf32, #tpu.memory_space<vmem>>)
      %mul3A_1511 = arith.constant 8 : i32
      %mul3A_1512 = arith.muli %scan3A_704, %mul3A_1511 : i32
      %add3A_1513 = arith.constant 3 : i32
      %add3A_1514 = arith.addi %mul3A_1512, %add3A_1513 : i32
      %jit3A_1515 = arith.constant 2 : i32
      %div3A_1516 = arith.divsi %add3A_1514, %jit3A_1515 : i32
      %sign3A_1517 = arith.constant 0 : i32
      %sign3A_1518 = arith.cmpi sgt, %add3A_1514, %sign3A_1517 : i32
      %sign3A_1519 = arith.extui %sign3A_1518 : i1 to i32
      %sign3A_1520 = arith.constant 0 : i32
      %sign3A_1521 = arith.cmpi slt, %add3A_1514, %sign3A_1520 : i32
      %sign3A_1522 = arith.extui %sign3A_1521 : i1 to i32
      %sign3A_1523 = arith.subi %sign3A_1519, %sign3A_1522 : i32
      %sign3A_1524 = arith.constant 0 : i32
      %sign3A_1525 = arith.cmpi sgt, %jit3A_1515, %sign3A_1524 : i32
      %sign3A_1526 = arith.extui %sign3A_1525 : i1 to i32
      %sign3A_1527 = arith.constant 0 : i32
      %sign3A_1528 = arith.cmpi slt, %jit3A_1515, %sign3A_1527 : i32
      %sign3A_1529 = arith.extui %sign3A_1528 : i1 to i32
      %sign3A_1530 = arith.subi %sign3A_1526, %sign3A_1529 : i32
      %ne3A_1531 = arith.cmpi ne, %sign3A_1523, %sign3A_1530 : i32
      %rem3A_1532 = arith.remsi %add3A_1514, %jit3A_1515 : i32
      %ne3A_1533 = arith.constant 0 : i32
      %ne3A_1534 = arith.cmpi ne, %rem3A_1532, %ne3A_1533 : i32
      %and3A_1535 = arith.andi %ne3A_1531, %ne3A_1534 : i1
      %sub3A_1536 = arith.constant 1 : i32
      %sub3A_1537 = arith.subi %div3A_1516, %sub3A_1536 : i32
      %select_n3A_1538 = arith.select %and3A_1535, %sub3A_1537, %div3A_1516 : i32
      %add3A_1539 = arith.addi %mul3A_2, %select_n3A_1538 : i32
      %dma_start3A_1540 = arith.constant 3 : i32
      %dma_start3A_1541 = arith.constant 0 : i32
      %dma_start3A_1542 = arith.constant 0 : i32
      %dma_start3A_1543 = tpu.memref_slice %arg6[%dma_start3A_1540, %dma_start3A_1541, %dma_start3A_1542] : memref<8x104x64xf32, #tpu.memory_space<vmem>> -> memref<1x104x64xf32, #tpu.memory_space<vmem>>
      %dma_start3A_1544 = tpu.memref_squeeze %dma_start3A_1543 : memref<1x104x64xf32, #tpu.memory_space<vmem>> -> memref<104x64xf32, #tpu.memory_space<vmem>>
      %dma_start3A_1545 = arith.constant 0 : i32
      %dma_start3A_1546 = arith.constant 0 : i32
      %dma_start3A_1547 = tpu.memref_slice %dma_start3A_1544[%dma_start3A_1545, %dma_start3A_1546] : memref<104x64xf32, #tpu.memory_space<vmem>> -> memref<96x64xf32, #tpu.memory_space<vmem>>
      %dma_start3A_1548 = arith.constant 0 : i32
      %dma_start3A_1549 = arith.constant 0 : i32
      %dma_start3A_1550 = tpu.memref_slice %arg4[%add3A_1539, %dma_start3A_1548, %dma_start3A_1549] : memref<4096x200x64xf32, #tpu.memory_space<hbm>> -> memref<1x200x64xf32, #tpu.memory_space<hbm>>
      %dma_start3A_1551 = tpu.memref_squeeze %dma_start3A_1550 : memref<1x200x64xf32, #tpu.memory_space<hbm>> -> memref<200x64xf32, #tpu.memory_space<hbm>>
      %dma_start3A_1552 = arith.constant 104 : i32
      %dma_start3A_1553 = arith.constant 0 : i32
      %dma_start3A_1554 = tpu.memref_slice %dma_start3A_1551[%dma_start3A_1552, %dma_start3A_1553] : memref<200x64xf32, #tpu.memory_space<hbm>> -> memref<96x64xf32, #tpu.memory_space<hbm>>
      %dma_start3A_1555 = arith.constant 0 : i32
      %dma_start3A_1556 = arith.constant 0 : i32
      %dma_start3A_1557 = tpu.memref_slice %arg4[%add3A_1539, %dma_start3A_1555, %dma_start3A_1556] : memref<4096x200x64xf32, #tpu.memory_space<hbm>> -> memref<1x200x64xf32, #tpu.memory_space<hbm>>
      %dma_start3A_1558 = tpu.memref_squeeze %dma_start3A_1557 : memref<1x200x64xf32, #tpu.memory_space<hbm>> -> memref<200x64xf32, #tpu.memory_space<hbm>>
      %dma_start3A_1559 = arith.constant 104 : i32
      %dma_start3A_1560 = arith.constant 0 : i32
      %dma_start3A_1561 = tpu.memref_slice %dma_start3A_1558[%dma_start3A_1559, %dma_start3A_1560] : memref<200x64xf32, #tpu.memory_space<hbm>> -> memref<96x64xf32, #tpu.memory_space<hbm>>
      %dma_start3A_1562 = arith.constant 0 : i32
      %dma_start3A_1563 = arith.constant 0 : i32
      %dma_start3A_1564 = tpu.memref_slice %arg6[%dma_start3A_1540, %dma_start3A_1562, %dma_start3A_1563] : memref<8x104x64xf32, #tpu.memory_space<vmem>> -> memref<1x104x64xf32, #tpu.memory_space<vmem>>
      %dma_start3A_1565 = tpu.memref_squeeze %dma_start3A_1564 : memref<1x104x64xf32, #tpu.memory_space<vmem>> -> memref<104x64xf32, #tpu.memory_space<vmem>>
      %dma_start3A_1566 = arith.constant 0 : i32
      %dma_start3A_1567 = arith.constant 0 : i32
      %dma_start3A_1568 = tpu.memref_slice %dma_start3A_1565[%dma_start3A_1566, %dma_start3A_1567] : memref<104x64xf32, #tpu.memory_space<vmem>> -> memref<96x64xf32, #tpu.memory_space<vmem>>
      tpu.enqueue_dma source(%dma_start3A_1568 : memref<96x64xf32, #tpu.memory_space<vmem>>) target(%dma_start3A_1561 : memref<96x64xf32, #tpu.memory_space<hbm>>) target_semaphore(%arg18 : memref<!tpu.dma_semaphore, #tpu.memory_space<semaphore_mem>>)
      %dma_wait3A_1569 = arith.constant 4 : i32
      %dma_wait3A_1570 = arith.constant 0 : i32
      %dma_wait3A_1571 = arith.constant 0 : i32
      %dma_wait3A_1572 = tpu.memref_slice %arg6[%dma_wait3A_1569, %dma_wait3A_1570, %dma_wait3A_1571] : memref<8x104x64xf32, #tpu.memory_space<vmem>> -> memref<1x104x64xf32, #tpu.memory_space<vmem>>
      %dma_wait3A_1573 = tpu.memref_squeeze %dma_wait3A_1572 : memref<1x104x64xf32, #tpu.memory_space<vmem>> -> memref<104x64xf32, #tpu.memory_space<vmem>>
      %dma_wait3A_1574 = arith.constant 0 : i32
      %dma_wait3A_1575 = arith.constant 0 : i32
      %dma_wait3A_1576 = tpu.memref_slice %dma_wait3A_1573[%dma_wait3A_1574, %dma_wait3A_1575] : memref<104x64xf32, #tpu.memory_space<vmem>> -> memref<104x64xf32, #tpu.memory_space<vmem>>
      %dma_wait3A_1577 = tpu.memref_slice %arg5[%add3A_1054] : memref<25600xi32, #tpu.memory_space<vmem>> -> memref<104xi32, #tpu.memory_space<vmem>>
      %dma_wait3A_1578 = arith.constant 0 : i32
      %dma_wait3A_1579 = arith.constant 0 : i32
      %dma_wait3A_1580 = tpu.memref_slice %arg3[%dma_wait3A_1578, %dma_wait3A_1579] : memref<1000000x64xf32, #tpu.memory_space<hbm>> -> memref<1000000x64xf32, #tpu.memory_space<hbm>>
      tpu.wait_indirect_dma semaphore(%arg11 : memref<!tpu.dma_semaphore, #tpu.memory_space<semaphore_mem>>) src(%dma_wait3A_1580 : memref<1000000x64xf32, #tpu.memory_space<hbm>>) dst(%dma_wait3A_1576 : memref<104x64xf32, #tpu.memory_space<vmem>>)
      %mul3A_1581 = arith.constant 8 : i32
      %mul3A_1582 = arith.muli %scan3A_704, %mul3A_1581 : i32
      %add3A_1583 = arith.constant 4 : i32
      %add3A_1584 = arith.addi %mul3A_1582, %add3A_1583 : i32
      %jit3A_1585 = arith.constant 2 : i32
      %div3A_1586 = arith.divsi %add3A_1584, %jit3A_1585 : i32
      %sign3A_1587 = arith.constant 0 : i32
      %sign3A_1588 = arith.cmpi sgt, %add3A_1584, %sign3A_1587 : i32
      %sign3A_1589 = arith.extui %sign3A_1588 : i1 to i32
      %sign3A_1590 = arith.constant 0 : i32
      %sign3A_1591 = arith.cmpi slt, %add3A_1584, %sign3A_1590 : i32
      %sign3A_1592 = arith.extui %sign3A_1591 : i1 to i32
      %sign3A_1593 = arith.subi %sign3A_1589, %sign3A_1592 : i32
      %sign3A_1594 = arith.constant 0 : i32
      %sign3A_1595 = arith.cmpi sgt, %jit3A_1585, %sign3A_1594 : i32
      %sign3A_1596 = arith.extui %sign3A_1595 : i1 to i32
      %sign3A_1597 = arith.constant 0 : i32
      %sign3A_1598 = arith.cmpi slt, %jit3A_1585, %sign3A_1597 : i32
      %sign3A_1599 = arith.extui %sign3A_1598 : i1 to i32
      %sign3A_1600 = arith.subi %sign3A_1596, %sign3A_1599 : i32
      %ne3A_1601 = arith.cmpi ne, %sign3A_1593, %sign3A_1600 : i32
      %rem3A_1602 = arith.remsi %add3A_1584, %jit3A_1585 : i32
      %ne3A_1603 = arith.constant 0 : i32
      %ne3A_1604 = arith.cmpi ne, %rem3A_1602, %ne3A_1603 : i32
      %and3A_1605 = arith.andi %ne3A_1601, %ne3A_1604 : i1
      %sub3A_1606 = arith.constant 1 : i32
      %sub3A_1607 = arith.subi %div3A_1586, %sub3A_1606 : i32
      %select_n3A_1608 = arith.select %and3A_1605, %sub3A_1607, %div3A_1586 : i32
      %add3A_1609 = arith.addi %mul3A_2, %select_n3A_1608 : i32
      %dma_start3A_1610 = arith.constant 4 : i32
      %dma_start3A_1611 = arith.constant 0 : i32
      %dma_start3A_1612 = arith.constant 0 : i32
      %dma_start3A_1613 = tpu.memref_slice %arg6[%dma_start3A_1610, %dma_start3A_1611, %dma_start3A_1612] : memref<8x104x64xf32, #tpu.memory_space<vmem>> -> memref<1x104x64xf32, #tpu.memory_space<vmem>>
      %dma_start3A_1614 = tpu.memref_squeeze %dma_start3A_1613 : memref<1x104x64xf32, #tpu.memory_space<vmem>> -> memref<104x64xf32, #tpu.memory_space<vmem>>
      %dma_start3A_1615 = arith.constant 0 : i32
      %dma_start3A_1616 = arith.constant 0 : i32
      %dma_start3A_1617 = tpu.memref_slice %dma_start3A_1614[%dma_start3A_1615, %dma_start3A_1616] : memref<104x64xf32, #tpu.memory_space<vmem>> -> memref<104x64xf32, #tpu.memory_space<vmem>>
      %dma_start3A_1618 = arith.constant 0 : i32
      %dma_start3A_1619 = arith.constant 0 : i32
      %dma_start3A_1620 = tpu.memref_slice %arg4[%add3A_1609, %dma_start3A_1618, %dma_start3A_1619] : memref<4096x200x64xf32, #tpu.memory_space<hbm>> -> memref<1x200x64xf32, #tpu.memory_space<hbm>>
      %dma_start3A_1621 = tpu.memref_squeeze %dma_start3A_1620 : memref<1x200x64xf32, #tpu.memory_space<hbm>> -> memref<200x64xf32, #tpu.memory_space<hbm>>
      %dma_start3A_1622 = arith.constant 0 : i32
      %dma_start3A_1623 = arith.constant 0 : i32
      %dma_start3A_1624 = tpu.memref_slice %dma_start3A_1621[%dma_start3A_1622, %dma_start3A_1623] : memref<200x64xf32, #tpu.memory_space<hbm>> -> memref<104x64xf32, #tpu.memory_space<hbm>>
      %dma_start3A_1625 = arith.constant 0 : i32
      %dma_start3A_1626 = arith.constant 0 : i32
      %dma_start3A_1627 = tpu.memref_slice %arg4[%add3A_1609, %dma_start3A_1625, %dma_start3A_1626] : memref<4096x200x64xf32, #tpu.memory_space<hbm>> -> memref<1x200x64xf32, #tpu.memory_space<hbm>>
      %dma_start3A_1628 = tpu.memref_squeeze %dma_start3A_1627 : memref<1x200x64xf32, #tpu.memory_space<hbm>> -> memref<200x64xf32, #tpu.memory_space<hbm>>
      %dma_start3A_1629 = arith.constant 0 : i32
      %dma_start3A_1630 = arith.constant 0 : i32
      %dma_start3A_1631 = tpu.memref_slice %dma_start3A_1628[%dma_start3A_1629, %dma_start3A_1630] : memref<200x64xf32, #tpu.memory_space<hbm>> -> memref<104x64xf32, #tpu.memory_space<hbm>>
      %dma_start3A_1632 = arith.constant 0 : i32
      %dma_start3A_1633 = arith.constant 0 : i32
      %dma_start3A_1634 = tpu.memref_slice %arg6[%dma_start3A_1610, %dma_start3A_1632, %dma_start3A_1633] : memref<8x104x64xf32, #tpu.memory_space<vmem>> -> memref<1x104x64xf32, #tpu.memory_space<vmem>>
      %dma_start3A_1635 = tpu.memref_squeeze %dma_start3A_1634 : memref<1x104x64xf32, #tpu.memory_space<vmem>> -> memref<104x64xf32, #tpu.memory_space<vmem>>
      %dma_start3A_1636 = arith.constant 0 : i32
      %dma_start3A_1637 = arith.constant 0 : i32
      %dma_start3A_1638 = tpu.memref_slice %dma_start3A_1635[%dma_start3A_1636, %dma_start3A_1637] : memref<104x64xf32, #tpu.memory_space<vmem>> -> memref<104x64xf32, #tpu.memory_space<vmem>>
      tpu.enqueue_dma source(%dma_start3A_1638 : memref<104x64xf32, #tpu.memory_space<vmem>>) target(%dma_start3A_1631 : memref<104x64xf32, #tpu.memory_space<hbm>>) target_semaphore(%arg19 : memref<!tpu.dma_semaphore, #tpu.memory_space<semaphore_mem>>)
      %dma_wait3A_1639 = arith.constant 5 : i32
      %dma_wait3A_1640 = arith.constant 0 : i32
      %dma_wait3A_1641 = arith.constant 0 : i32
      %dma_wait3A_1642 = tpu.memref_slice %arg6[%dma_wait3A_1639, %dma_wait3A_1640, %dma_wait3A_1641] : memref<8x104x64xf32, #tpu.memory_space<vmem>> -> memref<1x104x64xf32, #tpu.memory_space<vmem>>
      %dma_wait3A_1643 = tpu.memref_squeeze %dma_wait3A_1642 : memref<1x104x64xf32, #tpu.memory_space<vmem>> -> memref<104x64xf32, #tpu.memory_space<vmem>>
      %dma_wait3A_1644 = arith.constant 0 : i32
      %dma_wait3A_1645 = arith.constant 0 : i32
      %dma_wait3A_1646 = tpu.memref_slice %dma_wait3A_1643[%dma_wait3A_1644, %dma_wait3A_1645] : memref<104x64xf32, #tpu.memory_space<vmem>> -> memref<96x64xf32, #tpu.memory_space<vmem>>
      %dma_wait3A_1647 = tpu.memref_slice %arg5[%add3A_1128] : memref<25600xi32, #tpu.memory_space<vmem>> -> memref<96xi32, #tpu.memory_space<vmem>>
      %dma_wait3A_1648 = arith.constant 0 : i32
      %dma_wait3A_1649 = arith.constant 0 : i32
      %dma_wait3A_1650 = tpu.memref_slice %arg3[%dma_wait3A_1648, %dma_wait3A_1649] : memref<1000000x64xf32, #tpu.memory_space<hbm>> -> memref<1000000x64xf32, #tpu.memory_space<hbm>>
      tpu.wait_indirect_dma semaphore(%arg12 : memref<!tpu.dma_semaphore, #tpu.memory_space<semaphore_mem>>) src(%dma_wait3A_1650 : memref<1000000x64xf32, #tpu.memory_space<hbm>>) dst(%dma_wait3A_1646 : memref<96x64xf32, #tpu.memory_space<vmem>>)
      %mul3A_1651 = arith.constant 8 : i32
      %mul3A_1652 = arith.muli %scan3A_704, %mul3A_1651 : i32
      %add3A_1653 = arith.constant 5 : i32
      %add3A_1654 = arith.addi %mul3A_1652, %add3A_1653 : i32
      %jit3A_1655 = arith.constant 2 : i32
      %div3A_1656 = arith.divsi %add3A_1654, %jit3A_1655 : i32
      %sign3A_1657 = arith.constant 0 : i32
      %sign3A_1658 = arith.cmpi sgt, %add3A_1654, %sign3A_1657 : i32
      %sign3A_1659 = arith.extui %sign3A_1658 : i1 to i32
      %sign3A_1660 = arith.constant 0 : i32
      %sign3A_1661 = arith.cmpi slt, %add3A_1654, %sign3A_1660 : i32
      %sign3A_1662 = arith.extui %sign3A_1661 : i1 to i32
      %sign3A_1663 = arith.subi %sign3A_1659, %sign3A_1662 : i32
      %sign3A_1664 = arith.constant 0 : i32
      %sign3A_1665 = arith.cmpi sgt, %jit3A_1655, %sign3A_1664 : i32
      %sign3A_1666 = arith.extui %sign3A_1665 : i1 to i32
      %sign3A_1667 = arith.constant 0 : i32
      %sign3A_1668 = arith.cmpi slt, %jit3A_1655, %sign3A_1667 : i32
      %sign3A_1669 = arith.extui %sign3A_1668 : i1 to i32
      %sign3A_1670 = arith.subi %sign3A_1666, %sign3A_1669 : i32
      %ne3A_1671 = arith.cmpi ne, %sign3A_1663, %sign3A_1670 : i32
      %rem3A_1672 = arith.remsi %add3A_1654, %jit3A_1655 : i32
      %ne3A_1673 = arith.constant 0 : i32
      %ne3A_1674 = arith.cmpi ne, %rem3A_1672, %ne3A_1673 : i32
      %and3A_1675 = arith.andi %ne3A_1671, %ne3A_1674 : i1
      %sub3A_1676 = arith.constant 1 : i32
      %sub3A_1677 = arith.subi %div3A_1656, %sub3A_1676 : i32
      %select_n3A_1678 = arith.select %and3A_1675, %sub3A_1677, %div3A_1656 : i32
      %add3A_1679 = arith.addi %mul3A_2, %select_n3A_1678 : i32
      %dma_start3A_1680 = arith.constant 5 : i32
      %dma_start3A_1681 = arith.constant 0 : i32
      %dma_start3A_1682 = arith.constant 0 : i32
      %dma_start3A_1683 = tpu.memref_slice %arg6[%dma_start3A_1680, %dma_start3A_1681, %dma_start3A_1682] : memref<8x104x64xf32, #tpu.memory_space<vmem>> -> memref<1x104x64xf32, #tpu.memory_space<vmem>>
      %dma_start3A_1684 = tpu.memref_squeeze %dma_start3A_1683 : memref<1x104x64xf32, #tpu.memory_space<vmem>> -> memref<104x64xf32, #tpu.memory_space<vmem>>
      %dma_start3A_1685 = arith.constant 0 : i32
      %dma_start3A_1686 = arith.constant 0 : i32
      %dma_start3A_1687 = tpu.memref_slice %dma_start3A_1684[%dma_start3A_1685, %dma_start3A_1686] : memref<104x64xf32, #tpu.memory_space<vmem>> -> memref<96x64xf32, #tpu.memory_space<vmem>>
      %dma_start3A_1688 = arith.constant 0 : i32
      %dma_start3A_1689 = arith.constant 0 : i32
      %dma_start3A_1690 = tpu.memref_slice %arg4[%add3A_1679, %dma_start3A_1688, %dma_start3A_1689] : memref<4096x200x64xf32, #tpu.memory_space<hbm>> -> memref<1x200x64xf32, #tpu.memory_space<hbm>>
      %dma_start3A_1691 = tpu.memref_squeeze %dma_start3A_1690 : memref<1x200x64xf32, #tpu.memory_space<hbm>> -> memref<200x64xf32, #tpu.memory_space<hbm>>
      %dma_start3A_1692 = arith.constant 104 : i32
      %dma_start3A_1693 = arith.constant 0 : i32
      %dma_start3A_1694 = tpu.memref_slice %dma_start3A_1691[%dma_start3A_1692, %dma_start3A_1693] : memref<200x64xf32, #tpu.memory_space<hbm>> -> memref<96x64xf32, #tpu.memory_space<hbm>>
      %dma_start3A_1695 = arith.constant 0 : i32
      %dma_start3A_1696 = arith.constant 0 : i32
      %dma_start3A_1697 = tpu.memref_slice %arg4[%add3A_1679, %dma_start3A_1695, %dma_start3A_1696] : memref<4096x200x64xf32, #tpu.memory_space<hbm>> -> memref<1x200x64xf32, #tpu.memory_space<hbm>>
      %dma_start3A_1698 = tpu.memref_squeeze %dma_start3A_1697 : memref<1x200x64xf32, #tpu.memory_space<hbm>> -> memref<200x64xf32, #tpu.memory_space<hbm>>
      %dma_start3A_1699 = arith.constant 104 : i32
      %dma_start3A_1700 = arith.constant 0 : i32
      %dma_start3A_1701 = tpu.memref_slice %dma_start3A_1698[%dma_start3A_1699, %dma_start3A_1700] : memref<200x64xf32, #tpu.memory_space<hbm>> -> memref<96x64xf32, #tpu.memory_space<hbm>>
      %dma_start3A_1702 = arith.constant 0 : i32
      %dma_start3A_1703 = arith.constant 0 : i32
      %dma_start3A_1704 = tpu.memref_slice %arg6[%dma_start3A_1680, %dma_start3A_1702, %dma_start3A_1703] : memref<8x104x64xf32, #tpu.memory_space<vmem>> -> memref<1x104x64xf32, #tpu.memory_space<vmem>>
      %dma_start3A_1705 = tpu.memref_squeeze %dma_start3A_1704 : memref<1x104x64xf32, #tpu.memory_space<vmem>> -> memref<104x64xf32, #tpu.memory_space<vmem>>
      %dma_start3A_1706 = arith.constant 0 : i32
      %dma_start3A_1707 = arith.constant 0 : i32
      %dma_start3A_1708 = tpu.memref_slice %dma_start3A_1705[%dma_start3A_1706, %dma_start3A_1707] : memref<104x64xf32, #tpu.memory_space<vmem>> -> memref<96x64xf32, #tpu.memory_space<vmem>>
      tpu.enqueue_dma source(%dma_start3A_1708 : memref<96x64xf32, #tpu.memory_space<vmem>>) target(%dma_start3A_1701 : memref<96x64xf32, #tpu.memory_space<hbm>>) target_semaphore(%arg20 : memref<!tpu.dma_semaphore, #tpu.memory_space<semaphore_mem>>)
      %dma_wait3A_1709 = arith.constant 6 : i32
      %dma_wait3A_1710 = arith.constant 0 : i32
      %dma_wait3A_1711 = arith.constant 0 : i32
      %dma_wait3A_1712 = tpu.memref_slice %arg6[%dma_wait3A_1709, %dma_wait3A_1710, %dma_wait3A_1711] : memref<8x104x64xf32, #tpu.memory_space<vmem>> -> memref<1x104x64xf32, #tpu.memory_space<vmem>>
      %dma_wait3A_1713 = tpu.memref_squeeze %dma_wait3A_1712 : memref<1x104x64xf32, #tpu.memory_space<vmem>> -> memref<104x64xf32, #tpu.memory_space<vmem>>
      %dma_wait3A_1714 = arith.constant 0 : i32
      %dma_wait3A_1715 = arith.constant 0 : i32
      %dma_wait3A_1716 = tpu.memref_slice %dma_wait3A_1713[%dma_wait3A_1714, %dma_wait3A_1715] : memref<104x64xf32, #tpu.memory_space<vmem>> -> memref<104x64xf32, #tpu.memory_space<vmem>>
      %dma_wait3A_1717 = tpu.memref_slice %arg5[%add3A_1202] : memref<25600xi32, #tpu.memory_space<vmem>> -> memref<104xi32, #tpu.memory_space<vmem>>
      %dma_wait3A_1718 = arith.constant 0 : i32
      %dma_wait3A_1719 = arith.constant 0 : i32
      %dma_wait3A_1720 = tpu.memref_slice %arg3[%dma_wait3A_1718, %dma_wait3A_1719] : memref<1000000x64xf32, #tpu.memory_space<hbm>> -> memref<1000000x64xf32, #tpu.memory_space<hbm>>
      tpu.wait_indirect_dma semaphore(%arg13 : memref<!tpu.dma_semaphore, #tpu.memory_space<semaphore_mem>>) src(%dma_wait3A_1720 : memref<1000000x64xf32, #tpu.memory_space<hbm>>) dst(%dma_wait3A_1716 : memref<104x64xf32, #tpu.memory_space<vmem>>)
      %mul3A_1721 = arith.constant 8 : i32
      %mul3A_1722 = arith.muli %scan3A_704, %mul3A_1721 : i32
      %add3A_1723 = arith.constant 6 : i32
      %add3A_1724 = arith.addi %mul3A_1722, %add3A_1723 : i32
      %jit3A_1725 = arith.constant 2 : i32
      %div3A_1726 = arith.divsi %add3A_1724, %jit3A_1725 : i32
      %sign3A_1727 = arith.constant 0 : i32
      %sign3A_1728 = arith.cmpi sgt, %add3A_1724, %sign3A_1727 : i32
      %sign3A_1729 = arith.extui %sign3A_1728 : i1 to i32
      %sign3A_1730 = arith.constant 0 : i32
      %sign3A_1731 = arith.cmpi slt, %add3A_1724, %sign3A_1730 : i32
      %sign3A_1732 = arith.extui %sign3A_1731 : i1 to i32
      %sign3A_1733 = arith.subi %sign3A_1729, %sign3A_1732 : i32
      %sign3A_1734 = arith.constant 0 : i32
      %sign3A_1735 = arith.cmpi sgt, %jit3A_1725, %sign3A_1734 : i32
      %sign3A_1736 = arith.extui %sign3A_1735 : i1 to i32
      %sign3A_1737 = arith.constant 0 : i32
      %sign3A_1738 = arith.cmpi slt, %jit3A_1725, %sign3A_1737 : i32
      %sign3A_1739 = arith.extui %sign3A_1738 : i1 to i32
      %sign3A_1740 = arith.subi %sign3A_1736, %sign3A_1739 : i32
      %ne3A_1741 = arith.cmpi ne, %sign3A_1733, %sign3A_1740 : i32
      %rem3A_1742 = arith.remsi %add3A_1724, %jit3A_1725 : i32
      %ne3A_1743 = arith.constant 0 : i32
      %ne3A_1744 = arith.cmpi ne, %rem3A_1742, %ne3A_1743 : i32
      %and3A_1745 = arith.andi %ne3A_1741, %ne3A_1744 : i1
      %sub3A_1746 = arith.constant 1 : i32
      %sub3A_1747 = arith.subi %div3A_1726, %sub3A_1746 : i32
      %select_n3A_1748 = arith.select %and3A_1745, %sub3A_1747, %div3A_1726 : i32
      %add3A_1749 = arith.addi %mul3A_2, %select_n3A_1748 : i32
      %dma_start3A_1750 = arith.constant 6 : i32
      %dma_start3A_1751 = arith.constant 0 : i32
      %dma_start3A_1752 = arith.constant 0 : i32
      %dma_start3A_1753 = tpu.memref_slice %arg6[%dma_start3A_1750, %dma_start3A_1751, %dma_start3A_1752] : memref<8x104x64xf32, #tpu.memory_space<vmem>> -> memref<1x104x64xf32, #tpu.memory_space<vmem>>
      %dma_start3A_1754 = tpu.memref_squeeze %dma_start3A_1753 : memref<1x104x64xf32, #tpu.memory_space<vmem>> -> memref<104x64xf32, #tpu.memory_space<vmem>>
      %dma_start3A_1755 = arith.constant 0 : i32
      %dma_start3A_1756 = arith.constant 0 : i32
      %dma_start3A_1757 = tpu.memref_slice %dma_start3A_1754[%dma_start3A_1755, %dma_start3A_1756] : memref<104x64xf32, #tpu.memory_space<vmem>> -> memref<104x64xf32, #tpu.memory_space<vmem>>
      %dma_start3A_1758 = arith.constant 0 : i32
      %dma_start3A_1759 = arith.constant 0 : i32
      %dma_start3A_1760 = tpu.memref_slice %arg4[%add3A_1749, %dma_start3A_1758, %dma_start3A_1759] : memref<4096x200x64xf32, #tpu.memory_space<hbm>> -> memref<1x200x64xf32, #tpu.memory_space<hbm>>
      %dma_start3A_1761 = tpu.memref_squeeze %dma_start3A_1760 : memref<1x200x64xf32, #tpu.memory_space<hbm>> -> memref<200x64xf32, #tpu.memory_space<hbm>>
      %dma_start3A_1762 = arith.constant 0 : i32
      %dma_start3A_1763 = arith.constant 0 : i32
      %dma_start3A_1764 = tpu.memref_slice %dma_start3A_1761[%dma_start3A_1762, %dma_start3A_1763] : memref<200x64xf32, #tpu.memory_space<hbm>> -> memref<104x64xf32, #tpu.memory_space<hbm>>
      %dma_start3A_1765 = arith.constant 0 : i32
      %dma_start3A_1766 = arith.constant 0 : i32
      %dma_start3A_1767 = tpu.memref_slice %arg4[%add3A_1749, %dma_start3A_1765, %dma_start3A_1766] : memref<4096x200x64xf32, #tpu.memory_space<hbm>> -> memref<1x200x64xf32, #tpu.memory_space<hbm>>
      %dma_start3A_1768 = tpu.memref_squeeze %dma_start3A_1767 : memref<1x200x64xf32, #tpu.memory_space<hbm>> -> memref<200x64xf32, #tpu.memory_space<hbm>>
      %dma_start3A_1769 = arith.constant 0 : i32
      %dma_start3A_1770 = arith.constant 0 : i32
      %dma_start3A_1771 = tpu.memref_slice %dma_start3A_1768[%dma_start3A_1769, %dma_start3A_1770] : memref<200x64xf32, #tpu.memory_space<hbm>> -> memref<104x64xf32, #tpu.memory_space<hbm>>
      %dma_start3A_1772 = arith.constant 0 : i32
      %dma_start3A_1773 = arith.constant 0 : i32
      %dma_start3A_1774 = tpu.memref_slice %arg6[%dma_start3A_1750, %dma_start3A_1772, %dma_start3A_1773] : memref<8x104x64xf32, #tpu.memory_space<vmem>> -> memref<1x104x64xf32, #tpu.memory_space<vmem>>
      %dma_start3A_1775 = tpu.memref_squeeze %dma_start3A_1774 : memref<1x104x64xf32, #tpu.memory_space<vmem>> -> memref<104x64xf32, #tpu.memory_space<vmem>>
      %dma_start3A_1776 = arith.constant 0 : i32
      %dma_start3A_1777 = arith.constant 0 : i32
      %dma_start3A_1778 = tpu.memref_slice %dma_start3A_1775[%dma_start3A_1776, %dma_start3A_1777] : memref<104x64xf32, #tpu.memory_space<vmem>> -> memref<104x64xf32, #tpu.memory_space<vmem>>
      tpu.enqueue_dma source(%dma_start3A_1778 : memref<104x64xf32, #tpu.memory_space<vmem>>) target(%dma_start3A_1771 : memref<104x64xf32, #tpu.memory_space<hbm>>) target_semaphore(%arg21 : memref<!tpu.dma_semaphore, #tpu.memory_space<semaphore_mem>>)
      %dma_wait3A_1779 = arith.constant 7 : i32
      %dma_wait3A_1780 = arith.constant 0 : i32
      %dma_wait3A_1781 = arith.constant 0 : i32
      %dma_wait3A_1782 = tpu.memref_slice %arg6[%dma_wait3A_1779, %dma_wait3A_1780, %dma_wait3A_1781] : memref<8x104x64xf32, #tpu.memory_space<vmem>> -> memref<1x104x64xf32, #tpu.memory_space<vmem>>
      %dma_wait3A_1783 = tpu.memref_squeeze %dma_wait3A_1782 : memref<1x104x64xf32, #tpu.memory_space<vmem>> -> memref<104x64xf32, #tpu.memory_space<vmem>>
      %dma_wait3A_1784 = arith.constant 0 : i32
      %dma_wait3A_1785 = arith.constant 0 : i32
      %dma_wait3A_1786 = tpu.memref_slice %dma_wait3A_1783[%dma_wait3A_1784, %dma_wait3A_1785] : memref<104x64xf32, #tpu.memory_space<vmem>> -> memref<96x64xf32, #tpu.memory_space<vmem>>
      %dma_wait3A_1787 = tpu.memref_slice %arg5[%add3A_1276] : memref<25600xi32, #tpu.memory_space<vmem>> -> memref<96xi32, #tpu.memory_space<vmem>>
      %dma_wait3A_1788 = arith.constant 0 : i32
      %dma_wait3A_1789 = arith.constant 0 : i32
      %dma_wait3A_1790 = tpu.memref_slice %arg3[%dma_wait3A_1788, %dma_wait3A_1789] : memref<1000000x64xf32, #tpu.memory_space<hbm>> -> memref<1000000x64xf32, #tpu.memory_space<hbm>>
      tpu.wait_indirect_dma semaphore(%arg14 : memref<!tpu.dma_semaphore, #tpu.memory_space<semaphore_mem>>) src(%dma_wait3A_1790 : memref<1000000x64xf32, #tpu.memory_space<hbm>>) dst(%dma_wait3A_1786 : memref<96x64xf32, #tpu.memory_space<vmem>>)
      %mul3A_1791 = arith.constant 8 : i32
      %mul3A_1792 = arith.muli %scan3A_704, %mul3A_1791 : i32
      %add3A_1793 = arith.constant 7 : i32
      %add3A_1794 = arith.addi %mul3A_1792, %add3A_1793 : i32
      %jit3A_1795 = arith.constant 2 : i32
      %div3A_1796 = arith.divsi %add3A_1794, %jit3A_1795 : i32
      %sign3A_1797 = arith.constant 0 : i32
      %sign3A_1798 = arith.cmpi sgt, %add3A_1794, %sign3A_1797 : i32
      %sign3A_1799 = arith.extui %sign3A_1798 : i1 to i32
      %sign3A_1800 = arith.constant 0 : i32
      %sign3A_1801 = arith.cmpi slt, %add3A_1794, %sign3A_1800 : i32
      %sign3A_1802 = arith.extui %sign3A_1801 : i1 to i32
      %sign3A_1803 = arith.subi %sign3A_1799, %sign3A_1802 : i32
      %sign3A_1804 = arith.constant 0 : i32
      %sign3A_1805 = arith.cmpi sgt, %jit3A_1795, %sign3A_1804 : i32
      %sign3A_1806 = arith.extui %sign3A_1805 : i1 to i32
      %sign3A_1807 = arith.constant 0 : i32
      %sign3A_1808 = arith.cmpi slt, %jit3A_1795, %sign3A_1807 : i32
      %sign3A_1809 = arith.extui %sign3A_1808 : i1 to i32
      %sign3A_1810 = arith.subi %sign3A_1806, %sign3A_1809 : i32
      %ne3A_1811 = arith.cmpi ne, %sign3A_1803, %sign3A_1810 : i32
      %rem3A_1812 = arith.remsi %add3A_1794, %jit3A_1795 : i32
      %ne3A_1813 = arith.constant 0 : i32
      %ne3A_1814 = arith.cmpi ne, %rem3A_1812, %ne3A_1813 : i32
      %and3A_1815 = arith.andi %ne3A_1811, %ne3A_1814 : i1
      %sub3A_1816 = arith.constant 1 : i32
      %sub3A_1817 = arith.subi %div3A_1796, %sub3A_1816 : i32
      %select_n3A_1818 = arith.select %and3A_1815, %sub3A_1817, %div3A_1796 : i32
      %add3A_1819 = arith.addi %mul3A_2, %select_n3A_1818 : i32
      %dma_start3A_1820 = arith.constant 7 : i32
      %dma_start3A_1821 = arith.constant 0 : i32
      %dma_start3A_1822 = arith.constant 0 : i32
      %dma_start3A_1823 = tpu.memref_slice %arg6[%dma_start3A_1820, %dma_start3A_1821, %dma_start3A_1822] : memref<8x104x64xf32, #tpu.memory_space<vmem>> -> memref<1x104x64xf32, #tpu.memory_space<vmem>>
      %dma_start3A_1824 = tpu.memref_squeeze %dma_start3A_1823 : memref<1x104x64xf32, #tpu.memory_space<vmem>> -> memref<104x64xf32, #tpu.memory_space<vmem>>
      %dma_start3A_1825 = arith.constant 0 : i32
      %dma_start3A_1826 = arith.constant 0 : i32
      %dma_start3A_1827 = tpu.memref_slice %dma_start3A_1824[%dma_start3A_1825, %dma_start3A_1826] : memref<104x64xf32, #tpu.memory_space<vmem>> -> memref<96x64xf32, #tpu.memory_space<vmem>>
      %dma_start3A_1828 = arith.constant 0 : i32
      %dma_start3A_1829 = arith.constant 0 : i32
      %dma_start3A_1830 = tpu.memref_slice %arg4[%add3A_1819, %dma_start3A_1828, %dma_start3A_1829] : memref<4096x200x64xf32, #tpu.memory_space<hbm>> -> memref<1x200x64xf32, #tpu.memory_space<hbm>>
      %dma_start3A_1831 = tpu.memref_squeeze %dma_start3A_1830 : memref<1x200x64xf32, #tpu.memory_space<hbm>> -> memref<200x64xf32, #tpu.memory_space<hbm>>
      %dma_start3A_1832 = arith.constant 104 : i32
      %dma_start3A_1833 = arith.constant 0 : i32
      %dma_start3A_1834 = tpu.memref_slice %dma_start3A_1831[%dma_start3A_1832, %dma_start3A_1833] : memref<200x64xf32, #tpu.memory_space<hbm>> -> memref<96x64xf32, #tpu.memory_space<hbm>>
      %dma_start3A_1835 = arith.constant 0 : i32
      %dma_start3A_1836 = arith.constant 0 : i32
      %dma_start3A_1837 = tpu.memref_slice %arg4[%add3A_1819, %dma_start3A_1835, %dma_start3A_1836] : memref<4096x200x64xf32, #tpu.memory_space<hbm>> -> memref<1x200x64xf32, #tpu.memory_space<hbm>>
      %dma_start3A_1838 = tpu.memref_squeeze %dma_start3A_1837 : memref<1x200x64xf32, #tpu.memory_space<hbm>> -> memref<200x64xf32, #tpu.memory_space<hbm>>
      %dma_start3A_1839 = arith.constant 104 : i32
      %dma_start3A_1840 = arith.constant 0 : i32
      %dma_start3A_1841 = tpu.memref_slice %dma_start3A_1838[%dma_start3A_1839, %dma_start3A_1840] : memref<200x64xf32, #tpu.memory_space<hbm>> -> memref<96x64xf32, #tpu.memory_space<hbm>>
      %dma_start3A_1842 = arith.constant 0 : i32
      %dma_start3A_1843 = arith.constant 0 : i32
      %dma_start3A_1844 = tpu.memref_slice %arg6[%dma_start3A_1820, %dma_start3A_1842, %dma_start3A_1843] : memref<8x104x64xf32, #tpu.memory_space<vmem>> -> memref<1x104x64xf32, #tpu.memory_space<vmem>>
      %dma_start3A_1845 = tpu.memref_squeeze %dma_start3A_1844 : memref<1x104x64xf32, #tpu.memory_space<vmem>> -> memref<104x64xf32, #tpu.memory_space<vmem>>
      %dma_start3A_1846 = arith.constant 0 : i32
      %dma_start3A_1847 = arith.constant 0 : i32
      %dma_start3A_1848 = tpu.memref_slice %dma_start3A_1845[%dma_start3A_1846, %dma_start3A_1847] : memref<104x64xf32, #tpu.memory_space<vmem>> -> memref<96x64xf32, #tpu.memory_space<vmem>>
      tpu.enqueue_dma source(%dma_start3A_1848 : memref<96x64xf32, #tpu.memory_space<vmem>>) target(%dma_start3A_1841 : memref<96x64xf32, #tpu.memory_space<hbm>>) target_semaphore(%arg22 : memref<!tpu.dma_semaphore, #tpu.memory_space<semaphore_mem>>)
    }
    %scan3A_463 = arith.constant 31 : i32
    %dma_wait3A_464 = arith.constant 0 : i32
    %dma_wait3A_465 = arith.constant 0 : i32
    %dma_wait3A_466 = arith.constant 0 : i32
    %dma_wait3A_467 = arith.constant 0 : i32
    %dma_wait3A_468 = tpu.memref_slice %arg6[%dma_wait3A_464, %dma_wait3A_466, %dma_wait3A_467] : memref<8x104x64xf32, #tpu.memory_space<vmem>> -> memref<1x104x64xf32, #tpu.memory_space<vmem>>
    %dma_wait3A_469 = tpu.memref_squeeze %dma_wait3A_468 : memref<1x104x64xf32, #tpu.memory_space<vmem>> -> memref<104x64xf32, #tpu.memory_space<vmem>>
    %dma_wait3A_470 = arith.constant 0 : i32
    %dma_wait3A_471 = arith.constant 0 : i32
    %dma_wait3A_472 = tpu.memref_slice %dma_wait3A_469[%dma_wait3A_470, %dma_wait3A_471] : memref<104x64xf32, #tpu.memory_space<vmem>> -> memref<104x64xf32, #tpu.memory_space<vmem>>
    %dma_wait3A_473 = arith.constant 0 : i32
    %dma_wait3A_474 = arith.constant 0 : i32
    %dma_wait3A_475 = tpu.memref_slice %arg4[%dma_wait3A_465, %dma_wait3A_473, %dma_wait3A_474] : memref<4096x200x64xf32, #tpu.memory_space<hbm>> -> memref<1x200x64xf32, #tpu.memory_space<hbm>>
    %dma_wait3A_476 = tpu.memref_squeeze %dma_wait3A_475 : memref<1x200x64xf32, #tpu.memory_space<hbm>> -> memref<200x64xf32, #tpu.memory_space<hbm>>
    %dma_wait3A_477 = arith.constant 0 : i32
    %dma_wait3A_478 = arith.constant 0 : i32
    %dma_wait3A_479 = tpu.memref_slice %dma_wait3A_476[%dma_wait3A_477, %dma_wait3A_478] : memref<200x64xf32, #tpu.memory_space<hbm>> -> memref<104x64xf32, #tpu.memory_space<hbm>>
    %dma_wait3A_480 = arith.constant 0 : i32
    %dma_wait3A_481 = arith.constant 0 : i32
    %dma_wait3A_482 = tpu.memref_slice %arg4[%dma_wait3A_465, %dma_wait3A_480, %dma_wait3A_481] : memref<4096x200x64xf32, #tpu.memory_space<hbm>> -> memref<1x200x64xf32, #tpu.memory_space<hbm>>
    %dma_wait3A_483 = tpu.memref_squeeze %dma_wait3A_482 : memref<1x200x64xf32, #tpu.memory_space<hbm>> -> memref<200x64xf32, #tpu.memory_space<hbm>>
    %dma_wait3A_484 = arith.constant 0 : i32
    %dma_wait3A_485 = arith.constant 0 : i32
    %dma_wait3A_486 = tpu.memref_slice %dma_wait3A_483[%dma_wait3A_484, %dma_wait3A_485] : memref<200x64xf32, #tpu.memory_space<hbm>> -> memref<104x64xf32, #tpu.memory_space<hbm>>
    %dma_wait3A_487 = arith.constant 0 : i32
    %dma_wait3A_488 = arith.constant 0 : i32
    %dma_wait3A_489 = tpu.memref_slice %arg6[%dma_wait3A_464, %dma_wait3A_487, %dma_wait3A_488] : memref<8x104x64xf32, #tpu.memory_space<vmem>> -> memref<1x104x64xf32, #tpu.memory_space<vmem>>
    %dma_wait3A_490 = tpu.memref_squeeze %dma_wait3A_489 : memref<1x104x64xf32, #tpu.memory_space<vmem>> -> memref<104x64xf32, #tpu.memory_space<vmem>>
    %dma_wait3A_491 = arith.constant 0 : i32
    %dma_wait3A_492 = arith.constant 0 : i32
    %dma_wait3A_493 = tpu.memref_slice %dma_wait3A_490[%dma_wait3A_491, %dma_wait3A_492] : memref<104x64xf32, #tpu.memory_space<vmem>> -> memref<104x64xf32, #tpu.memory_space<vmem>>
    tpu.wait_dma2 semaphore(%arg15 : memref<!tpu.dma_semaphore, #tpu.memory_space<semaphore_mem>>) src(%dma_wait3A_493 : memref<104x64xf32, #tpu.memory_space<vmem>>) dst(%dma_wait3A_486 : memref<104x64xf32, #tpu.memory_space<hbm>>)
    %dma_wait3A_494 = arith.constant 1 : i32
    %dma_wait3A_495 = arith.constant 0 : i32
    %dma_wait3A_496 = arith.constant 0 : i32
    %dma_wait3A_497 = arith.constant 0 : i32
    %dma_wait3A_498 = tpu.memref_slice %arg6[%dma_wait3A_494, %dma_wait3A_496, %dma_wait3A_497] : memref<8x104x64xf32, #tpu.memory_space<vmem>> -> memref<1x104x64xf32, #tpu.memory_space<vmem>>
    %dma_wait3A_499 = tpu.memref_squeeze %dma_wait3A_498 : memref<1x104x64xf32, #tpu.memory_space<vmem>> -> memref<104x64xf32, #tpu.memory_space<vmem>>
    %dma_wait3A_500 = arith.constant 0 : i32
    %dma_wait3A_501 = arith.constant 0 : i32
    %dma_wait3A_502 = tpu.memref_slice %dma_wait3A_499[%dma_wait3A_500, %dma_wait3A_501] : memref<104x64xf32, #tpu.memory_space<vmem>> -> memref<96x64xf32, #tpu.memory_space<vmem>>
    %dma_wait3A_503 = arith.constant 0 : i32
    %dma_wait3A_504 = arith.constant 0 : i32
    %dma_wait3A_505 = tpu.memref_slice %arg4[%dma_wait3A_495, %dma_wait3A_503, %dma_wait3A_504] : memref<4096x200x64xf32, #tpu.memory_space<hbm>> -> memref<1x200x64xf32, #tpu.memory_space<hbm>>
    %dma_wait3A_506 = tpu.memref_squeeze %dma_wait3A_505 : memref<1x200x64xf32, #tpu.memory_space<hbm>> -> memref<200x64xf32, #tpu.memory_space<hbm>>
    %dma_wait3A_507 = arith.constant 0 : i32
    %dma_wait3A_508 = arith.constant 0 : i32
    %dma_wait3A_509 = tpu.memref_slice %dma_wait3A_506[%dma_wait3A_507, %dma_wait3A_508] : memref<200x64xf32, #tpu.memory_space<hbm>> -> memref<96x64xf32, #tpu.memory_space<hbm>>
    %dma_wait3A_510 = arith.constant 0 : i32
    %dma_wait3A_511 = arith.constant 0 : i32
    %dma_wait3A_512 = tpu.memref_slice %arg4[%dma_wait3A_495, %dma_wait3A_510, %dma_wait3A_511] : memref<4096x200x64xf32, #tpu.memory_space<hbm>> -> memref<1x200x64xf32, #tpu.memory_space<hbm>>
    %dma_wait3A_513 = tpu.memref_squeeze %dma_wait3A_512 : memref<1x200x64xf32, #tpu.memory_space<hbm>> -> memref<200x64xf32, #tpu.memory_space<hbm>>
    %dma_wait3A_514 = arith.constant 0 : i32
    %dma_wait3A_515 = arith.constant 0 : i32
    %dma_wait3A_516 = tpu.memref_slice %dma_wait3A_513[%dma_wait3A_514, %dma_wait3A_515] : memref<200x64xf32, #tpu.memory_space<hbm>> -> memref<96x64xf32, #tpu.memory_space<hbm>>
    %dma_wait3A_517 = arith.constant 0 : i32
    %dma_wait3A_518 = arith.constant 0 : i32
    %dma_wait3A_519 = tpu.memref_slice %arg6[%dma_wait3A_494, %dma_wait3A_517, %dma_wait3A_518] : memref<8x104x64xf32, #tpu.memory_space<vmem>> -> memref<1x104x64xf32, #tpu.memory_space<vmem>>
    %dma_wait3A_520 = tpu.memref_squeeze %dma_wait3A_519 : memref<1x104x64xf32, #tpu.memory_space<vmem>> -> memref<104x64xf32, #tpu.memory_space<vmem>>
    %dma_wait3A_521 = arith.constant 0 : i32
    %dma_wait3A_522 = arith.constant 0 : i32
    %dma_wait3A_523 = tpu.memref_slice %dma_wait3A_520[%dma_wait3A_521, %dma_wait3A_522] : memref<104x64xf32, #tpu.memory_space<vmem>> -> memref<96x64xf32, #tpu.memory_space<vmem>>
    tpu.wait_dma2 semaphore(%arg16 : memref<!tpu.dma_semaphore, #tpu.memory_space<semaphore_mem>>) src(%dma_wait3A_523 : memref<96x64xf32, #tpu.memory_space<vmem>>) dst(%dma_wait3A_516 : memref<96x64xf32, #tpu.memory_space<hbm>>)
    %dma_wait3A_524 = arith.constant 2 : i32
    %dma_wait3A_525 = arith.constant 0 : i32
    %dma_wait3A_526 = arith.constant 0 : i32
    %dma_wait3A_527 = arith.constant 0 : i32
    %dma_wait3A_528 = tpu.memref_slice %arg6[%dma_wait3A_524, %dma_wait3A_526, %dma_wait3A_527] : memref<8x104x64xf32, #tpu.memory_space<vmem>> -> memref<1x104x64xf32, #tpu.memory_space<vmem>>
    %dma_wait3A_529 = tpu.memref_squeeze %dma_wait3A_528 : memref<1x104x64xf32, #tpu.memory_space<vmem>> -> memref<104x64xf32, #tpu.memory_space<vmem>>
    %dma_wait3A_530 = arith.constant 0 : i32
    %dma_wait3A_531 = arith.constant 0 : i32
    %dma_wait3A_532 = tpu.memref_slice %dma_wait3A_529[%dma_wait3A_530, %dma_wait3A_531] : memref<104x64xf32, #tpu.memory_space<vmem>> -> memref<104x64xf32, #tpu.memory_space<vmem>>
    %dma_wait3A_533 = arith.constant 0 : i32
    %dma_wait3A_534 = arith.constant 0 : i32
    %dma_wait3A_535 = tpu.memref_slice %arg4[%dma_wait3A_525, %dma_wait3A_533, %dma_wait3A_534] : memref<4096x200x64xf32, #tpu.memory_space<hbm>> -> memref<1x200x64xf32, #tpu.memory_space<hbm>>
    %dma_wait3A_536 = tpu.memref_squeeze %dma_wait3A_535 : memref<1x200x64xf32, #tpu.memory_space<hbm>> -> memref<200x64xf32, #tpu.memory_space<hbm>>
    %dma_wait3A_537 = arith.constant 0 : i32
    %dma_wait3A_538 = arith.constant 0 : i32
    %dma_wait3A_539 = tpu.memref_slice %dma_wait3A_536[%dma_wait3A_537, %dma_wait3A_538] : memref<200x64xf32, #tpu.memory_space<hbm>> -> memref<104x64xf32, #tpu.memory_space<hbm>>
    %dma_wait3A_540 = arith.constant 0 : i32
    %dma_wait3A_541 = arith.constant 0 : i32
    %dma_wait3A_542 = tpu.memref_slice %arg4[%dma_wait3A_525, %dma_wait3A_540, %dma_wait3A_541] : memref<4096x200x64xf32, #tpu.memory_space<hbm>> -> memref<1x200x64xf32, #tpu.memory_space<hbm>>
    %dma_wait3A_543 = tpu.memref_squeeze %dma_wait3A_542 : memref<1x200x64xf32, #tpu.memory_space<hbm>> -> memref<200x64xf32, #tpu.memory_space<hbm>>
    %dma_wait3A_544 = arith.constant 0 : i32
    %dma_wait3A_545 = arith.constant 0 : i32
    %dma_wait3A_546 = tpu.memref_slice %dma_wait3A_543[%dma_wait3A_544, %dma_wait3A_545] : memref<200x64xf32, #tpu.memory_space<hbm>> -> memref<104x64xf32, #tpu.memory_space<hbm>>
    %dma_wait3A_547 = arith.constant 0 : i32
    %dma_wait3A_548 = arith.constant 0 : i32
    %dma_wait3A_549 = tpu.memref_slice %arg6[%dma_wait3A_524, %dma_wait3A_547, %dma_wait3A_548] : memref<8x104x64xf32, #tpu.memory_space<vmem>> -> memref<1x104x64xf32, #tpu.memory_space<vmem>>
    %dma_wait3A_550 = tpu.memref_squeeze %dma_wait3A_549 : memref<1x104x64xf32, #tpu.memory_space<vmem>> -> memref<104x64xf32, #tpu.memory_space<vmem>>
    %dma_wait3A_551 = arith.constant 0 : i32
    %dma_wait3A_552 = arith.constant 0 : i32
    %dma_wait3A_553 = tpu.memref_slice %dma_wait3A_550[%dma_wait3A_551, %dma_wait3A_552] : memref<104x64xf32, #tpu.memory_space<vmem>> -> memref<104x64xf32, #tpu.memory_space<vmem>>
    tpu.wait_dma2 semaphore(%arg17 : memref<!tpu.dma_semaphore, #tpu.memory_space<semaphore_mem>>) src(%dma_wait3A_553 : memref<104x64xf32, #tpu.memory_space<vmem>>) dst(%dma_wait3A_546 : memref<104x64xf32, #tpu.memory_space<hbm>>)
    %dma_wait3A_554 = arith.constant 3 : i32
    %dma_wait3A_555 = arith.constant 0 : i32
    %dma_wait3A_556 = arith.constant 0 : i32
    %dma_wait3A_557 = arith.constant 0 : i32
    %dma_wait3A_558 = tpu.memref_slice %arg6[%dma_wait3A_554, %dma_wait3A_556, %dma_wait3A_557] : memref<8x104x64xf32, #tpu.memory_space<vmem>> -> memref<1x104x64xf32, #tpu.memory_space<vmem>>
    %dma_wait3A_559 = tpu.memref_squeeze %dma_wait3A_558 : memref<1x104x64xf32, #tpu.memory_space<vmem>> -> memref<104x64xf32, #tpu.memory_space<vmem>>
    %dma_wait3A_560 = arith.constant 0 : i32
    %dma_wait3A_561 = arith.constant 0 : i32
    %dma_wait3A_562 = tpu.memref_slice %dma_wait3A_559[%dma_wait3A_560, %dma_wait3A_561] : memref<104x64xf32, #tpu.memory_space<vmem>> -> memref<96x64xf32, #tpu.memory_space<vmem>>
    %dma_wait3A_563 = arith.constant 0 : i32
    %dma_wait3A_564 = arith.constant 0 : i32
    %dma_wait3A_565 = tpu.memref_slice %arg4[%dma_wait3A_555, %dma_wait3A_563, %dma_wait3A_564] : memref<4096x200x64xf32, #tpu.memory_space<hbm>> -> memref<1x200x64xf32, #tpu.memory_space<hbm>>
    %dma_wait3A_566 = tpu.memref_squeeze %dma_wait3A_565 : memref<1x200x64xf32, #tpu.memory_space<hbm>> -> memref<200x64xf32, #tpu.memory_space<hbm>>
    %dma_wait3A_567 = arith.constant 0 : i32
    %dma_wait3A_568 = arith.constant 0 : i32
    %dma_wait3A_569 = tpu.memref_slice %dma_wait3A_566[%dma_wait3A_567, %dma_wait3A_568] : memref<200x64xf32, #tpu.memory_space<hbm>> -> memref<96x64xf32, #tpu.memory_space<hbm>>
    %dma_wait3A_570 = arith.constant 0 : i32
    %dma_wait3A_571 = arith.constant 0 : i32
    %dma_wait3A_572 = tpu.memref_slice %arg4[%dma_wait3A_555, %dma_wait3A_570, %dma_wait3A_571] : memref<4096x200x64xf32, #tpu.memory_space<hbm>> -> memref<1x200x64xf32, #tpu.memory_space<hbm>>
    %dma_wait3A_573 = tpu.memref_squeeze %dma_wait3A_572 : memref<1x200x64xf32, #tpu.memory_space<hbm>> -> memref<200x64xf32, #tpu.memory_space<hbm>>
    %dma_wait3A_574 = arith.constant 0 : i32
    %dma_wait3A_575 = arith.constant 0 : i32
    %dma_wait3A_576 = tpu.memref_slice %dma_wait3A_573[%dma_wait3A_574, %dma_wait3A_575] : memref<200x64xf32, #tpu.memory_space<hbm>> -> memref<96x64xf32, #tpu.memory_space<hbm>>
    %dma_wait3A_577 = arith.constant 0 : i32
    %dma_wait3A_578 = arith.constant 0 : i32
    %dma_wait3A_579 = tpu.memref_slice %arg6[%dma_wait3A_554, %dma_wait3A_577, %dma_wait3A_578] : memref<8x104x64xf32, #tpu.memory_space<vmem>> -> memref<1x104x64xf32, #tpu.memory_space<vmem>>
    %dma_wait3A_580 = tpu.memref_squeeze %dma_wait3A_579 : memref<1x104x64xf32, #tpu.memory_space<vmem>> -> memref<104x64xf32, #tpu.memory_space<vmem>>
    %dma_wait3A_581 = arith.constant 0 : i32
    %dma_wait3A_582 = arith.constant 0 : i32
    %dma_wait3A_583 = tpu.memref_slice %dma_wait3A_580[%dma_wait3A_581, %dma_wait3A_582] : memref<104x64xf32, #tpu.memory_space<vmem>> -> memref<96x64xf32, #tpu.memory_space<vmem>>
    tpu.wait_dma2 semaphore(%arg18 : memref<!tpu.dma_semaphore, #tpu.memory_space<semaphore_mem>>) src(%dma_wait3A_583 : memref<96x64xf32, #tpu.memory_space<vmem>>) dst(%dma_wait3A_576 : memref<96x64xf32, #tpu.memory_space<hbm>>)
    %dma_wait3A_584 = arith.constant 4 : i32
    %dma_wait3A_585 = arith.constant 0 : i32
    %dma_wait3A_586 = arith.constant 0 : i32
    %dma_wait3A_587 = arith.constant 0 : i32
    %dma_wait3A_588 = tpu.memref_slice %arg6[%dma_wait3A_584, %dma_wait3A_586, %dma_wait3A_587] : memref<8x104x64xf32, #tpu.memory_space<vmem>> -> memref<1x104x64xf32, #tpu.memory_space<vmem>>
    %dma_wait3A_589 = tpu.memref_squeeze %dma_wait3A_588 : memref<1x104x64xf32, #tpu.memory_space<vmem>> -> memref<104x64xf32, #tpu.memory_space<vmem>>
    %dma_wait3A_590 = arith.constant 0 : i32
    %dma_wait3A_591 = arith.constant 0 : i32
    %dma_wait3A_592 = tpu.memref_slice %dma_wait3A_589[%dma_wait3A_590, %dma_wait3A_591] : memref<104x64xf32, #tpu.memory_space<vmem>> -> memref<104x64xf32, #tpu.memory_space<vmem>>
    %dma_wait3A_593 = arith.constant 0 : i32
    %dma_wait3A_594 = arith.constant 0 : i32
    %dma_wait3A_595 = tpu.memref_slice %arg4[%dma_wait3A_585, %dma_wait3A_593, %dma_wait3A_594] : memref<4096x200x64xf32, #tpu.memory_space<hbm>> -> memref<1x200x64xf32, #tpu.memory_space<hbm>>
    %dma_wait3A_596 = tpu.memref_squeeze %dma_wait3A_595 : memref<1x200x64xf32, #tpu.memory_space<hbm>> -> memref<200x64xf32, #tpu.memory_space<hbm>>
    %dma_wait3A_597 = arith.constant 0 : i32
    %dma_wait3A_598 = arith.constant 0 : i32
    %dma_wait3A_599 = tpu.memref_slice %dma_wait3A_596[%dma_wait3A_597, %dma_wait3A_598] : memref<200x64xf32, #tpu.memory_space<hbm>> -> memref<104x64xf32, #tpu.memory_space<hbm>>
    %dma_wait3A_600 = arith.constant 0 : i32
    %dma_wait3A_601 = arith.constant 0 : i32
    %dma_wait3A_602 = tpu.memref_slice %arg4[%dma_wait3A_585, %dma_wait3A_600, %dma_wait3A_601] : memref<4096x200x64xf32, #tpu.memory_space<hbm>> -> memref<1x200x64xf32, #tpu.memory_space<hbm>>
    %dma_wait3A_603 = tpu.memref_squeeze %dma_wait3A_602 : memref<1x200x64xf32, #tpu.memory_space<hbm>> -> memref<200x64xf32, #tpu.memory_space<hbm>>
    %dma_wait3A_604 = arith.constant 0 : i32
    %dma_wait3A_605 = arith.constant 0 : i32
    %dma_wait3A_606 = tpu.memref_slice %dma_wait3A_603[%dma_wait3A_604, %dma_wait3A_605] : memref<200x64xf32, #tpu.memory_space<hbm>> -> memref<104x64xf32, #tpu.memory_space<hbm>>
    %dma_wait3A_607 = arith.constant 0 : i32
    %dma_wait3A_608 = arith.constant 0 : i32
    %dma_wait3A_609 = tpu.memref_slice %arg6[%dma_wait3A_584, %dma_wait3A_607, %dma_wait3A_608] : memref<8x104x64xf32, #tpu.memory_space<vmem>> -> memref<1x104x64xf32, #tpu.memory_space<vmem>>
    %dma_wait3A_610 = tpu.memref_squeeze %dma_wait3A_609 : memref<1x104x64xf32, #tpu.memory_space<vmem>> -> memref<104x64xf32, #tpu.memory_space<vmem>>
    %dma_wait3A_611 = arith.constant 0 : i32
    %dma_wait3A_612 = arith.constant 0 : i32
    %dma_wait3A_613 = tpu.memref_slice %dma_wait3A_610[%dma_wait3A_611, %dma_wait3A_612] : memref<104x64xf32, #tpu.memory_space<vmem>> -> memref<104x64xf32, #tpu.memory_space<vmem>>
    tpu.wait_dma2 semaphore(%arg19 : memref<!tpu.dma_semaphore, #tpu.memory_space<semaphore_mem>>) src(%dma_wait3A_613 : memref<104x64xf32, #tpu.memory_space<vmem>>) dst(%dma_wait3A_606 : memref<104x64xf32, #tpu.memory_space<hbm>>)
    %dma_wait3A_614 = arith.constant 5 : i32
    %dma_wait3A_615 = arith.constant 0 : i32
    %dma_wait3A_616 = arith.constant 0 : i32
    %dma_wait3A_617 = arith.constant 0 : i32
    %dma_wait3A_618 = tpu.memref_slice %arg6[%dma_wait3A_614, %dma_wait3A_616, %dma_wait3A_617] : memref<8x104x64xf32, #tpu.memory_space<vmem>> -> memref<1x104x64xf32, #tpu.memory_space<vmem>>
    %dma_wait3A_619 = tpu.memref_squeeze %dma_wait3A_618 : memref<1x104x64xf32, #tpu.memory_space<vmem>> -> memref<104x64xf32, #tpu.memory_space<vmem>>
    %dma_wait3A_620 = arith.constant 0 : i32
    %dma_wait3A_621 = arith.constant 0 : i32
    %dma_wait3A_622 = tpu.memref_slice %dma_wait3A_619[%dma_wait3A_620, %dma_wait3A_621] : memref<104x64xf32, #tpu.memory_space<vmem>> -> memref<96x64xf32, #tpu.memory_space<vmem>>
    %dma_wait3A_623 = arith.constant 0 : i32
    %dma_wait3A_624 = arith.constant 0 : i32
    %dma_wait3A_625 = tpu.memref_slice %arg4[%dma_wait3A_615, %dma_wait3A_623, %dma_wait3A_624] : memref<4096x200x64xf32, #tpu.memory_space<hbm>> -> memref<1x200x64xf32, #tpu.memory_space<hbm>>
    %dma_wait3A_626 = tpu.memref_squeeze %dma_wait3A_625 : memref<1x200x64xf32, #tpu.memory_space<hbm>> -> memref<200x64xf32, #tpu.memory_space<hbm>>
    %dma_wait3A_627 = arith.constant 0 : i32
    %dma_wait3A_628 = arith.constant 0 : i32
    %dma_wait3A_629 = tpu.memref_slice %dma_wait3A_626[%dma_wait3A_627, %dma_wait3A_628] : memref<200x64xf32, #tpu.memory_space<hbm>> -> memref<96x64xf32, #tpu.memory_space<hbm>>
    %dma_wait3A_630 = arith.constant 0 : i32
    %dma_wait3A_631 = arith.constant 0 : i32
    %dma_wait3A_632 = tpu.memref_slice %arg4[%dma_wait3A_615, %dma_wait3A_630, %dma_wait3A_631] : memref<4096x200x64xf32, #tpu.memory_space<hbm>> -> memref<1x200x64xf32, #tpu.memory_space<hbm>>
    %dma_wait3A_633 = tpu.memref_squeeze %dma_wait3A_632 : memref<1x200x64xf32, #tpu.memory_space<hbm>> -> memref<200x64xf32, #tpu.memory_space<hbm>>
    %dma_wait3A_634 = arith.constant 0 : i32
    %dma_wait3A_635 = arith.constant 0 : i32
    %dma_wait3A_636 = tpu.memref_slice %dma_wait3A_633[%dma_wait3A_634, %dma_wait3A_635] : memref<200x64xf32, #tpu.memory_space<hbm>> -> memref<96x64xf32, #tpu.memory_space<hbm>>
    %dma_wait3A_637 = arith.constant 0 : i32
    %dma_wait3A_638 = arith.constant 0 : i32
    %dma_wait3A_639 = tpu.memref_slice %arg6[%dma_wait3A_614, %dma_wait3A_637, %dma_wait3A_638] : memref<8x104x64xf32, #tpu.memory_space<vmem>> -> memref<1x104x64xf32, #tpu.memory_space<vmem>>
    %dma_wait3A_640 = tpu.memref_squeeze %dma_wait3A_639 : memref<1x104x64xf32, #tpu.memory_space<vmem>> -> memref<104x64xf32, #tpu.memory_space<vmem>>
    %dma_wait3A_641 = arith.constant 0 : i32
    %dma_wait3A_642 = arith.constant 0 : i32
    %dma_wait3A_643 = tpu.memref_slice %dma_wait3A_640[%dma_wait3A_641, %dma_wait3A_642] : memref<104x64xf32, #tpu.memory_space<vmem>> -> memref<96x64xf32, #tpu.memory_space<vmem>>
    tpu.wait_dma2 semaphore(%arg20 : memref<!tpu.dma_semaphore, #tpu.memory_space<semaphore_mem>>) src(%dma_wait3A_643 : memref<96x64xf32, #tpu.memory_space<vmem>>) dst(%dma_wait3A_636 : memref<96x64xf32, #tpu.memory_space<hbm>>)
    %dma_wait3A_644 = arith.constant 6 : i32
    %dma_wait3A_645 = arith.constant 0 : i32
    %dma_wait3A_646 = arith.constant 0 : i32
    %dma_wait3A_647 = arith.constant 0 : i32
    %dma_wait3A_648 = tpu.memref_slice %arg6[%dma_wait3A_644, %dma_wait3A_646, %dma_wait3A_647] : memref<8x104x64xf32, #tpu.memory_space<vmem>> -> memref<1x104x64xf32, #tpu.memory_space<vmem>>
    %dma_wait3A_649 = tpu.memref_squeeze %dma_wait3A_648 : memref<1x104x64xf32, #tpu.memory_space<vmem>> -> memref<104x64xf32, #tpu.memory_space<vmem>>
    %dma_wait3A_650 = arith.constant 0 : i32
    %dma_wait3A_651 = arith.constant 0 : i32
    %dma_wait3A_652 = tpu.memref_slice %dma_wait3A_649[%dma_wait3A_650, %dma_wait3A_651] : memref<104x64xf32, #tpu.memory_space<vmem>> -> memref<104x64xf32, #tpu.memory_space<vmem>>
    %dma_wait3A_653 = arith.constant 0 : i32
    %dma_wait3A_654 = arith.constant 0 : i32
    %dma_wait3A_655 = tpu.memref_slice %arg4[%dma_wait3A_645, %dma_wait3A_653, %dma_wait3A_654] : memref<4096x200x64xf32, #tpu.memory_space<hbm>> -> memref<1x200x64xf32, #tpu.memory_space<hbm>>
    %dma_wait3A_656 = tpu.memref_squeeze %dma_wait3A_655 : memref<1x200x64xf32, #tpu.memory_space<hbm>> -> memref<200x64xf32, #tpu.memory_space<hbm>>
    %dma_wait3A_657 = arith.constant 0 : i32
    %dma_wait3A_658 = arith.constant 0 : i32
    %dma_wait3A_659 = tpu.memref_slice %dma_wait3A_656[%dma_wait3A_657, %dma_wait3A_658] : memref<200x64xf32, #tpu.memory_space<hbm>> -> memref<104x64xf32, #tpu.memory_space<hbm>>
    %dma_wait3A_660 = arith.constant 0 : i32
    %dma_wait3A_661 = arith.constant 0 : i32
    %dma_wait3A_662 = tpu.memref_slice %arg4[%dma_wait3A_645, %dma_wait3A_660, %dma_wait3A_661] : memref<4096x200x64xf32, #tpu.memory_space<hbm>> -> memref<1x200x64xf32, #tpu.memory_space<hbm>>
    %dma_wait3A_663 = tpu.memref_squeeze %dma_wait3A_662 : memref<1x200x64xf32, #tpu.memory_space<hbm>> -> memref<200x64xf32, #tpu.memory_space<hbm>>
    %dma_wait3A_664 = arith.constant 0 : i32
    %dma_wait3A_665 = arith.constant 0 : i32
    %dma_wait3A_666 = tpu.memref_slice %dma_wait3A_663[%dma_wait3A_664, %dma_wait3A_665] : memref<200x64xf32, #tpu.memory_space<hbm>> -> memref<104x64xf32, #tpu.memory_space<hbm>>
    %dma_wait3A_667 = arith.constant 0 : i32
    %dma_wait3A_668 = arith.constant 0 : i32
    %dma_wait3A_669 = tpu.memref_slice %arg6[%dma_wait3A_644, %dma_wait3A_667, %dma_wait3A_668] : memref<8x104x64xf32, #tpu.memory_space<vmem>> -> memref<1x104x64xf32, #tpu.memory_space<vmem>>
    %dma_wait3A_670 = tpu.memref_squeeze %dma_wait3A_669 : memref<1x104x64xf32, #tpu.memory_space<vmem>> -> memref<104x64xf32, #tpu.memory_space<vmem>>
    %dma_wait3A_671 = arith.constant 0 : i32
    %dma_wait3A_672 = arith.constant 0 : i32
    %dma_wait3A_673 = tpu.memref_slice %dma_wait3A_670[%dma_wait3A_671, %dma_wait3A_672] : memref<104x64xf32, #tpu.memory_space<vmem>> -> memref<104x64xf32, #tpu.memory_space<vmem>>
    tpu.wait_dma2 semaphore(%arg21 : memref<!tpu.dma_semaphore, #tpu.memory_space<semaphore_mem>>) src(%dma_wait3A_673 : memref<104x64xf32, #tpu.memory_space<vmem>>) dst(%dma_wait3A_666 : memref<104x64xf32, #tpu.memory_space<hbm>>)
    %dma_wait3A_674 = arith.constant 7 : i32
    %dma_wait3A_675 = arith.constant 0 : i32
    %dma_wait3A_676 = arith.constant 0 : i32
    %dma_wait3A_677 = arith.constant 0 : i32
    %dma_wait3A_678 = tpu.memref_slice %arg6[%dma_wait3A_674, %dma_wait3A_676, %dma_wait3A_677] : memref<8x104x64xf32, #tpu.memory_space<vmem>> -> memref<1x104x64xf32, #tpu.memory_space<vmem>>
    %dma_wait3A_679 = tpu.memref_squeeze %dma_wait3A_678 : memref<1x104x64xf32, #tpu.memory_space<vmem>> -> memref<104x64xf32, #tpu.memory_space<vmem>>
    %dma_wait3A_680 = arith.constant 0 : i32
    %dma_wait3A_681 = arith.constant 0 : i32
    %dma_wait3A_682 = tpu.memref_slice %dma_wait3A_679[%dma_wait3A_680, %dma_wait3A_681] : memref<104x64xf32, #tpu.memory_space<vmem>> -> memref<96x64xf32, #tpu.memory_space<vmem>>
    %dma_wait3A_683 = arith.constant 0 : i32
    %dma_wait3A_684 = arith.constant 0 : i32
    %dma_wait3A_685 = tpu.memref_slice %arg4[%dma_wait3A_675, %dma_wait3A_683, %dma_wait3A_684] : memref<4096x200x64xf32, #tpu.memory_space<hbm>> -> memref<1x200x64xf32, #tpu.memory_space<hbm>>
    %dma_wait3A_686 = tpu.memref_squeeze %dma_wait3A_685 : memref<1x200x64xf32, #tpu.memory_space<hbm>> -> memref<200x64xf32, #tpu.memory_space<hbm>>
    %dma_wait3A_687 = arith.constant 0 : i32
    %dma_wait3A_688 = arith.constant 0 : i32
    %dma_wait3A_689 = tpu.memref_slice %dma_wait3A_686[%dma_wait3A_687, %dma_wait3A_688] : memref<200x64xf32, #tpu.memory_space<hbm>> -> memref<96x64xf32, #tpu.memory_space<hbm>>
    %dma_wait3A_690 = arith.constant 0 : i32
    %dma_wait3A_691 = arith.constant 0 : i32
    %dma_wait3A_692 = tpu.memref_slice %arg4[%dma_wait3A_675, %dma_wait3A_690, %dma_wait3A_691] : memref<4096x200x64xf32, #tpu.memory_space<hbm>> -> memref<1x200x64xf32, #tpu.memory_space<hbm>>
    %dma_wait3A_693 = tpu.memref_squeeze %dma_wait3A_692 : memref<1x200x64xf32, #tpu.memory_space<hbm>> -> memref<200x64xf32, #tpu.memory_space<hbm>>
    %dma_wait3A_694 = arith.constant 0 : i32
    %dma_wait3A_695 = arith.constant 0 : i32
    %dma_wait3A_696 = tpu.memref_slice %dma_wait3A_693[%dma_wait3A_694, %dma_wait3A_695] : memref<200x64xf32, #tpu.memory_space<hbm>> -> memref<96x64xf32, #tpu.memory_space<hbm>>
    %dma_wait3A_697 = arith.constant 0 : i32
    %dma_wait3A_698 = arith.constant 0 : i32
    %dma_wait3A_699 = tpu.memref_slice %arg6[%dma_wait3A_674, %dma_wait3A_697, %dma_wait3A_698] : memref<8x104x64xf32, #tpu.memory_space<vmem>> -> memref<1x104x64xf32, #tpu.memory_space<vmem>>
    %dma_wait3A_700 = tpu.memref_squeeze %dma_wait3A_699 : memref<1x104x64xf32, #tpu.memory_space<vmem>> -> memref<104x64xf32, #tpu.memory_space<vmem>>
    %dma_wait3A_701 = arith.constant 0 : i32
    %dma_wait3A_702 = arith.constant 0 : i32
    %dma_wait3A_703 = tpu.memref_slice %dma_wait3A_700[%dma_wait3A_701, %dma_wait3A_702] : memref<104x64xf32, #tpu.memory_space<vmem>> -> memref<96x64xf32, #tpu.memory_space<vmem>>
    tpu.wait_dma2 semaphore(%arg22 : memref<!tpu.dma_semaphore, #tpu.memory_space<semaphore_mem>>) src(%dma_wait3A_703 : memref<96x64xf32, #tpu.memory_space<vmem>>) dst(%dma_wait3A_696 : memref<96x64xf32, #tpu.memory_space<hbm>>)
    return
  }
}

</mosaic_0001>

<sc_bundles>
// kernel: _lookup.3.cloned.1.call-start
scs
__scs_entry_jumppad:
0x0: {  	(pc) =	sbr.rel $0x88, $3  }
0x1: {  	(tag) =	ssettag $0x0;
	lr =	simm.s32 $0x1  }
0x2: {  	[smem:$0x3F9F] =	sst lr;
	_ =	strace $0xD0000000  }
0x3: {  	_ = 	snop  }
0x4: {  	_ = 	snop  }
0x5: {  	_ = 	snop  }
0x6: {  	_ = 	snop  }
0x7: {  	_ = 	snop  }
__scs_overlays_trampoline_lowered:
0x8: {  	[smem:$0x3FAE] =	sst s0  }
0x9: {  	[smem:$0x3FAF] =	sst s1  }
0xa: {  	[smem:$0x3FB0] =	sst s2  }
0xb: {  	[smem:$0x3FB1] =	sst s3  }
0xc: {  	[smem:$0x3FB2] =	sst s4  }
0xd: {  	[smem:$0x3FB3] =	sst s5  }
0xe: {  	[smem:$0x3FB4] =	sst s6  }
0xf: {  	[smem:$0x3FB5] =	sst s7  }
0x10: {  	[smem:$0x3FB6] =	sst s8  }
0x11: {  	[smem:$0x3FB7] =	sst s9;
	s0 =	simm.s32 @!p0 $0x0  }
0x12: {  	s1 =	sld [smem:$0x3F9D];
	s0 =	simm.s32 @p0 $0x1  }
0x13: {  	[smem:$0x3FB8] =	sst s0;
	s0 =	simm.s32 @!p1 $0x0  }
0x14: {  	s2 =	sld [smem:$0x3F9C];
	s0 =	simm.s32 @p1 $0x1  }
0x15: {  	[smem:$0x3FB9] =	sst s0;
	s0 =	simm.s32 @!p2 $0x0  }
0x16: {  	s3 =	sld [smem:$0x3FDB];
	s0 =	simm.s32 @p2 $0x1  }
0x17: {  	s4 =	simm.s32 $0x1BF5;
	[smem:$0x3FBB] =	sst s0  }
0x18: {  	s0 =	sld [smem:$0x3F9E];
	_ =	swait.ge [sflag:s4], $0x0  }
0x19: {  	s7 =	sld [smem:$0x3F9F]  }
0x1a: {  	s8 =	sadd.s32 $0xFFFFE003, lr  }
0x1b: {  	s9 =	sadd.s32 $0xFFFFFEF7, lr;
	s5 =	simm.s32 $0xFFFFFFFF;
	p2 =	slt.u32 s8, $0xFFFFF086  }
0x1c: {  	p1 =	slt.u32 s9, $0xF7A;
	s5 =	simm.s32 @!p2 $0x0  }
0x1d: {  	s5 =	simm.s32 @p1 $0x1;
	p0 =	seq.s32 s7, s2  }
0x1e: {  	s7 =	smul.u32 @!p0 $0xF7A, s2;
	p2 =	seq.s32 @!p0 s5, $0x0  }
0x1f: {  	s9 =	smul.u32 $0xF7A, s1;
	s8 =	simm.s32 @!p0 $0x1BF5;
	p2 =	por !p2, p0  }
0x20: {  	[sflag:s8] =	ssyncset.s32 @!p0 $0xFFFFF086;
	s6 =	sadd.s32 @!p0 s3, s7;
	s7 =	simm.s32 @!p0 $0x108  }
0x21: {  	s3 =	sadd.s32 s3, s9;
	s6 =	sadd.s32 @!p0 $0x88, s6;
	s7 =	simm.s32 @p2 $0x1082  }
0x22: {  	[simem:s7], [sflag:s8] =	dma.local @!p0 [hbm:s6], $0xF7A  }
0x23: {  	s9 =	sor.u32 $0xD0000000, s2;
	s6 =	simm.s32 $0x108;
	_ =	swait.ge @!p0 [sflag:s8], $0x0  }
0x24: {  	s3 =	sadd.s32 $0x88, s3;
	s6 =	simm.s32 @!p1 $0x1082;
	[sflag:s4] =	ssyncset.s32 $0xFFFFF086  }
0x25: {  	[simem:s6], [sflag:s4] =	dma.local [hbm:s3], $0xF7A  }
0x26: {  	[smem:$0x3F9F] =	sst s1;
	(tag) =	ssettag s2;
	_ =	strace s9  }
0x27: {  	s1 =	sld [smem:$0x3FAF]  }
0x28: {  	s2 =	sld [smem:$0x3FB0]  }
0x29: {  	s4 =	sld [smem:$0x3FB2]  }
0x2a: {  	p0 =	seq.s32 s5, $0x0;
	s5 =	sld [smem:$0x3FB3]  }
0x2b: {  	s6 =	sld [smem:$0x3FB4]  }
0x2c: {  	s7 =	sld [smem:$0x3FB5]  }
0x2d: {  	s3 =	simm.s32 $0x108;
	s8 =	sld [smem:$0x3FB6]  }
0x2e: {  	s3 =	simm.s32 @!p0 $0x1082;
	s9 =	sld [smem:$0x3FB7]  }
0x2f: {  	lr =	sadd.s32 s0, s3;
	s0 =	sld [smem:$0x3FAE]  }
0x30: {  	s3 =	sld [smem:$0x3FB1]  }
0x31: {  	[smem:$0x3FBA] =	sst s10  }
0x32: {  	s10 =	sld [smem:$0x3FB8];
	_ =	sdelay $0x3  }
0x33: {  	p0 =	seq.s32 s10, $0x1;
	s10 =	sld [smem:$0x3FBA];
	_ =	sdelay $0x3  }
0x34: {  	[smem:$0x3FBA] =	sst s10  }
0x35: {  	s10 =	sld [smem:$0x3FB9];
	_ =	sdelay $0x3  }
0x36: {  	p1 =	seq.s32 s10, $0x1;
	s10 =	sld [smem:$0x3FBA];
	_ =	sdelay $0x3  }
0x37: {  	[smem:$0x3FBA] =	sst s10  }
0x38: {  	s10 =	sld [smem:$0x3FBB]  }
0x39: {  	_ = 	snop;
	(pc) =	sbr.ind lr, $3  }
0x3a: {  	_ = 	snop  }
0x3b: {  	_ = 	snop  }
0x3c: {  	p2 =	seq.s32 s10, $0x1;
	s10 =	sld [smem:$0x3FBA]  }
0x3d: {  	_ =	shalt  }
0x3e: {  	_ =	shalt  }
0x3f: {  	_ =	shalt  }
0x40: {  	_ =	shalt  }
0x41: {  	_ =	shalt  }
0x42: {  	_ =	shalt  }
0x43: {  	_ =	shalt  }
0x44: {  	_ =	shalt  }
0x45: {  	_ =	shalt  }
0x46: {  	_ =	shalt  }
0x47: {  	_ =	shalt  }
0x48: {  	_ =	shalt  }
0x49: {  	_ =	shalt  }
0x4a: {  	_ =	shalt  }
0x4b: {  	_ =	shalt  }
0x4c: {  	_ =	shalt  }
0x4d: {  	_ =	shalt  }
0x4e: {  	_ =	shalt  }
0x4f: {  	_ =	shalt  }
0x50: {  	_ =	shalt  }
0x51: {  	_ =	shalt  }
0x52: {  	_ =	shalt  }
0x53: {  	_ =	shalt  }
0x54: {  	_ =	shalt  }
0x55: {  	_ =	shalt  }
0x56: {  	_ =	shalt  }
0x57: {  	_ =	shalt  }
0x58: {  	_ =	shalt  }
0x59: {  	_ =	shalt  }
0x5a: {  	_ =	shalt  }
0x5b: {  	_ =	shalt  }
0x5c: {  	_ =	shalt  }
0x5d: {  	_ =	shalt  }
0x5e: {  	_ =	shalt  }
0x5f: {  	_ =	shalt  }
0x60: {  	_ =	shalt  }
0x61: {  	_ =	shalt  }
0x62: {  	_ =	shalt  }
0x63: {  	_ =	shalt  }
0x64: {  	_ =	shalt  }
0x65: {  	_ =	shalt  }
0x66: {  	_ =	shalt  }
0x67: {  	_ =	shalt  }
0x68: {  	_ =	shalt  }
0x69: {  	_ =	shalt  }
0x6a: {  	_ =	shalt  }
0x6b: {  	_ =	shalt  }
0x6c: {  	_ =	shalt  }
0x6d: {  	_ =	shalt  }
0x6e: {  	_ =	shalt  }
0x6f: {  	_ =	shalt  }
0x70: {  	_ =	shalt  }
0x71: {  	_ =	shalt  }
0x72: {  	_ =	shalt  }
0x73: {  	_ =	shalt  }
0x74: {  	_ =	shalt  }
0x75: {  	_ =	shalt  }
0x76: {  	_ =	shalt  }
0x77: {  	_ =	shalt  }
0x78: {  	_ =	shalt  }
0x79: {  	_ =	shalt  }
0x7a: {  	_ =	shalt  }
0x7b: {  	_ =	shalt  }
0x7c: {  	_ =	shalt  }
0x7d: {  	_ =	shalt  }
0x7e: {  	_ =	shalt  }
0x7f: {  	_ =	shalt  }
0x80: {  	_ =	shalt  }
0x81: {  	_ =	shalt  }
0x82: {  	_ =	shalt  }
0x83: {  	_ =	shalt  }
0x84: {  	_ =	shalt  }
0x85: {  	_ =	shalt  }
0x86: {  	_ =	shalt  }
0x87: {  	_ =	shalt  }
.Lfunc_end0:
.L_simem_size_0:
called_computation.1_lowered:
.L_overlay_start_0:
0x88: {  	s2 =	sld [smem:$0x3FD9]  }
0x89: {  	s3 =	sld [smem:$0x3FFE];
	_ =	sdelay $0x1  }
0x8a: {  	s1 =	srdreg.scid  }
0x8b: {  	s0 =	sand.u32 $0x1, s1  }
0x8c: {  	s17 =	sshll.u32 s0, $0xA;
	s2 =	sadd.s32 s3, s2  }
0x8d: {  	s2 =	sadd.s32 s2, s17  }
0x8e: {  	[smem:$0x3FC6] =	sst s2  }
0x8f: {  	_ = 	snop  }
0x90: {  	s2 =	sld [smem:$0x3FC9]  }
0x91: {  	s18 =	sld [smem:$0x3FD0];
	(tm) =	ssettm $0x1  }
0x92: {  	s4 =	sld [smem:$0x3FFB];
	_ =	sdelay $0x3  }
0x93: {  	_ =	strace s4  }
0x94: {  	s4 =	sld [smem:$0x3FFC];
	_ =	sdelay $0x3  }
0x95: {  	_ =	strace s4  }
0x96: {  	s4 =	sld [smem:$0x3FFD];
	_ =	sdelay $0x3  }
0x97: {  	_ =	strace s4  }
0x98: {  	_ =	strace $0x8FFFFFFF  }
0x99: {  	s19 =	sld [smem:$0x3FDB];
	_ =	sdelay $0x1  }
0x9a: {  	s5 =	simm.s32 $_scs_section_size  }
0x9b: {  	s6 =	simm.s32 $_size__tile_overlayer_lowered;
	s7 =	simm.s32 $_tile_overlayer_lowered  }
0x9c: {  	s22 =	simm.s32 $0x1BFF;
	s21 =	sshll.u32 s7, $0x1;
	s4 =	sadd.s32 s5, s19  }
0x9d: {  	s8 =	simm.s32 $0x0;
	s20 =	sshll.u32 s6, $0x1;
	s6 =	sadd.s32 s21, s4  }
0x9e: {  	[timem:s8], [sflag:s22] =	dma.local [hbm:s6], s20  }
0x9f: {  	_ =	swait.ge [sflag:s22], s20  }
0xa0: {  	s5 =	ssub.s32 $0x0, s20;
	[sflag:s22] =	ssyncset.done $0x0  }
0xa1: {  	[sflag:s22] =	ssyncadd.s32 s5;
	_ =	sdelay $0x1  }
0xa2: {  	s23 =	simm.s32 $0x1B8B  }
0xa3: {  	_ =	swait.ge [sflag:s23], $0x1  }
0xa4: {  	[sflag:s23] =	ssyncset.done $0x0  }
0xa5: {  	s25 =	simm.s32 $0x1B8E;
	s24 =	sld [smem:$0x3FFE];
	[sflag:s23] =	ssyncadd.s32 $0xFFFFFFFF  }
0xa6: {  	s26 =	simm.s32 $execute0_lowered;
	[smem:$0x3FD2] =	sst s25  }
0xa7: {  	s6 =	sshll.u32 s26, $0x1;
	_ =	strace $0x80000046;
	[dreg:$0x1] =	wrdreg $0xFFFFFFFF  }
0xa8: {  	s28 =	simm.s32 $_size_execute0_lowered;
	s4 =	sadd.s32 s4, s6;
	[dreg:$0x0] =	wrdreg $0x0  }
0xa9: {  	s6 =	sshll.u32 s28, $0x1;
	[dreg:$0x2] =	wrdreg s4  }
0xaa: {  	[dreg:$0x3] =	wrdreg s6  }
0xab: {  	[dreg:$0x4] =	wrdreg $0xC0  }
0xac: {  	_ =	task [dreg:s8], $0x5FFFF  }
0xad: {  	[dreg:$0x1] =	wrdreg $0xFFFFFFFF  }
0xae: {  	[dreg:$0x0] =	wrdreg $0x60  }
0xaf: {  	[dreg:$0x2] =	wrdreg s2  }
0xb0: {  	[dreg:$0x3] =	wrdreg s24  }
0xb1: {  	[dreg:$0x4] =	wrdreg s18  }
0xb2: {  	[dreg:$0x5] =	wrdreg $0x9  }
0xb3: {  	_ =	task.clear_ibuf [dreg:s8], $0x6FFFF;
	_ =	strace $0x90000046  }
0xb4: {  	s29 =	simm.s32 $0x9;
	_ =	strace $0x80000048  }
0xb5: {  	_ =	swait.ge [sflag:s29], $0x1  }
0xb6: {  	[sflag:s29] =	ssyncadd.s32 $0xFFFFFFFF  }
0xb7: {  	_ =	strace $0x90000048  }
0xb8: {  	_ =	sfence  }
0xb9: {  	s30 =	sld [smem:$0x0];
	_ =	sdelay $0x2  }
0xba: {  	s31 =	sshll.u32 s1, $0xD;
	s1 =	sshrl.u32 s1, $0x2  }
0xbb: {  	s3 =	sand.u32 $0x4000, s31;
	s1 =	sadd.s32 s1, s30  }
0xbc: {  	s0 =	sor.u32 s3, s0;
	s1 =	sshll.u32 s1, $0x11  }
0xbd: {  	s0 =	sor.u32 s1, s0  }
0xbe: {  	s0 =	sadd.s32 $0x8F2B, s0  }
0xbf: {  	[sflag:s0] =	ssyncadd.remote.s32 $0x1  }
0xc0: {  	_ =	sfence.sel $0xFFFF  }
0xc1: {  	[dreg:$0x0] =	wrdreg $0xFFFFFFFF;
	(pc) =	sbr.abs _section_cstart, $3  }
0xc2: {  	[dreg:$0x1] =	wrdreg $0xFFFFFFFF  }
0xc3: {  	_ =	task.clear_ibuf [dreg:s8], $0x2FFFF;
	_ =	strace $0x9FFFFFFF  }
0xc4: {  	(tm) =	ssettm $0x7FFFFFFF  }
0xc5: {  	_ =	shalt  }
tec
execute0_lowered:
.L_overlay_start_1:
0x0: {  	(tag) =	ssettag $0x1  }
0x1: {  	s0 =	rddreg [dreg:$0x0]  }
0x2: {  	s1 =	rddreg [dreg:$0x1];
	s2 =	srdreg.scid  }
0x3: {  	s9 =	stileid.u32;
	s4 =	rddreg [dreg:$0x2];
	s12 =	simm.s32 $0x68  }
0x4: {  	s10 =	simm.s32 $0x6400;
	s14 =	simm.s32 $0x60;
	s13 =	simm.s32 $0x7E00  }
0x5: {  	s15 =	simm.s32 $0x9800;
	s17 =	simm.s32 $0xB200;
	s19 =	simm.s32 $0xCC00  }
0x6: {  	s29 =	simm.s32 $0x1;
	s30 =	simm.s32 $0x2;
	s31 =	simm.s32 $0x3  }
0x7: {  	s16 =	simm.s32 $0x6;
	s18 =	simm.s32 $0x7;
	s20 =	simm.s32 $0x8  }
0x8: {  	s11 =	simm.s32 $0xE;
	s5 =	sand.u32 $0x1, s2;
	s3 =	sshll.u32 s9, $0x1  }
0x9: {  	s2 =	simm.s32 $0x0;
	s9 =	smul.u32 $0x64000, s9;
	s3 =	sor.u32 s5, s3  }
0xa: {  	[smem:$0x7FF] =	sst s2;
	s7 =	ssub.s32 $0x2, s5;
	s5 =	smul.u32 $0x32000, s5  }
0xb: {  	s28 =	simm.s32 $0x10000;
	s6 =	smul.u32 $0xC80, s3;
	_ =	strace $0x80000047  }
0xc: {  	s8 =	smul.u32 $0x32000, s3;
	s3 =	sadd.s32 $0xF42C00, s1;
	s21 =	sshrl.u32 s7, $0x1  }
0xd: {  	s24 =	sadd.s32 s9, s4;
	s9 =	simm.s32 $0xD;
	s1 =	ssub.s32 s7, s21  }
0xe: {  	s21 =	simm.s32 $0xE600;
	s7 =	simm.s32 $0x10;
	s0 =	sadd.s32 s0, s6  }
0xf: {  	s22 =	sadd.s32 s4, s8;
	s1 =	smax.u32 s1, $0x1;
	[dreg:$0x5] =	wrdreg s0  }
0x10: {  	s6 =	simm.s32 $0xF;
	s8 =	simm.s32 $0x0;
	[dreg:$0x4] =	wrdreg s22  }
0x11: {  	s23 =	sadd.s32 $0x640, s22;
	s25 =	sadd.s32 $0xC80, s22;
	[dreg:$0x9] =	wrdreg s1  }
0x12: {  	s26 =	sadd.s32 $0x12C0, s22;
	s0 =	sadd.s32 s5, s24;
	[dreg:$0x6] =	wrdreg s23  }
0x13: {  	s1 =	simm.s32 $0x4;
	s22 =	simm.s32 $0x9;
	[dreg:$0x7] =	wrdreg s25  }
0x14: {  	s24 =	simm.s32 $0xA;
	s5 =	simm.s32 $0xC;
	[dreg:$0x8] =	wrdreg s26  }
0x15: {  	s0 =	sadd.s32 $0x1900, s0;
	s23 =	simm.s32 $0x10000;
	s26 =	simm.s32 $0xB  }
0x16: {  	s25 =	simm.s32 $0xE600;
	[dreg:$0xa] =	wrdreg s0;
	s0 =	simm.s32 $0x5  }
.LBB2_1:
0x17: {  	[dreg:$0xb] =	wrdreg s8  }
0x18: {  	s4 =	rddreg [dreg:$0x5];
	s8 =	simm.s32 $0x11  }
0x19: {  	[tilespmem:s2], [sflag:$0x11] =	stream.linear.gather [hbm4b:s4+s2], $0x6400, $0x38;
	[tilespmem:$0x13400] =	vst v63  }
0x1a: {  	_ =	swait.ge [sflag:s8], $0x6400  }
0x1b: {  	[sflag:s8] =	ssyncset.done $0x0  }
0x1c: {  	[sflag:s8] =	ssyncadd.s32 $0xFFFF9C00  }
0x1d: {  	[tilespmem:s10], [sflag:$0x1] =	stream.indirect.gather [hbm4b:s3+s12], $0x40, s2, s12, $0xb8;
	[tilespmem:$0x13400] =	vst v63  }
0x1e: {  	_ = 	snop  }
0x1f: {  	[tilespmem:s13], [sflag:$0x2] =	stream.indirect.gather [hbm4b:s3+s14], $0x40, s12, s14, $0xb8;
	[tilespmem:$0x13400] =	vst v63  }
0x20: {  	s8 =	simm.s32 $0xC8  }
0x21: {  	[tilespmem:s15], [sflag:$0x3] =	stream.indirect.gather [hbm4b:s3+s12], $0x40, s8, s12, $0xb8;
	[tilespmem:$0x13400] =	vst v63  }
0x22: {  	s8 =	simm.s32 $0x130  }
0x23: {  	[tilespmem:s17], [sflag:$0x4] =	stream.indirect.gather [hbm4b:s3+s14], $0x40, s8, s14, $0xb8;
	[tilespmem:$0x13400] =	vst v63  }
0x24: {  	s8 =	simm.s32 $0x190  }
0x25: {  	[tilespmem:s19], [sflag:$0x5] =	stream.indirect.gather [hbm4b:s3+s12], $0x40, s8, s12, $0xb8;
	[tilespmem:$0x13400] =	vst v63  }
0x26: {  	s8 =	simm.s32 $0x1F8  }
0x27: {  	[tilespmem:s21], [sflag:$0x6] =	stream.indirect.gather [hbm4b:s3+s14], $0x40, s8, s14, $0xb8;
	[tilespmem:$0x13400] =	vst v63  }
0x28: {  	s8 =	simm.s32 $0x258  }
0x29: {  	[tilespmem:s23], [sflag:$0x7] =	stream.indirect.gather [hbm4b:s3+s12], $0x40, s8, s12, $0xb8;
	[tilespmem:$0x13400] =	vst v63  }
0x2a: {  	s4 =	simm.s32 $0x2C0;
	s8 =	simm.s32 $0x11A00  }
0x2b: {  	[tilespmem:s8], [sflag:$0x8] =	stream.indirect.gather [hbm4b:s3+s14], $0x40, s4, s14, $0xb8;
	[tilespmem:$0x13400] =	vst v63  }
0x2c: {  	_ =	swait.ge [sflag:s29], $0x1A00  }
0x2d: {  	[sflag:s29] =	ssyncset.done $0x0  }
0x2e: {  	s4 =	rddreg [dreg:$0x4];
	[sflag:s29] =	ssyncadd.s32 $0xFFFFE600  }
0x2f: {  	[hbm4b:s4+s2] =	stream.linear.scatter [tilespmem:s10], [sflag:$0x9], $0x1A00, $0x38;
	[tilespmem:$0x13400] =	vst v63  }
0x30: {  	_ =	swait.ge [sflag:s30], $0x1800  }
0x31: {  	[sflag:s30] =	ssyncset.done $0x0  }
0x32: {  	s4 =	sadd.s32 $0x340, s4;
	[sflag:s30] =	ssyncadd.s32 $0xFFFFE800  }
0x33: {  	[hbm4b:s4+s2] =	stream.linear.scatter [tilespmem:s13], [sflag:$0xA], $0x1800, $0x38;
	[tilespmem:$0x13400] =	vst v63  }
0x34: {  	_ =	swait.ge [sflag:s31], $0x1A00  }
0x35: {  	[sflag:s31] =	ssyncset.done $0x0  }
0x36: {  	s4 =	rddreg [dreg:$0x6];
	[sflag:s31] =	ssyncadd.s32 $0xFFFFE600  }
0x37: {  	[hbm4b:s4+s2] =	stream.linear.scatter [tilespmem:s15], [sflag:$0xB], $0x1A00, $0x38;
	[tilespmem:$0x13400] =	vst v63  }
0x38: {  	_ =	swait.ge [sflag:s1], $0x1800  }
0x39: {  	[sflag:s1] =	ssyncset.done $0x0  }
0x3a: {  	s4 =	sadd.s32 $0x340, s4;
	[sflag:s1] =	ssyncadd.s32 $0xFFFFE800  }
0x3b: {  	[hbm4b:s4+s2] =	stream.linear.scatter [tilespmem:s17], [sflag:$0xC], $0x1800, $0x38;
	[tilespmem:$0x13400] =	vst v63  }
0x3c: {  	_ =	swait.ge [sflag:s0], $0x1A00  }
0x3d: {  	[sflag:s0] =	ssyncset.done $0x0  }
0x3e: {  	s4 =	rddreg [dreg:$0x7];
	[sflag:s0] =	ssyncadd.s32 $0xFFFFE600  }
0x3f: {  	[hbm4b:s4+s2] =	stream.linear.scatter [tilespmem:s19], [sflag:$0xD], $0x1A00, $0x38;
	[tilespmem:$0x13400] =	vst v63  }
0x40: {  	_ =	swait.ge [sflag:s16], $0x1800  }
0x41: {  	[sflag:s16] =	ssyncset.done $0x0  }
0x42: {  	s4 =	sadd.s32 $0x340, s4;
	[sflag:s16] =	ssyncadd.s32 $0xFFFFE800  }
0x43: {  	[hbm4b:s4+s2] =	stream.linear.scatter [tilespmem:s21], [sflag:$0xE], $0x1800, $0x38;
	[tilespmem:$0x13400] =	vst v63  }
0x44: {  	_ =	swait.ge [sflag:s18], $0x1A00  }
0x45: {  	[sflag:s18] =	ssyncset.done $0x0  }
0x46: {  	s4 =	rddreg [dreg:$0x8];
	[sflag:s18] =	ssyncadd.s32 $0xFFFFE600  }
0x47: {  	[hbm4b:s4+s2] =	stream.linear.scatter [tilespmem:s23], [sflag:$0xF], $0x1A00, $0x38;
	[tilespmem:$0x13400] =	vst v63  }
0x48: {  	_ =	swait.ge [sflag:s20], $0x1800  }
0x49: {  	[sflag:s20] =	ssyncset.done $0x0  }
0x4a: {  	s4 =	sadd.s32 $0x340, s4;
	[sflag:s20] =	ssyncadd.s32 $0xFFFFE800  }
0x4b: {  	[hbm4b:s4+s2] =	stream.linear.scatter [tilespmem:s8], [sflag:$0x10], $0x1800, $0x38;
	[tilespmem:$0x13400] =	vst v63  }
0x4c: {  	_ =	swait.ge [sflag:s22], $0x1A00  }
0x4d: {  	[sflag:s22] =	ssyncset.done $0x0  }
0x4e: {  	s4 =	simm.s32 $0x320;
	[sflag:s22] =	ssyncadd.s32 $0xFFFFE600  }
0x4f: {  	[tilespmem:s10], [sflag:$0x1] =	stream.indirect.gather [hbm4b:s3+s12], $0x40, s4, s12, $0xb8;
	[tilespmem:$0x13400] =	vst v63  }
0x50: {  	_ =	swait.ge [sflag:s24], $0x1800  }
0x51: {  	[sflag:s24] =	ssyncset.done $0x0  }
0x52: {  	s4 =	simm.s32 $0x388;
	[sflag:s24] =	ssyncadd.s32 $0xFFFFE800  }
0x53: {  	[tilespmem:s13], [sflag:$0x2] =	stream.indirect.gather [hbm4b:s3+s14], $0x40, s4, s14, $0xb8;
	[tilespmem:$0x13400] =	vst v63  }
0x54: {  	_ =	swait.ge [sflag:s26], $0x1A00  }
0x55: {  	[sflag:s26] =	ssyncset.done $0x0  }
0x56: {  	s4 =	simm.s32 $0x3E8;
	[sflag:s26] =	ssyncadd.s32 $0xFFFFE600  }
0x57: {  	[tilespmem:s15], [sflag:$0x3] =	stream.indirect.gather [hbm4b:s3+s12], $0x40, s4, s12, $0xb8;
	[tilespmem:$0x13400] =	vst v63  }
0x58: {  	_ =	swait.ge [sflag:s5], $0x1800  }
0x59: {  	[sflag:s5] =	ssyncset.done $0x0  }
0x5a: {  	s4 =	simm.s32 $0x450;
	[sflag:s5] =	ssyncadd.s32 $0xFFFFE800  }
0x5b: {  	[tilespmem:s17], [sflag:$0x4] =	stream.indirect.gather [hbm4b:s3+s14], $0x40, s4, s14, $0xb8;
	[tilespmem:$0x13400] =	vst v63  }
0x5c: {  	_ =	swait.ge [sflag:s9], $0x1A00  }
0x5d: {  	[sflag:s9] =	ssyncset.done $0x0  }
0x5e: {  	s4 =	simm.s32 $0x4B0;
	[sflag:s9] =	ssyncadd.s32 $0xFFFFE600  }
0x5f: {  	[tilespmem:s19], [sflag:$0x5] =	stream.indirect.gather [hbm4b:s3+s12], $0x40, s4, s12, $0xb8;
	[tilespmem:$0x13400] =	vst v63  }
0x60: {  	_ =	swait.ge [sflag:s11], $0x1800  }
0x61: {  	[sflag:s11] =	ssyncset.done $0x0  }
0x62: {  	s4 =	simm.s32 $0x518;
	[sflag:s11] =	ssyncadd.s32 $0xFFFFE800  }
0x63: {  	[tilespmem:s21], [sflag:$0x6] =	stream.indirect.gather [hbm4b:s3+s14], $0x40, s4, s14, $0xb8;
	[tilespmem:$0x13400] =	vst v63  }
0x64: {  	_ =	swait.ge [sflag:s6], $0x1A00  }
0x65: {  	[sflag:s6] =	ssyncset.done $0x0  }
0x66: {  	s4 =	simm.s32 $0x578;
	[sflag:s6] =	ssyncadd.s32 $0xFFFFE600  }
0x67: {  	[tilespmem:s23], [sflag:$0x7] =	stream.indirect.gather [hbm4b:s3+s12], $0x40, s4, s12, $0xb8;
	[tilespmem:$0x13400] =	vst v63  }
0x68: {  	_ =	swait.ge [sflag:s7], $0x1800  }
0x69: {  	[sflag:s7] =	ssyncset.done $0x0  }
0x6a: {  	s4 =	simm.s32 $0x5E0;
	[sflag:s7] =	ssyncadd.s32 $0xFFFFE800  }
0x6b: {  	[tilespmem:s8], [sflag:$0x8] =	stream.indirect.gather [hbm4b:s3+s14], $0x40, s4, s14, $0xb8;
	[tilespmem:$0x13400] =	vst v63  }
0x6c: {  	_ =	swait.ge [sflag:s29], $0x1A00  }
0x6d: {  	[sflag:s29] =	ssyncset.done $0x0  }
0x6e: {  	s8 =	rddreg [dreg:$0xa];
	[sflag:s29] =	ssyncadd.s32 $0xFFFFE600  }
0x6f: {  	[hbm4b:s8+s2] =	stream.linear.scatter [tilespmem:s10], [sflag:$0x9], $0x1A00, $0x38;
	[tilespmem:$0x13400] =	vst v63  }
0x70: {  	_ =	swait.ge [sflag:s30], $0x1800  }
0x71: {  	[sflag:s30] =	ssyncset.done $0x0  }
0x72: {  	s10 =	sadd.s32 $0x340, s8;
	[sflag:s30] =	ssyncadd.s32 $0xFFFFE800  }
0x73: {  	[hbm4b:s10+s2] =	stream.linear.scatter [tilespmem:s13], [sflag:$0xA], $0x1800, $0x38;
	[tilespmem:$0x13400] =	vst v63  }
0x74: {  	_ =	swait.ge [sflag:s31], $0x1A00  }
0x75: {  	[sflag:s31] =	ssyncset.done $0x0  }
0x76: {  	s13 =	sadd.s32 $0x640, s8;
	[sflag:s31] =	ssyncadd.s32 $0xFFFFE600  }
0x77: {  	[hbm4b:s13+s2] =	stream.linear.scatter [tilespmem:s15], [sflag:$0xB], $0x1A00, $0x38;
	[tilespmem:$0x13400] =	vst v63  }
0x78: {  	_ =	swait.ge [sflag:s1], $0x1800  }
0x79: {  	[sflag:s1] =	ssyncset.done $0x0  }
0x7a: {  	s15 =	sadd.s32 $0x980, s8;
	[sflag:s1] =	ssyncadd.s32 $0xFFFFE800  }
0x7b: {  	[hbm4b:s15+s2] =	stream.linear.scatter [tilespmem:s17], [sflag:$0xC], $0x1800, $0x38;
	[tilespmem:$0x13400] =	vst v63  }
0x7c: {  	_ =	swait.ge [sflag:s0], $0x1A00  }
0x7d: {  	[sflag:s0] =	ssyncset.done $0x0  }
0x7e: {  	s17 =	sadd.s32 $0xC80, s8;
	[sflag:s0] =	ssyncadd.s32 $0xFFFFE600  }
0x7f: {  	[hbm4b:s17+s2] =	stream.linear.scatter [tilespmem:s19], [sflag:$0xD], $0x1A00, $0x38;
	[tilespmem:$0x13400] =	vst v63  }
0x80: {  	_ =	swait.ge [sflag:s16], $0x1800  }
0x81: {  	[sflag:s16] =	ssyncset.done $0x0  }
0x82: {  	s19 =	sadd.s32 $0xFC0, s8;
	[sflag:s16] =	ssyncadd.s32 $0xFFFFE800  }
0x83: {  	[hbm4b:s19+s2] =	stream.linear.scatter [tilespmem:s21], [sflag:$0xE], $0x1800, $0x38;
	[tilespmem:$0x13400] =	vst v63  }
0x84: {  	_ =	swait.ge [sflag:s18], $0x1A00  }
0x85: {  	s4 =	simm.s32 $0xC80;
	[sflag:s18] =	ssyncset.done $0x0  }
0x86: {  	s29 =	sadd.s32 $0x12C0, s8;
	s10 =	sadd.s32 $0x1600, s8;
	[sflag:s18] =	ssyncadd.s32 $0xFFFFE600  }
0x87: {  	[hbm4b:s29+s2] =	stream.linear.scatter [tilespmem:s23], [sflag:$0xF], $0x1A00, $0x38;
	[tilespmem:$0x13400] =	vst v63  }
0x88: {  	s15 =	simm.s32 $0x6400;
	s17 =	simm.s32 $0x7E00;
	_ =	swait.ge [sflag:s20], $0x1800  }
0x89: {  	s8 =	sadd.s32 $0x1900, s8;
	s21 =	simm.s32 $0xB200;
	[sflag:s20] =	ssyncset.done $0x0  }
0x8a: {  	s19 =	simm.s32 $0x9800;
	s23 =	simm.s32 $0xCC00;
	[sflag:s20] =	ssyncadd.s32 $0xFFFFE800  }
.LBB2_2:
0x8b: {  	s29 =	simm.s32 $0x11A00  }
0x8c: {  	[hbm4b:s10+s2] =	stream.linear.scatter [tilespmem:s29], [sflag:$0x10], $0x1800, $0x38;
	[tilespmem:$0x13400] =	vst v63  }
0x8d: {  	s10 =	smov.u32 s4  }
0x8e: {  	p0 =	sne.s32 s4, $0x17700;
	s4 =	sadd.s32 $0xC80, s4;
	_ =	swait.ge [sflag:s22], $0x1A00  }
0x8f: {  	s10 =	sshra.s32 s10, $0x2;
	[sflag:s22] =	ssyncset.done $0x0  }
0x90: {  	s13 =	sadd.s32 $0x320, s10;
	[sflag:s22] =	ssyncadd.s32 $0xFFFFE600  }
0x91: {  	[tilespmem:s15], [sflag:$0x1] =	stream.indirect.gather [hbm4b:s3+s12], $0x40, s13, s12, $0xb8;
	[tilespmem:$0x13400] =	vst v63  }
0x92: {  	_ =	swait.ge [sflag:s24], $0x1800  }
0x93: {  	[sflag:s24] =	ssyncset.done $0x0  }
0x94: {  	s13 =	sadd.s32 $0x388, s10;
	[sflag:s24] =	ssyncadd.s32 $0xFFFFE800  }
0x95: {  	[tilespmem:s17], [sflag:$0x2] =	stream.indirect.gather [hbm4b:s3+s14], $0x40, s13, s14, $0xb8;
	[tilespmem:$0x13400] =	vst v63  }
0x96: {  	_ =	swait.ge [sflag:s26], $0x1A00  }
0x97: {  	[sflag:s26] =	ssyncset.done $0x0  }
0x98: {  	s13 =	sadd.s32 $0x3E8, s10;
	[sflag:s26] =	ssyncadd.s32 $0xFFFFE600  }
0x99: {  	[tilespmem:s19], [sflag:$0x3] =	stream.indirect.gather [hbm4b:s3+s12], $0x40, s13, s12, $0xb8;
	[tilespmem:$0x13400] =	vst v63  }
0x9a: {  	_ =	swait.ge [sflag:s5], $0x1800  }
0x9b: {  	[sflag:s5] =	ssyncset.done $0x0  }
0x9c: {  	s13 =	sadd.s32 $0x450, s10;
	[sflag:s5] =	ssyncadd.s32 $0xFFFFE800  }
0x9d: {  	[tilespmem:s21], [sflag:$0x4] =	stream.indirect.gather [hbm4b:s3+s14], $0x40, s13, s14, $0xb8;
	[tilespmem:$0x13400] =	vst v63  }
0x9e: {  	_ =	swait.ge [sflag:s9], $0x1A00  }
0x9f: {  	[sflag:s9] =	ssyncset.done $0x0  }
0xa0: {  	s13 =	sadd.s32 $0x4B0, s10;
	[sflag:s9] =	ssyncadd.s32 $0xFFFFE600  }
0xa1: {  	[tilespmem:s23], [sflag:$0x5] =	stream.indirect.gather [hbm4b:s3+s12], $0x40, s13, s12, $0xb8;
	[tilespmem:$0x13400] =	vst v63  }
0xa2: {  	_ =	swait.ge [sflag:s11], $0x1800  }
0xa3: {  	[sflag:s11] =	ssyncset.done $0x0  }
0xa4: {  	s13 =	sadd.s32 $0x518, s10;
	[sflag:s11] =	ssyncadd.s32 $0xFFFFE800  }
0xa5: {  	[tilespmem:s25], [sflag:$0x6] =	stream.indirect.gather [hbm4b:s3+s14], $0x40, s13, s14, $0xb8;
	[tilespmem:$0x13400] =	vst v63  }
0xa6: {  	_ =	swait.ge [sflag:s6], $0x1A00  }
0xa7: {  	[sflag:s6] =	ssyncset.done $0x0  }
0xa8: {  	s13 =	sadd.s32 $0x578, s10;
	[sflag:s6] =	ssyncadd.s32 $0xFFFFE600  }
0xa9: {  	[tilespmem:s28], [sflag:$0x7] =	stream.indirect.gather [hbm4b:s3+s12], $0x40, s13, s12, $0xb8;
	[tilespmem:$0x13400] =	vst v63  }
0xaa: {  	_ =	swait.ge [sflag:s7], $0x1800  }
0xab: {  	[sflag:s7] =	ssyncset.done $0x0  }
0xac: {  	s10 =	sadd.s32 $0x5E0, s10;
	[sflag:s7] =	ssyncadd.s32 $0xFFFFE800  }
0xad: {  	[tilespmem:s29], [sflag:$0x8] =	stream.indirect.gather [hbm4b:s3+s14], $0x40, s10, s14, $0xb8;
	[tilespmem:$0x13400] =	vst v63  }
0xae: {  	s13 =	simm.s32 $0x11A00;
	s29 =	simm.s32 $0x1  }
0xaf: {  	_ =	swait.ge [sflag:s29], $0x1A00  }
0xb0: {  	[sflag:s29] =	ssyncset.done $0x0  }
0xb1: {  	[sflag:s29] =	ssyncadd.s32 $0xFFFFE600  }
0xb2: {  	[hbm4b:s8+s2] =	stream.linear.scatter [tilespmem:s15], [sflag:$0x9], $0x1A00, $0x38;
	[tilespmem:$0x13400] =	vst v63  }
0xb3: {  	_ =	swait.ge [sflag:s30], $0x1800  }
0xb4: {  	[sflag:s30] =	ssyncset.done $0x0  }
0xb5: {  	s10 =	sadd.s32 $0x340, s8;
	[sflag:s30] =	ssyncadd.s32 $0xFFFFE800  }
0xb6: {  	[hbm4b:s10+s2] =	stream.linear.scatter [tilespmem:s17], [sflag:$0xA], $0x1800, $0x38;
	[tilespmem:$0x13400] =	vst v63  }
0xb7: {  	_ =	swait.ge [sflag:s31], $0x1A00  }
0xb8: {  	[sflag:s31] =	ssyncset.done $0x0  }
0xb9: {  	s10 =	sadd.s32 $0x640, s8;
	[sflag:s31] =	ssyncadd.s32 $0xFFFFE600  }
0xba: {  	[hbm4b:s10+s2] =	stream.linear.scatter [tilespmem:s19], [sflag:$0xB], $0x1A00, $0x38;
	[tilespmem:$0x13400] =	vst v63  }
0xbb: {  	_ =	swait.ge [sflag:s1], $0x1800  }
0xbc: {  	[sflag:s1] =	ssyncset.done $0x0  }
0xbd: {  	s10 =	sadd.s32 $0x980, s8;
	[sflag:s1] =	ssyncadd.s32 $0xFFFFE800  }
0xbe: {  	[hbm4b:s10+s2] =	stream.linear.scatter [tilespmem:s21], [sflag:$0xC], $0x1800, $0x38;
	[tilespmem:$0x13400] =	vst v63  }
0xbf: {  	_ =	swait.ge [sflag:s0], $0x1A00  }
0xc0: {  	[sflag:s0] =	ssyncset.done $0x0  }
0xc1: {  	s10 =	sadd.s32 $0xC80, s8;
	[sflag:s0] =	ssyncadd.s32 $0xFFFFE600  }
0xc2: {  	[hbm4b:s10+s2] =	stream.linear.scatter [tilespmem:s23], [sflag:$0xD], $0x1A00, $0x38;
	[tilespmem:$0x13400] =	vst v63  }
0xc3: {  	_ =	swait.ge [sflag:s16], $0x1800  }
0xc4: {  	[sflag:s16] =	ssyncset.done $0x0  }
0xc5: {  	s10 =	sadd.s32 $0xFC0, s8;
	[sflag:s16] =	ssyncadd.s32 $0xFFFFE800  }
0xc6: {  	[hbm4b:s10+s2] =	stream.linear.scatter [tilespmem:s25], [sflag:$0xE], $0x1800, $0x38;
	[tilespmem:$0x13400] =	vst v63  }
0xc7: {  	_ =	swait.ge [sflag:s18], $0x1A00  }
0xc8: {  	[sflag:s18] =	ssyncset.done $0x0  }
.Ltmp0:
0xc9: {  	s10 =	sadd.s32 $0x12C0, s8;
	[sflag:s18] =	ssyncadd.s32 $0xFFFFE600;
	(pc) =	sbr.rel @p0 .LBB2_2-.Ltmp0, $4  }
0xca: {  	[hbm4b:s10+s2] =	stream.linear.scatter [tilespmem:s28], [sflag:$0xF], $0x1A00, $0x38;
	[tilespmem:$0x13400] =	vst v63  }
0xcb: {  	_ =	swait.ge [sflag:s20], $0x1800  }
0xcc: {  	[sflag:s20] =	ssyncset.done $0x0  }
0xcd: {  	s10 =	sadd.s32 $0x1600, s8;
	s8 =	sadd.s32 $0x1900, s8;
	[sflag:s20] =	ssyncadd.s32 $0xFFFFE800  }
0xce: {  	[hbm4b:s10+s2] =	stream.linear.scatter [tilespmem:s13], [sflag:$0x10], $0x1800, $0x38;
	[tilespmem:$0x13400] =	vst v63  }
0xcf: {  	_ =	swait.ge [sflag:s22], $0x1A00  }
0xd0: {  	[sflag:s22] =	ssyncset.done $0x0  }
0xd1: {  	[sflag:s22] =	ssyncadd.s32 $0xFFFFE600  }
0xd2: {  	_ =	swait.ge [sflag:s24], $0x1800  }
0xd3: {  	[sflag:s24] =	ssyncset.done $0x0  }
0xd4: {  	[sflag:s24] =	ssyncadd.s32 $0xFFFFE800  }
0xd5: {  	_ =	swait.ge [sflag:s26], $0x1A00  }
0xd6: {  	[sflag:s26] =	ssyncset.done $0x0  }
0xd7: {  	[sflag:s26] =	ssyncadd.s32 $0xFFFFE600  }
0xd8: {  	_ =	swait.ge [sflag:s5], $0x1800  }
0xd9: {  	[sflag:s5] =	ssyncset.done $0x0  }
0xda: {  	[sflag:s5] =	ssyncadd.s32 $0xFFFFE800  }
0xdb: {  	_ =	swait.ge [sflag:s9], $0x1A00  }
0xdc: {  	[sflag:s9] =	ssyncset.done $0x0  }
0xdd: {  	[sflag:s9] =	ssyncadd.s32 $0xFFFFE600  }
0xde: {  	_ =	swait.ge [sflag:s11], $0x1800  }
0xdf: {  	[sflag:s11] =	ssyncset.done $0x0  }
0xe0: {  	[sflag:s11] =	ssyncadd.s32 $0xFFFFE800  }
0xe1: {  	_ =	swait.ge [sflag:s6], $0x1A00  }
0xe2: {  	[sflag:s6] =	ssyncset.done $0x0  }
0xe3: {  	[sflag:s6] =	ssyncadd.s32 $0xFFFFE600  }
0xe4: {  	_ =	swait.ge [sflag:s7], $0x1800  }
0xe5: {  	s8 =	rddreg [dreg:$0xb]  }
0xe6: {  	s4 =	rddreg [dreg:$0x9];
	s8 =	sadd.s32 $0x1, s8  }
0xe7: {  	p0 =	sne.s32 s8, s4  }
.Ltmp1:
0xe8: {  	_ = 	snop;
	(pc) =	sbr.rel @p0 .LBB2_1-.Ltmp1, $4  }
0xe9: {  	_ = 	snop  }
0xea: {  	s10 =	simm.s32 $0x6400;
	s13 =	simm.s32 $0x7E00;
	s15 =	simm.s32 $0x9800  }
0xeb: {  	s17 =	simm.s32 $0xB200;
	s19 =	simm.s32 $0xCC00;
	[sflag:s7] =	ssyncset.done $0x0  }
0xec: {  	s21 =	simm.s32 $0xE600;
	s23 =	simm.s32 $0x10000;
	[sflag:s7] =	ssyncadd.s32 $0xFFFFE800  }
0xed: {  	_ =	sfence.sel $0x180000  }
0xee: {  	[bflag:$0x0] =	sbarrier.arrive $0xFFFF  }
0xef: {  	_ =	strace $0x90000047  }
0xf0: {  	s0 =	stileid.u32;
	[bflag:$0x2] =	sbarrier.arrive $0xFFFF  }
0xf1: {  	p0 =	sne.s32 s0, $0x0;
	s0 =	rddreg [dreg:$0x3]  }
0xf2: {  	s0 =	sadd.s32 @!p0 $0x100000, s0  }
0xf3: {  	[sflag:s0] =	ssyncadd.tile.s32 @!p0 $0x1;
	_ =	shalt  }
.Lfunc_end2:
_tile_overlayer_lowered:
.L_overlay_start_2:
0xf4: {  	(tag) =	ssettag $0x2  }
0xf5: {  	s0 =	rddreg [dreg:$0x0];
	s2 =	stileid.u32  }
0xf6: {  	s1 =	rddreg [dreg:$0x1];
	p0 =	sne.s32 s2, $0x0  }
0xf7: {  	s3 =	rddreg [dreg:$0x2];
	[bflag:$0x3] =	sbarrier.arrive $0xFFFF;
	s2 =	simm.s32 @!p0 $0x1C11  }
0xf8: {  	[timem:s3], [sflag:s2] =	dma.local @!p0 [hbm:s0], s1  }
0xf9: {  	s0 =	simm.s32 @!p0 $0x11  }
0xfa: {  	_ =	swait.ge @!p0 [sflag:s0], s1  }
0xfb: {  	s1 =	ssub.s32 @!p0 $0x0, s1;
	[sflag:s0] =	ssyncset.done @!p0 $0x0  }
0xfc: {  	[sflag:s0] =	ssyncadd.s32 @!p0 s1  }
0xfd: {  	[bflag:$0x3] =	sbarrier.arrive $0xFFFF  }
0xfe: {  	_ =	shalt  }

// kernel: sparse-core-data-format-call.cloned.1.call-start
scs
called_computation_lowered:
.L_overlay_start_0:
0x0: {  	s2 =	sld [smem:$0x3FD9]  }
0x1: {  	s3 =	sld [smem:$0x3FFE];
	_ =	sdelay $0x1  }
0x2: {  	s1 =	srdreg.scid  }
0x3: {  	s0 =	sand.u32 $0x1, s1  }
0x4: {  	s18 =	sshll.u32 s0, $0xA;
	s2 =	sadd.s32 s3, s2  }
0x5: {  	s2 =	sadd.s32 s2, s18  }
0x6: {  	[smem:$0x3FC6] =	sst s2  }
0x7: {  	_ = 	snop  }
0x8: {  	s2 =	sld [smem:$0x3FD0];
	(tm) =	ssettm $0x1  }
0x9: {  	s19 =	sld [smem:$0x3FFB];
	_ =	sdelay $0x3  }
0xa: {  	_ =	strace s19  }
0xb: {  	s3 =	sld [smem:$0x3FFC];
	_ =	sdelay $0x3  }
0xc: {  	_ =	strace s3  }
0xd: {  	s3 =	sld [smem:$0x3FFD];
	_ =	sdelay $0x3  }
0xe: {  	_ =	strace s3  }
0xf: {  	_ =	strace $0x8FFFFFFF  }
0x10: {  	s20 =	sld [smem:$0x3FDB];
	_ =	sdelay $0x1  }
0x11: {  	s4 =	simm.s32 $_scs_section_size  }
0x12: {  	s5 =	simm.s32 $_size__tile_overlayer_lowered;
	s6 =	simm.s32 $_tile_overlayer_lowered  }
0x13: {  	s23 =	simm.s32 $0x1BFF;
	s22 =	sshll.u32 s6, $0x1;
	s3 =	sadd.s32 s4, s20  }
0x14: {  	s7 =	simm.s32 $0x0;
	s21 =	sshll.u32 s5, $0x1;
	s5 =	sadd.s32 s22, s3  }
0x15: {  	[timem:s7], [sflag:s23] =	dma.local [hbm:s5], s21  }
0x16: {  	_ =	swait.ge [sflag:s23], s21  }
0x17: {  	s4 =	ssub.s32 $0x0, s21;
	[sflag:s23] =	ssyncset.done $0x0  }
0x18: {  	[sflag:s23] =	ssyncadd.s32 s4;
	_ =	sdelay $0x1  }
0x19: {  	s24 =	simm.s32 $0x1B8B  }
0x1a: {  	_ =	swait.ge [sflag:s24], $0x1  }
0x1b: {  	[sflag:s24] =	ssyncset.done $0x0  }
0x1c: {  	s26 =	simm.s32 $0x1B8E;
	s25 =	sld [smem:$0x3FFE];
	[sflag:s24] =	ssyncadd.s32 $0xFFFFFFFF  }
0x1d: {  	s27 =	simm.s32 $execute0_lowered;
	[smem:$0x3FD2] =	sst s26  }
0x1e: {  	s5 =	sshll.u32 s27, $0x1;
	_ =	strace $0x80000049;
	[dreg:$0x1] =	wrdreg $0xFFFFFFFF  }
0x1f: {  	s28 =	simm.s32 $_size_execute0_lowered;
	s3 =	sadd.s32 s3, s5;
	[dreg:$0x0] =	wrdreg $0x0  }
0x20: {  	s5 =	sshll.u32 s28, $0x1;
	[dreg:$0x2] =	wrdreg s3  }
0x21: {  	[dreg:$0x3] =	wrdreg s5  }
0x22: {  	[dreg:$0x4] =	wrdreg $0xC0  }
0x23: {  	_ =	task [dreg:s7], $0x5FFFF  }
0x24: {  	[dreg:$0x1] =	wrdreg $0xFFFFFFFF  }
0x25: {  	[dreg:$0x0] =	wrdreg $0x60  }
0x26: {  	[dreg:$0x2] =	wrdreg s25  }
0x27: {  	[dreg:$0x3] =	wrdreg s2  }
0x28: {  	[dreg:$0x4] =	wrdreg $0x9  }
0x29: {  	_ =	task.clear_ibuf [dreg:s7], $0x5FFFF;
	_ =	strace $0x90000049  }
0x2a: {  	s29 =	simm.s32 $0x9;
	_ =	strace $0x8000004B  }
0x2b: {  	_ =	swait.ge [sflag:s29], $0x1  }
0x2c: {  	[sflag:s29] =	ssyncadd.s32 $0xFFFFFFFF  }
0x2d: {  	_ =	strace $0x9000004B  }
0x2e: {  	_ =	sfence  }
0x2f: {  	s30 =	sld [smem:$0x0];
	_ =	sdelay $0x2  }
0x30: {  	s31 =	sshll.u32 s1, $0xD;
	s1 =	sshrl.u32 s1, $0x2  }
0x31: {  	s3 =	sand.u32 $0x4000, s31;
	s1 =	sadd.s32 s1, s30  }
0x32: {  	s0 =	sor.u32 s3, s0;
	s1 =	sshll.u32 s1, $0x11  }
0x33: {  	s0 =	sor.u32 s1, s0  }
0x34: {  	s0 =	sadd.s32 $0x8F2B, s0  }
0x35: {  	[sflag:s0] =	ssyncadd.remote.s32 $0x1  }
0x36: {  	_ =	sfence.sel $0xFFFF  }
0x37: {  	[dreg:$0x0] =	wrdreg $0xFFFFFFFF;
	(pc) =	sbr.abs _section_cstart, $3  }
0x38: {  	[dreg:$0x1] =	wrdreg $0xFFFFFFFF  }
0x39: {  	_ =	task.clear_ibuf [dreg:s7], $0x2FFFF;
	_ =	strace $0x9FFFFFFF  }
0x3a: {  	(tm) =	ssettm $0x7FFFFFFF  }
0x3b: {  	_ =	shalt  }
tec
execute0_lowered:
.L_overlay_start_1:
0x0: {  	(tag) =	ssettag $0x1  }
0x1: {  	s0 =	srdreg.scid  }
0x2: {  	s1 =	sshll.u32 s0, $0x4  }
0x3: {  	s0 =	stileid.u32;
	s1 =	sand.u32 $0x10, s1  }
0x4: {  	s1 =	sor.u32 s0, s1  }
0x5: {  	s6 =	rddreg [dreg:$0x0];
	s4 =	simm.s32 $0x1;
	s2 =	sshll.u32 s1, $0x7  }
0x6: {  	s7 =	simm.s32 $0x2;
	s12 =	simm.s32 $0x0;
	s1 =	ssub.s32 $0x1000, s2  }
0x7: {  	s8 =	simm.s32 $0x8000;
	s13 =	simm.s32 $0x0;
	s3 =	sand.u32 $0xF80, s1  }
0x8: {  	s9 =	simm.s32 $0x0;
	s5 =	sshrl.u32 s1, $0xC;
	p0 =	sne.s32 s3, $0x0  }
.Ltmp0:
0x9: {  	s1 =	rddreg [dreg:$0x2];
	s4 =	simm.s32 @!p0 $0x0;
	(pc) =	sbr.rel .LBB1_1-.Ltmp0, $4  }
0xa: {  	s11 =	simm.s32 $0x0;
	s3 =	rddreg [dreg:$0x1];
	s5 =	sadd.s32 s4, s5  }
0xb: {  	_ =	strace $0x8000004A;
	s4 =	simm.s32 $0x1;
	s5 =	smul.u32 $0xC8, s5  }
0xc: {  	s6 =	sadd.s32 $0x800, s6;
	s10 =	smov.u32 s2;
	[sflag:s4] =	ssyncpa.u1 $0x0  }
0xd: {  	p0 =	por $0x0, $0x0;
	[sflag:s7] =	ssyncpa.u1 $0x0;
	s7 =	sor.u32 $0x1, s5  }
.LBB1_4:
0xe: {  	s16 =	sshll.u32 s13, $0x3;
	s17 =	sand.u32 $0x78, s13  }
0xf: {  	s30 =	sand.u32 $0x7E00, s13;
	s12 =	sshll.u32 s12, $0xF;
	s16 =	sand.u32 $0xC00, s16  }
0x10: {  	[tilespmem:s15+$0x810 ss:$0x81] =	vst.msk $0xffff, v2;
	s31 =	sand.u32 $0x7, s13;
	s16 =	sor.u32 s17, s16;
	s17 =	sadd.s32 s3, s30  }
0x11: {  	[tilespmem:s15+$0x1020 ss:$0x81] =	vst.msk $0xffff, v0;
	s13 =	sshll.u32 s31, $0x12;
	s12 =	sadd.s32 s12, s17;
	s16 =	sshrl.u32 s16, $0x3  }
0x12: {  	[tilespmem:s15+$0x0 ss:$0x81] =	vst.msk $0xffff, v1;
	s13 =	sor.u32 $0x400, s13;
	s12 =	sadd.s32 s16, s12  }
0x13: {  	[hbm4b:s12+s13] =	stream.strided.scatter [tilespmem:s14], [sflag:$0x2], $0x2000, s8, s13, $0x20;
	[tilespmem:$0x8080] =	vst v63  }
.LBB1_5:
0x14: {  	s14 =	sadd.s32 $0x1, s9  }
0x15: {  	s12 =	sadd.s32 $0x1000, s10;
	s16 =	smov.u32 s10;
	p2 =	sgt.s32 s14, $0xC7  }
0x16: {  	s16 =	smov.u32 @p2 s12  }
0x17: {  	s14 =	simm.s32 @p2 $0x0;
	p2 =	sgt.s32 s16, $0xFFF  }
0x18: {  	s16 =	smov.u32 @p2 s2;
	p2 =	sne.s32 s11, s7  }
.Ltmp1:
0x19: {  	p1 =	slt.u32 s11, $0x2;
	(pc) =	sbr.rel @!p2 .LBB1_6-.Ltmp1, $4  }
0x1a: {  	s15 =	simm.s32 @!p1 $0x2  }
0x1b: {  	s13 =	smov.u32 s10;
	p0 =	por !p0, !p0;
	_ =	swait.ge @!p1 [sflag:s15], $0x2000  }
0x1c: {  	s12 =	smov.u32 s9;
	[sflag:s15] =	ssyncset.done @!p1 $0x0;
	s9 =	smov.u32 s14  }
0x1d: {  	s11 =	sadd.s32 $0x1, s11;
	[sflag:s15] =	ssyncadd.s32 @!p1 $0xFFFFE000;
	s10 =	smov.u32 s16  }
.LBB1_1:
0x1e: {  	p1 =	sge.u32 s11, s5  }
0x1f: {  	s14 =	sand.u32 @!p1 $0x1FFFFFF, s9  }
0x20: {  	s15 =	smulhi.u32 @!p1 $0x147AE15, s14;
	_ =	sdelay $0x1  }
0x21: {  	s15 =	smul.u32 @!p1 $0xC8, s15  }
0x22: {  	s16 =	sxor.u32 @!p1 $0xFFFFFFFF, s11;
	s17 =	smul.u32 @!p1 $0xC80, s10  }
0x23: {  	s31 =	sadd.s32 $0xFFFFFFFF, s11;
	s16 =	sshll.u32 @!p1 s16, $0xD;
	s14 =	ssub.s32 @!p1 s14, s15  }
0x24: {  	s15 =	sand.u32 @!p1 $0x2000, s16;
	s16 =	sadd.s32 @!p1 s6, s17;
	s14 =	sshll.u32 @!p1 s14, $0x4  }
0x25: {  	s17 =	simm.s32 @!p1 $0x6400;
	s14 =	sadd.s32 @!p1 s14, s16;
	s16 =	simm.s32 @!p1 $0x40  }
0x26: {  	[tilespmem:s15], [sflag:$0x1] =	stream.strided.gather @!p1 [hbm4b:s14+s16], $0x2000, s17, s16, $0x38;
	[tilespmem:$0x8080] =	vst v63  }
0x27: {  	p1 =	sge.u32 s31, s5  }
.Ltmp2:
0x28: {  	_ = 	snop;
	(pc) =	sbr.rel @p1 .LBB1_5-.Ltmp2, $1  }
0x29: {  	_ =	sdelay $0x3  }
0x2a: {  	s14 =	simm.s32 $0x1  }
0x2b: {  	_ =	swait.ge [sflag:s4], $0x2000;
	s14 =	simm.s32 @!p0 $0x0  }
0x2c: {  	[sflag:s4] =	ssyncset.done $0x0;
	s15 =	sshll.u32 s14, $0xD  }
0x2d: {  	[sflag:s4] =	ssyncadd.s32 $0xFFFFE000;
	s18 =	sor.u32 $0x20, s15  }
0x2e: {  	s14 =	smul.u32 $0x8100, s14;
	v3 =	vld [tilespmem:s18+$0x10]  }
0x2f: {  	s30 =	sand.u32 $0x1, s11;
	v2 =	vld [tilespmem:s18+$0xFFFFFFF0]  }
0x30: {  	s15 =	smul.u32 $0x8100, s30;
	s14 =	sshrl.u32 s14, $0x2;
	v0 =	vld [tilespmem:s18+$0x0]  }
0x31: {  	v1 =	vld [tilespmem:s18+$0xFFFFFFE0];
	s16 =	sor.u32 $0x4000, s14  }
0x32: {  	s31 =	sshrl.u32 s15, $0x2;
	s15 =	sadd.s32 $0x0, s16  }
0x33: {  	s17 =	simm.s32 $0x4;
	s18 =	sadd.s32 $0x40, s18;
	s14 =	sor.u32 $0x4000, s31;
	[tilespmem:s15+$0x1830 ss:$0x81] =	vst.msk $0xffff, v3  }
.LBB1_3:
0x34: {  	v3 =	vld [tilespmem:s18+$0x10];
	p1 =	sne.s32 s17, $0x1FC;
	[tilespmem:s15+$0x810 ss:$0x81] =	vst.msk $0xffff, v2;
	s19 =	smov.u32 s17;
	s17 =	sadd.s32 $0x4, s17  }
.Ltmp3:
0x35: {  	v2 =	vld [tilespmem:s18+$0xFFFFFFF0];
	[tilespmem:s15+$0x1020 ss:$0x81] =	vst.msk $0xffff, v0;
	(pc) =	sbr.rel @p1 .LBB1_3-.Ltmp3, $4  }
0x36: {  	v0 =	vld [tilespmem:s18+$0x0];
	[tilespmem:s15+$0x0 ss:$0x81] =	vst.msk $0xffff, v1  }
0x37: {  	s15 =	sshra.s32 s19, $0x2;
	v1 =	vld [tilespmem:s18+$0xFFFFFFE0]  }
0x38: {  	s15 =	sadd.s32 s15, s16  }
0x39: {  	s18 =	sadd.s32 $0x40, s18;
	[tilespmem:s15+$0x1830 ss:$0x81] =	vst.msk $0xffff, v3  }
.Ltmp4:
0x3a: {  	_ = 	snop;
	(pc) =	sbr.rel .LBB1_4-.Ltmp4, $1  }
0x3b: {  	_ =	sdelay $0x3  }
.LBB1_6:
0x3c: {  	_ =	sfence.sel $0x180000  }
0x3d: {  	s2 =	simm.s32 $0x1;
	[bflag:$0x0] =	sbarrier.arrive $0xFFFF  }
0x3e: {  	s31 =	simm.s32 $0x2;
	[sflag:s2] =	ssyncpa.u1 $0x1  }
0x3f: {  	[sflag:s31] =	ssyncpa.u1 $0x1  }
0x40: {  	p0 =	sne.s32 s0, $0x0;
	_ =	strace $0x9000004A  }
0x41: {  	s0 =	sadd.s32 @!p0 $0x100000, s1;
	[bflag:$0x2] =	sbarrier.arrive $0xFFFF  }
0x42: {  	[sflag:s0] =	ssyncadd.tile.s32 @!p0 $0x1;
	_ =	shalt  }
.Lfunc_end1:
_tile_overlayer_lowered:
.L_overlay_start_2:
0x43: {  	(tag) =	ssettag $0x2  }
0x44: {  	s0 =	rddreg [dreg:$0x0];
	s2 =	stileid.u32  }
0x45: {  	s1 =	rddreg [dreg:$0x1];
	p0 =	sne.s32 s2, $0x0  }
0x46: {  	s3 =	rddreg [dreg:$0x2];
	[bflag:$0x3] =	sbarrier.arrive $0xFFFF;
	s2 =	simm.s32 @!p0 $0x1C01  }
0x47: {  	[timem:s3], [sflag:s2] =	dma.local @!p0 [hbm:s0], s1  }
0x48: {  	s0 =	simm.s32 @!p0 $0x1  }
0x49: {  	_ =	swait.ge @!p0 [sflag:s0], s1  }
0x4a: {  	s1 =	ssub.s32 @!p0 $0x0, s1;
	[sflag:s0] =	ssyncset.done @!p0 $0x0  }
0x4b: {  	[sflag:s0] =	ssyncadd.s32 @!p0 s1  }
0x4c: {  	[bflag:$0x3] =	sbarrier.arrive $0xFFFF  }
0x4d: {  	_ =	shalt  }

</sc_bundles>
